<compile_context>
chip_gen: v7x
topology: tpu7x:2x2x1
jax: 0.10.2.dev20260603
libtpu: 0.0.44.dev20260713+nightly
codegen_flags: <defaults>
</compile_context>

<pallas_src>
import functools

import jax
import jax.numpy as jnp
from jax import lax
from jax.experimental import pallas as pl
from jax.experimental.pallas import tpu as pltpu
from jax.experimental.pallas import tpu_sc as plsc

N = 10000
E = 320000
F = 128
C = 40
CP = 48
R = 10240
NC = 2
NS = 16
NW = NC * NS
B = 128
KCH = 80
EPW = KCH * B
NB = 5
ROWS_PT = R // NS
RB = 1024
GRID = R // RB

_mesh = plsc.VectorSubcoreMesh(core_axis_name="c", subcore_axis_name="s")
_sc_params = pltpu.CompilerParams(use_tc_tiling_on_sc=False)


@functools.partial(
    pl.kernel,
    out_type=jax.ShapeDtypeStruct((NC, R, 8), jnp.float32),
    mesh=_mesh,
    scratch_types=[
        pltpu.VMEM_SHARED((R, 8), jnp.float32),
        pltpu.VMEM((ROWS_PT, 8), jnp.float32),
        pltpu.VMEM((KCH, B), jnp.int32),
        pltpu.VMEM((B, 8), jnp.float32),
    ],
    compiler_params=_sc_params,
)
def _deg_kernel(dst_hbm, zeros_hbm, ones_hbm, out_hbm, acc, zbuf, didx, ones_v):
    c = lax.axis_index("c")
    s = lax.axis_index("s")
    wid = c * NS + s
    pltpu.sync_copy(zeros_hbm, zbuf)
    pltpu.sync_copy(zbuf, acc.at[pl.ds(s * ROWS_PT, ROWS_PT)])
    pltpu.sync_copy(ones_hbm, ones_v)
    pltpu.sync_copy(dst_hbm.at[wid], didx)
    plsc.subcore_barrier()

    def body(j, carry):
        pltpu.sync_copy(ones_v, acc.at[didx.at[j]], add=True)
        return carry

    lax.fori_loop(0, KCH, body, 0)
    plsc.subcore_barrier()
    pltpu.sync_copy(acc.at[pl.ds(s * ROWS_PT, ROWS_PT)],
                    out_hbm.at[c, pl.ds(s * ROWS_PT, ROWS_PT)])


@functools.partial(
    pl.kernel,
    out_type=jax.ShapeDtypeStruct((NC, R, CP), jnp.float32),
    mesh=_mesh,
    scratch_types=[
        pltpu.VMEM_SHARED((R, CP), jnp.float32),
        pltpu.VMEM((KCH, B), jnp.int32),
        pltpu.VMEM((KCH, B), jnp.int32),
        pltpu.VMEM((2 * NB, B, CP), jnp.float32),
        pltpu.SemaphoreType.DMA,
        pltpu.SemaphoreType.DMA,
    ],
    compiler_params=_sc_params,
)
def _prop_kernel(y_hbm, src_hbm, dst_hbm, zeros_hbm, out_hbm,
                 acc, sidx, didx, rows, gsem, ssem):
    c = lax.axis_index("c")
    s = lax.axis_index("s")
    wid = c * NS + s
    pltpu.sync_copy(zeros_hbm, rows.at[0])
    for t in range(ROWS_PT // B):
        pltpu.sync_copy(rows.at[0], acc.at[pl.ds(s * ROWS_PT + t * B, B)])
    pltpu.sync_copy(src_hbm.at[wid], sidx)
    pltpu.sync_copy(dst_hbm.at[wid], didx)
    plsc.subcore_barrier()

    for bb in range(NB):
        pltpu.async_copy(y_hbm.at[sidx.at[bb]], rows.at[bb], gsem)

    def round_body(r, carry):
        g = r % 2
        base = g * NB
        nbase = (1 - g) * NB
        for bb in range(NB):
            j = r * NB + bb
            pltpu.make_async_copy(y_hbm.at[sidx.at[j]], rows.at[base + bb],
                                  gsem).wait()
        for bb in range(NB):
            j = r * NB + bb
            pltpu.async_copy(rows.at[base + bb], acc.at[didx.at[j]], ssem,
                             add=True)
        for bb in range(NB):
            jn = (r + 1) * NB + bb

            @pl.when(jn < KCH)
            def _start():
                pltpu.async_copy(y_hbm.at[sidx.at[jn]], rows.at[nbase + bb],
                                 gsem)
        for bb in range(NB):
            j = r * NB + bb
            pltpu.make_async_copy(rows.at[base + bb], acc.at[didx.at[j]],
                                  ssem).wait()
        return carry

    lax.fori_loop(0, KCH // NB, round_body, 0)
    plsc.subcore_barrier()
    pltpu.sync_copy(acc.at[pl.ds(s * ROWS_PT, ROWS_PT)],
                    out_hbm.at[c, pl.ds(s * ROWS_PT, ROWS_PT)])


def _tc1_body(x_ref, w_ref, deg_ref, y1_ref, norm_ref):
    d = deg_ref[0, :, :1] + deg_ref[1, :, :1]
    norm = jnp.where(d > 0.0, lax.rsqrt(jnp.maximum(d, 1.0)), 0.0)
    norm_ref[...] = norm
    y1_ref[...] = jnp.dot(x_ref[...], w_ref[...],
                          preferred_element_type=jnp.float32) * norm


_tc1 = pl.pallas_call(
    _tc1_body,
    grid=(GRID,),
    in_specs=[
        pl.BlockSpec((RB, F), lambda i: (i, 0)),
        pl.BlockSpec((F, CP), lambda i: (0, 0)),
        pl.BlockSpec((2, RB, 8), lambda i: (0, i, 0)),
    ],
    out_specs=[
        pl.BlockSpec((RB, CP), lambda i: (i, 0)),
        pl.BlockSpec((RB, 1), lambda i: (i, 0)),
    ],
    out_shape=[
        jax.ShapeDtypeStruct((R, CP), jnp.float32),
        jax.ShapeDtypeStruct((R, 1), jnp.float32),
    ],
)


def _tc2_body(z_ref, norm_ref, y2_ref):
    n = norm_ref[...]
    y2_ref[...] = (z_ref[0] + z_ref[1]) * (n * n)


_tc2 = pl.pallas_call(
    _tc2_body,
    grid=(GRID,),
    in_specs=[
        pl.BlockSpec((2, RB, CP), lambda i: (0, i, 0)),
        pl.BlockSpec((RB, 1), lambda i: (i, 0)),
    ],
    out_specs=pl.BlockSpec((RB, CP), lambda i: (i, 0)),
    out_shape=jax.ShapeDtypeStruct((R, CP), jnp.float32),
)


def _tc3_body(z_ref, norm_ref, b_ref, out_ref):
    out_ref[...] = (z_ref[0] + z_ref[1]) * norm_ref[...] + b_ref[...]


_tc3 = pl.pallas_call(
    _tc3_body,
    grid=(GRID,),
    in_specs=[
        pl.BlockSpec((2, RB, CP), lambda i: (0, i, 0)),
        pl.BlockSpec((RB, 1), lambda i: (i, 0)),
        pl.BlockSpec((1, CP), lambda i: (0, 0)),
    ],
    out_specs=pl.BlockSpec((RB, CP), lambda i: (i, 0)),
    out_shape=jax.ShapeDtypeStruct((R, CP), jnp.float32),
)


def kernel(features, edge_index, W, b):
    src = edge_index[0].astype(jnp.int32)
    dst = edge_index[1].astype(jnp.int32)
    pad = NW * EPW - E
    src_p = jnp.concatenate([src, jnp.zeros((pad,), jnp.int32)]).reshape(NW, KCH, B)
    pad_dst = N + (jnp.arange(pad, dtype=jnp.int32) % (R - N))
    dst_p = jnp.concatenate([dst, pad_dst]).reshape(NW, KCH, B)
    xp = jnp.pad(features, ((0, R - N), (0, 0)))
    Wp = jnp.pad(W, ((0, 0), (0, CP - C)))
    bp = jnp.pad(b, (0, CP - C)).reshape(1, CP)
    zeros48 = jnp.zeros((B, CP), jnp.float32)
    zeros8 = jnp.zeros((ROWS_PT, 8), jnp.float32)
    ones8 = jnp.ones((B, 8), jnp.float32)

    degp = _deg_kernel(dst_p, zeros8, ones8)
    y1, norm = _tc1(xp, Wp, degp)
    z1 = _prop_kernel(y1, src_p, dst_p, zeros48)
    y2 = _tc2(z1, norm)
    z2 = _prop_kernel(y2, src_p, dst_p, zeros48)
    outp = _tc3(z2, norm, bp)
    return outp[:N, :C]

# --- scband reference (transcript-rebuilt; emitter-appended) ---
"""Pipeline reference for scband-sgc-3951369912456 (READ-ONLY COPY).

The authoritative reference and input builder live on the scoring server;
editing this copy changes nothing except your own understanding.
"""

import jax, jax.numpy as jnp
import numpy as np

N_NODES = 10000
N_EDGES = 320000
IN_FEATS = 128
N_CLASSES = 40
NUM_K = 2


def setup_inputs(seed: int = 0) -> dict:
    key = jax.random.key(seed)
    k1, k2, k3, k4 = jax.random.split(key, 4)
    features = jax.random.normal(k1, (N_NODES, IN_FEATS), dtype=jnp.float32)
    edge_index = jax.random.randint(k2, (2, N_EDGES), 0, N_NODES, dtype=jnp.int64)
    # learned params of the SGConv linear layer (fc: in_feats -> n_classes)
    W = jax.random.normal(k3, (IN_FEATS, N_CLASSES), dtype=jnp.float32) * (1.0 / np.sqrt(IN_FEATS))
    b = jnp.zeros((N_CLASSES,), dtype=jnp.float32)
    return {"features": features, "edge_index": edge_index, "W": W, "b": b}


def reference(features, edge_index, W, b):
    # SGC: h = (D^{-1/2} A D^{-1/2})^k X W   (DGL SGConv, norm='both')
    src = edge_index[0]
    dst = edge_index[1]
    n = features.shape[0]
    deg = jnp.zeros((n,), dtype=jnp.float32).at[dst].add(1.0)
    norm = jnp.where(deg > 0, jax.lax.rsqrt(jnp.maximum(deg, 1.0)), 0.0)
    h = features
    for _ in range(NUM_K):
        h = h * norm[:, None]
        msgs = jnp.take(h, src, axis=0)              # gather from source nodes
        h = jax.ops.segment_sum(msgs, dst, num_segments=n)  # scatter-add to dst
        h = h * norm[:, None]
    out = h @ W + b
    return out

if __name__ == "__main__":
    import jax
    _d = setup_inputs()
    print(jax.jit(kernel)(*tuple(_d.values())))

</pallas_src>

<mosaic_0001>
#map = affine_map<(d0, d1) -> (0, 0)>
#map1 = affine_map<(d0, d1) -> (0, 0, 0)>
module attributes {stable_mosaic.version = 14 : i64} {
  func.func @_prop_kernel(%arg0: i32, %arg1: i32, %arg2: memref<10240x48xf32, #tpu.memory_space<hbm>>, %arg3: memref<32x80x128xi32, #tpu.memory_space<hbm>>, %arg4: memref<32x80x128xi32, #tpu.memory_space<hbm>>, %arg5: memref<128x48xf32, #tpu.memory_space<hbm>>, %arg6: memref<2x10240x48xf32, #tpu.memory_space<hbm>>, %arg7: memref<10240x48xf32, #tpu.memory_space<vmem_shared>>, %arg8: memref<80x128xi32, #tpu.memory_space<vmem>>, %arg9: memref<80x128xi32, #tpu.memory_space<vmem>>, %arg10: memref<10x128x48xf32, #tpu.memory_space<vmem>>, %arg11: memref<!tpu.dma_semaphore, #tpu.memory_space<semaphore_mem>>, %arg12: memref<!tpu.dma_semaphore, #tpu.memory_space<semaphore_mem>>) attributes {dimension_semantics = [#tpu.dimension_semantics<core_parallel>, #tpu.dimension_semantics<subcore_parallel>], iteration_bounds = array<i64: 2, 16>, scalar_prefetch = 0 : i64, scratch_operands = 6 : i64, tpu.core_type = #tpu.core_type<sc_vector_subcore>, window_params = [{transform_indices = #map}, {transform_indices = #map1}, {transform_indices = #map1}, {transform_indices = #map}, {transform_indices = #map1}]} {
    %mul3A = arith.constant 16 : i32
    %mul3A_0 = arith.muli %arg0, %mul3A : i32
    %add3A = arith.addi %mul3A_0, %arg1 : i32
    %run_scoped3A = arith.constant 0 : i32
    "tpu.region"() ({
      %run_scoped3A_95 = tpu.sem_alloc : memref<!tpu.dma_semaphore, #tpu.memory_space<semaphore_mem>>
      %dma_start3A_96 = arith.constant 0 : i32
      %dma_start3A_97 = arith.constant 0 : i32
      %dma_start3A_98 = tpu.memref_slice %arg10[%run_scoped3A, %dma_start3A_96, %dma_start3A_97] : memref<10x128x48xf32, #tpu.memory_space<vmem>> -> memref<1x128x48xf32, #tpu.memory_space<vmem>>
      %dma_start3A_99 = tpu.memref_squeeze %dma_start3A_98 : memref<1x128x48xf32, #tpu.memory_space<vmem>> -> memref<128x48xf32, #tpu.memory_space<vmem>>
      %dma_start3A_100 = arith.constant 0 : i32
      %dma_start3A_101 = arith.constant 0 : i32
      %dma_start3A_102 = tpu.memref_slice %arg10[%run_scoped3A, %dma_start3A_100, %dma_start3A_101] : memref<10x128x48xf32, #tpu.memory_space<vmem>> -> memref<1x128x48xf32, #tpu.memory_space<vmem>>
      %dma_start3A_103 = tpu.memref_squeeze %dma_start3A_102 : memref<1x128x48xf32, #tpu.memory_space<vmem>> -> memref<128x48xf32, #tpu.memory_space<vmem>>
      tpu.enqueue_dma source(%arg5 : memref<128x48xf32, #tpu.memory_space<hbm>>) target(%dma_start3A_103 : memref<128x48xf32, #tpu.memory_space<vmem>>) target_semaphore(%run_scoped3A_95 : memref<!tpu.dma_semaphore, #tpu.memory_space<semaphore_mem>>)
      %dma_wait3A = arith.constant 0 : i32
      %dma_wait3A_104 = arith.constant 0 : i32
      %dma_wait3A_105 = tpu.memref_slice %arg10[%run_scoped3A, %dma_wait3A, %dma_wait3A_104] : memref<10x128x48xf32, #tpu.memory_space<vmem>> -> memref<1x128x48xf32, #tpu.memory_space<vmem>>
      %dma_wait3A_106 = tpu.memref_squeeze %dma_wait3A_105 : memref<1x128x48xf32, #tpu.memory_space<vmem>> -> memref<128x48xf32, #tpu.memory_space<vmem>>
      %dma_wait3A_107 = arith.constant 0 : i32
      %dma_wait3A_108 = arith.constant 0 : i32
      %dma_wait3A_109 = tpu.memref_slice %arg10[%run_scoped3A, %dma_wait3A_107, %dma_wait3A_108] : memref<10x128x48xf32, #tpu.memory_space<vmem>> -> memref<1x128x48xf32, #tpu.memory_space<vmem>>
      %dma_wait3A_110 = tpu.memref_squeeze %dma_wait3A_109 : memref<1x128x48xf32, #tpu.memory_space<vmem>> -> memref<128x48xf32, #tpu.memory_space<vmem>>
      tpu.wait_dma2 semaphore(%run_scoped3A_95 : memref<!tpu.dma_semaphore, #tpu.memory_space<semaphore_mem>>) src(%arg5 : memref<128x48xf32, #tpu.memory_space<hbm>>) dst(%dma_wait3A_110 : memref<128x48xf32, #tpu.memory_space<vmem>>)
      tpu.yield
    }) : () -> ()
    %mul3A_1 = arith.constant 640 : i32
    %mul3A_2 = arith.muli %arg1, %mul3A_1 : i32
    %add3A_3 = arith.constant 0 : i32
    %add3A_4 = arith.addi %mul3A_2, %add3A_3 : i32
    %run_scoped3A_5 = arith.constant 0 : i32
    "tpu.region"() ({
      %run_scoped3A_95 = tpu.sem_alloc : memref<!tpu.dma_semaphore, #tpu.memory_space<semaphore_mem>>
      %dma_start3A_96 = arith.constant 0 : i32
      %dma_start3A_97 = arith.constant 0 : i32
      %dma_start3A_98 = tpu.memref_slice %arg10[%run_scoped3A_5, %dma_start3A_96, %dma_start3A_97] : memref<10x128x48xf32, #tpu.memory_space<vmem>> -> memref<1x128x48xf32, #tpu.memory_space<vmem>>
      %dma_start3A_99 = tpu.memref_squeeze %dma_start3A_98 : memref<1x128x48xf32, #tpu.memory_space<vmem>> -> memref<128x48xf32, #tpu.memory_space<vmem>>
      %dma_start3A_100 = arith.constant 0 : i32
      %dma_start3A_101 = tpu.memref_slice %arg7[%add3A_4, %dma_start3A_100] : memref<10240x48xf32, #tpu.memory_space<vmem_shared>> -> memref<128x48xf32, #tpu.memory_space<vmem_shared>>
      %dma_start3A_102 = arith.constant 0 : i32
      %dma_start3A_103 = tpu.memref_slice %arg7[%add3A_4, %dma_start3A_102] : memref<10240x48xf32, #tpu.memory_space<vmem_shared>> -> memref<128x48xf32, #tpu.memory_space<vmem_shared>>
      %dma_start3A_104 = arith.constant 0 : i32
      %dma_start3A_105 = arith.constant 0 : i32
      %dma_start3A_106 = tpu.memref_slice %arg10[%run_scoped3A_5, %dma_start3A_104, %dma_start3A_105] : memref<10x128x48xf32, #tpu.memory_space<vmem>> -> memref<1x128x48xf32, #tpu.memory_space<vmem>>
      %dma_start3A_107 = tpu.memref_squeeze %dma_start3A_106 : memref<1x128x48xf32, #tpu.memory_space<vmem>> -> memref<128x48xf32, #tpu.memory_space<vmem>>
      tpu.enqueue_dma source(%dma_start3A_107 : memref<128x48xf32, #tpu.memory_space<vmem>>) target(%dma_start3A_103 : memref<128x48xf32, #tpu.memory_space<vmem_shared>>) target_semaphore(%run_scoped3A_95 : memref<!tpu.dma_semaphore, #tpu.memory_space<semaphore_mem>>)
      %dma_wait3A = arith.constant 0 : i32
      %dma_wait3A_108 = arith.constant 0 : i32
      %dma_wait3A_109 = tpu.memref_slice %arg10[%run_scoped3A_5, %dma_wait3A, %dma_wait3A_108] : memref<10x128x48xf32, #tpu.memory_space<vmem>> -> memref<1x128x48xf32, #tpu.memory_space<vmem>>
      %dma_wait3A_110 = tpu.memref_squeeze %dma_wait3A_109 : memref<1x128x48xf32, #tpu.memory_space<vmem>> -> memref<128x48xf32, #tpu.memory_space<vmem>>
      %dma_wait3A_111 = arith.constant 0 : i32
      %dma_wait3A_112 = tpu.memref_slice %arg7[%add3A_4, %dma_wait3A_111] : memref<10240x48xf32, #tpu.memory_space<vmem_shared>> -> memref<128x48xf32, #tpu.memory_space<vmem_shared>>
      %dma_wait3A_113 = arith.constant 0 : i32
      %dma_wait3A_114 = tpu.memref_slice %arg7[%add3A_4, %dma_wait3A_113] : memref<10240x48xf32, #tpu.memory_space<vmem_shared>> -> memref<128x48xf32, #tpu.memory_space<vmem_shared>>
      %dma_wait3A_115 = arith.constant 0 : i32
      %dma_wait3A_116 = arith.constant 0 : i32
      %dma_wait3A_117 = tpu.memref_slice %arg10[%run_scoped3A_5, %dma_wait3A_115, %dma_wait3A_116] : memref<10x128x48xf32, #tpu.memory_space<vmem>> -> memref<1x128x48xf32, #tpu.memory_space<vmem>>
      %dma_wait3A_118 = tpu.memref_squeeze %dma_wait3A_117 : memref<1x128x48xf32, #tpu.memory_space<vmem>> -> memref<128x48xf32, #tpu.memory_space<vmem>>
      tpu.wait_dma2 semaphore(%run_scoped3A_95 : memref<!tpu.dma_semaphore, #tpu.memory_space<semaphore_mem>>) src(%dma_wait3A_118 : memref<128x48xf32, #tpu.memory_space<vmem>>) dst(%dma_wait3A_114 : memref<128x48xf32, #tpu.memory_space<vmem_shared>>)
      tpu.yield
    }) : () -> ()
    %mul3A_6 = arith.constant 640 : i32
    %mul3A_7 = arith.muli %arg1, %mul3A_6 : i32
    %add3A_8 = arith.constant 128 : i32
    %add3A_9 = arith.addi %mul3A_7, %add3A_8 : i32
    %run_scoped3A_10 = arith.constant 0 : i32
    "tpu.region"() ({
      %run_scoped3A_95 = tpu.sem_alloc : memref<!tpu.dma_semaphore, #tpu.memory_space<semaphore_mem>>
      %dma_start3A_96 = arith.constant 0 : i32
      %dma_start3A_97 = arith.constant 0 : i32
      %dma_start3A_98 = tpu.memref_slice %arg10[%run_scoped3A_10, %dma_start3A_96, %dma_start3A_97] : memref<10x128x48xf32, #tpu.memory_space<vmem>> -> memref<1x128x48xf32, #tpu.memory_space<vmem>>
      %dma_start3A_99 = tpu.memref_squeeze %dma_start3A_98 : memref<1x128x48xf32, #tpu.memory_space<vmem>> -> memref<128x48xf32, #tpu.memory_space<vmem>>
      %dma_start3A_100 = arith.constant 0 : i32
      %dma_start3A_101 = tpu.memref_slice %arg7[%add3A_9, %dma_start3A_100] : memref<10240x48xf32, #tpu.memory_space<vmem_shared>> -> memref<128x48xf32, #tpu.memory_space<vmem_shared>>
      %dma_start3A_102 = arith.constant 0 : i32
      %dma_start3A_103 = tpu.memref_slice %arg7[%add3A_9, %dma_start3A_102] : memref<10240x48xf32, #tpu.memory_space<vmem_shared>> -> memref<128x48xf32, #tpu.memory_space<vmem_shared>>
      %dma_start3A_104 = arith.constant 0 : i32
      %dma_start3A_105 = arith.constant 0 : i32
      %dma_start3A_106 = tpu.memref_slice %arg10[%run_scoped3A_10, %dma_start3A_104, %dma_start3A_105] : memref<10x128x48xf32, #tpu.memory_space<vmem>> -> memref<1x128x48xf32, #tpu.memory_space<vmem>>
      %dma_start3A_107 = tpu.memref_squeeze %dma_start3A_106 : memref<1x128x48xf32, #tpu.memory_space<vmem>> -> memref<128x48xf32, #tpu.memory_space<vmem>>
      tpu.enqueue_dma source(%dma_start3A_107 : memref<128x48xf32, #tpu.memory_space<vmem>>) target(%dma_start3A_103 : memref<128x48xf32, #tpu.memory_space<vmem_shared>>) target_semaphore(%run_scoped3A_95 : memref<!tpu.dma_semaphore, #tpu.memory_space<semaphore_mem>>)
      %dma_wait3A = arith.constant 0 : i32
      %dma_wait3A_108 = arith.constant 0 : i32
      %dma_wait3A_109 = tpu.memref_slice %arg10[%run_scoped3A_10, %dma_wait3A, %dma_wait3A_108] : memref<10x128x48xf32, #tpu.memory_space<vmem>> -> memref<1x128x48xf32, #tpu.memory_space<vmem>>
      %dma_wait3A_110 = tpu.memref_squeeze %dma_wait3A_109 : memref<1x128x48xf32, #tpu.memory_space<vmem>> -> memref<128x48xf32, #tpu.memory_space<vmem>>
      %dma_wait3A_111 = arith.constant 0 : i32
      %dma_wait3A_112 = tpu.memref_slice %arg7[%add3A_9, %dma_wait3A_111] : memref<10240x48xf32, #tpu.memory_space<vmem_shared>> -> memref<128x48xf32, #tpu.memory_space<vmem_shared>>
      %dma_wait3A_113 = arith.constant 0 : i32
      %dma_wait3A_114 = tpu.memref_slice %arg7[%add3A_9, %dma_wait3A_113] : memref<10240x48xf32, #tpu.memory_space<vmem_shared>> -> memref<128x48xf32, #tpu.memory_space<vmem_shared>>
      %dma_wait3A_115 = arith.constant 0 : i32
      %dma_wait3A_116 = arith.constant 0 : i32
      %dma_wait3A_117 = tpu.memref_slice %arg10[%run_scoped3A_10, %dma_wait3A_115, %dma_wait3A_116] : memref<10x128x48xf32, #tpu.memory_space<vmem>> -> memref<1x128x48xf32, #tpu.memory_space<vmem>>
      %dma_wait3A_118 = tpu.memref_squeeze %dma_wait3A_117 : memref<1x128x48xf32, #tpu.memory_space<vmem>> -> memref<128x48xf32, #tpu.memory_space<vmem>>
      tpu.wait_dma2 semaphore(%run_scoped3A_95 : memref<!tpu.dma_semaphore, #tpu.memory_space<semaphore_mem>>) src(%dma_wait3A_118 : memref<128x48xf32, #tpu.memory_space<vmem>>) dst(%dma_wait3A_114 : memref<128x48xf32, #tpu.memory_space<vmem_shared>>)
      tpu.yield
    }) : () -> ()
    %mul3A_11 = arith.constant 640 : i32
    %mul3A_12 = arith.muli %arg1, %mul3A_11 : i32
    %add3A_13 = arith.constant 256 : i32
    %add3A_14 = arith.addi %mul3A_12, %add3A_13 : i32
    %run_scoped3A_15 = arith.constant 0 : i32
    "tpu.region"() ({
      %run_scoped3A_95 = tpu.sem_alloc : memref<!tpu.dma_semaphore, #tpu.memory_space<semaphore_mem>>
      %dma_start3A_96 = arith.constant 0 : i32
      %dma_start3A_97 = arith.constant 0 : i32
      %dma_start3A_98 = tpu.memref_slice %arg10[%run_scoped3A_15, %dma_start3A_96, %dma_start3A_97] : memref<10x128x48xf32, #tpu.memory_space<vmem>> -> memref<1x128x48xf32, #tpu.memory_space<vmem>>
      %dma_start3A_99 = tpu.memref_squeeze %dma_start3A_98 : memref<1x128x48xf32, #tpu.memory_space<vmem>> -> memref<128x48xf32, #tpu.memory_space<vmem>>
      %dma_start3A_100 = arith.constant 0 : i32
      %dma_start3A_101 = tpu.memref_slice %arg7[%add3A_14, %dma_start3A_100] : memref<10240x48xf32, #tpu.memory_space<vmem_shared>> -> memref<128x48xf32, #tpu.memory_space<vmem_shared>>
      %dma_start3A_102 = arith.constant 0 : i32
      %dma_start3A_103 = tpu.memref_slice %arg7[%add3A_14, %dma_start3A_102] : memref<10240x48xf32, #tpu.memory_space<vmem_shared>> -> memref<128x48xf32, #tpu.memory_space<vmem_shared>>
      %dma_start3A_104 = arith.constant 0 : i32
      %dma_start3A_105 = arith.constant 0 : i32
      %dma_start3A_106 = tpu.memref_slice %arg10[%run_scoped3A_15, %dma_start3A_104, %dma_start3A_105] : memref<10x128x48xf32, #tpu.memory_space<vmem>> -> memref<1x128x48xf32, #tpu.memory_space<vmem>>
      %dma_start3A_107 = tpu.memref_squeeze %dma_start3A_106 : memref<1x128x48xf32, #tpu.memory_space<vmem>> -> memref<128x48xf32, #tpu.memory_space<vmem>>
      tpu.enqueue_dma source(%dma_start3A_107 : memref<128x48xf32, #tpu.memory_space<vmem>>) target(%dma_start3A_103 : memref<128x48xf32, #tpu.memory_space<vmem_shared>>) target_semaphore(%run_scoped3A_95 : memref<!tpu.dma_semaphore, #tpu.memory_space<semaphore_mem>>)
      %dma_wait3A = arith.constant 0 : i32
      %dma_wait3A_108 = arith.constant 0 : i32
      %dma_wait3A_109 = tpu.memref_slice %arg10[%run_scoped3A_15, %dma_wait3A, %dma_wait3A_108] : memref<10x128x48xf32, #tpu.memory_space<vmem>> -> memref<1x128x48xf32, #tpu.memory_space<vmem>>
      %dma_wait3A_110 = tpu.memref_squeeze %dma_wait3A_109 : memref<1x128x48xf32, #tpu.memory_space<vmem>> -> memref<128x48xf32, #tpu.memory_space<vmem>>
      %dma_wait3A_111 = arith.constant 0 : i32
      %dma_wait3A_112 = tpu.memref_slice %arg7[%add3A_14, %dma_wait3A_111] : memref<10240x48xf32, #tpu.memory_space<vmem_shared>> -> memref<128x48xf32, #tpu.memory_space<vmem_shared>>
      %dma_wait3A_113 = arith.constant 0 : i32
      %dma_wait3A_114 = tpu.memref_slice %arg7[%add3A_14, %dma_wait3A_113] : memref<10240x48xf32, #tpu.memory_space<vmem_shared>> -> memref<128x48xf32, #tpu.memory_space<vmem_shared>>
      %dma_wait3A_115 = arith.constant 0 : i32
      %dma_wait3A_116 = arith.constant 0 : i32
      %dma_wait3A_117 = tpu.memref_slice %arg10[%run_scoped3A_15, %dma_wait3A_115, %dma_wait3A_116] : memref<10x128x48xf32, #tpu.memory_space<vmem>> -> memref<1x128x48xf32, #tpu.memory_space<vmem>>
      %dma_wait3A_118 = tpu.memref_squeeze %dma_wait3A_117 : memref<1x128x48xf32, #tpu.memory_space<vmem>> -> memref<128x48xf32, #tpu.memory_space<vmem>>
      tpu.wait_dma2 semaphore(%run_scoped3A_95 : memref<!tpu.dma_semaphore, #tpu.memory_space<semaphore_mem>>) src(%dma_wait3A_118 : memref<128x48xf32, #tpu.memory_space<vmem>>) dst(%dma_wait3A_114 : memref<128x48xf32, #tpu.memory_space<vmem_shared>>)
      tpu.yield
    }) : () -> ()
    %mul3A_16 = arith.constant 640 : i32
    %mul3A_17 = arith.muli %arg1, %mul3A_16 : i32
    %add3A_18 = arith.constant 384 : i32
    %add3A_19 = arith.addi %mul3A_17, %add3A_18 : i32
    %run_scoped3A_20 = arith.constant 0 : i32
    "tpu.region"() ({
      %run_scoped3A_95 = tpu.sem_alloc : memref<!tpu.dma_semaphore, #tpu.memory_space<semaphore_mem>>
      %dma_start3A_96 = arith.constant 0 : i32
      %dma_start3A_97 = arith.constant 0 : i32
      %dma_start3A_98 = tpu.memref_slice %arg10[%run_scoped3A_20, %dma_start3A_96, %dma_start3A_97] : memref<10x128x48xf32, #tpu.memory_space<vmem>> -> memref<1x128x48xf32, #tpu.memory_space<vmem>>
      %dma_start3A_99 = tpu.memref_squeeze %dma_start3A_98 : memref<1x128x48xf32, #tpu.memory_space<vmem>> -> memref<128x48xf32, #tpu.memory_space<vmem>>
      %dma_start3A_100 = arith.constant 0 : i32
      %dma_start3A_101 = tpu.memref_slice %arg7[%add3A_19, %dma_start3A_100] : memref<10240x48xf32, #tpu.memory_space<vmem_shared>> -> memref<128x48xf32, #tpu.memory_space<vmem_shared>>
      %dma_start3A_102 = arith.constant 0 : i32
      %dma_start3A_103 = tpu.memref_slice %arg7[%add3A_19, %dma_start3A_102] : memref<10240x48xf32, #tpu.memory_space<vmem_shared>> -> memref<128x48xf32, #tpu.memory_space<vmem_shared>>
      %dma_start3A_104 = arith.constant 0 : i32
      %dma_start3A_105 = arith.constant 0 : i32
      %dma_start3A_106 = tpu.memref_slice %arg10[%run_scoped3A_20, %dma_start3A_104, %dma_start3A_105] : memref<10x128x48xf32, #tpu.memory_space<vmem>> -> memref<1x128x48xf32, #tpu.memory_space<vmem>>
      %dma_start3A_107 = tpu.memref_squeeze %dma_start3A_106 : memref<1x128x48xf32, #tpu.memory_space<vmem>> -> memref<128x48xf32, #tpu.memory_space<vmem>>
      tpu.enqueue_dma source(%dma_start3A_107 : memref<128x48xf32, #tpu.memory_space<vmem>>) target(%dma_start3A_103 : memref<128x48xf32, #tpu.memory_space<vmem_shared>>) target_semaphore(%run_scoped3A_95 : memref<!tpu.dma_semaphore, #tpu.memory_space<semaphore_mem>>)
      %dma_wait3A = arith.constant 0 : i32
      %dma_wait3A_108 = arith.constant 0 : i32
      %dma_wait3A_109 = tpu.memref_slice %arg10[%run_scoped3A_20, %dma_wait3A, %dma_wait3A_108] : memref<10x128x48xf32, #tpu.memory_space<vmem>> -> memref<1x128x48xf32, #tpu.memory_space<vmem>>
      %dma_wait3A_110 = tpu.memref_squeeze %dma_wait3A_109 : memref<1x128x48xf32, #tpu.memory_space<vmem>> -> memref<128x48xf32, #tpu.memory_space<vmem>>
      %dma_wait3A_111 = arith.constant 0 : i32
      %dma_wait3A_112 = tpu.memref_slice %arg7[%add3A_19, %dma_wait3A_111] : memref<10240x48xf32, #tpu.memory_space<vmem_shared>> -> memref<128x48xf32, #tpu.memory_space<vmem_shared>>
      %dma_wait3A_113 = arith.constant 0 : i32
      %dma_wait3A_114 = tpu.memref_slice %arg7[%add3A_19, %dma_wait3A_113] : memref<10240x48xf32, #tpu.memory_space<vmem_shared>> -> memref<128x48xf32, #tpu.memory_space<vmem_shared>>
      %dma_wait3A_115 = arith.constant 0 : i32
      %dma_wait3A_116 = arith.constant 0 : i32
      %dma_wait3A_117 = tpu.memref_slice %arg10[%run_scoped3A_20, %dma_wait3A_115, %dma_wait3A_116] : memref<10x128x48xf32, #tpu.memory_space<vmem>> -> memref<1x128x48xf32, #tpu.memory_space<vmem>>
      %dma_wait3A_118 = tpu.memref_squeeze %dma_wait3A_117 : memref<1x128x48xf32, #tpu.memory_space<vmem>> -> memref<128x48xf32, #tpu.memory_space<vmem>>
      tpu.wait_dma2 semaphore(%run_scoped3A_95 : memref<!tpu.dma_semaphore, #tpu.memory_space<semaphore_mem>>) src(%dma_wait3A_118 : memref<128x48xf32, #tpu.memory_space<vmem>>) dst(%dma_wait3A_114 : memref<128x48xf32, #tpu.memory_space<vmem_shared>>)
      tpu.yield
    }) : () -> ()
    %mul3A_21 = arith.constant 640 : i32
    %mul3A_22 = arith.muli %arg1, %mul3A_21 : i32
    %add3A_23 = arith.constant 512 : i32
    %add3A_24 = arith.addi %mul3A_22, %add3A_23 : i32
    %run_scoped3A_25 = arith.constant 0 : i32
    "tpu.region"() ({
      %run_scoped3A_95 = tpu.sem_alloc : memref<!tpu.dma_semaphore, #tpu.memory_space<semaphore_mem>>
      %dma_start3A_96 = arith.constant 0 : i32
      %dma_start3A_97 = arith.constant 0 : i32
      %dma_start3A_98 = tpu.memref_slice %arg10[%run_scoped3A_25, %dma_start3A_96, %dma_start3A_97] : memref<10x128x48xf32, #tpu.memory_space<vmem>> -> memref<1x128x48xf32, #tpu.memory_space<vmem>>
      %dma_start3A_99 = tpu.memref_squeeze %dma_start3A_98 : memref<1x128x48xf32, #tpu.memory_space<vmem>> -> memref<128x48xf32, #tpu.memory_space<vmem>>
      %dma_start3A_100 = arith.constant 0 : i32
      %dma_start3A_101 = tpu.memref_slice %arg7[%add3A_24, %dma_start3A_100] : memref<10240x48xf32, #tpu.memory_space<vmem_shared>> -> memref<128x48xf32, #tpu.memory_space<vmem_shared>>
      %dma_start3A_102 = arith.constant 0 : i32
      %dma_start3A_103 = tpu.memref_slice %arg7[%add3A_24, %dma_start3A_102] : memref<10240x48xf32, #tpu.memory_space<vmem_shared>> -> memref<128x48xf32, #tpu.memory_space<vmem_shared>>
      %dma_start3A_104 = arith.constant 0 : i32
      %dma_start3A_105 = arith.constant 0 : i32
      %dma_start3A_106 = tpu.memref_slice %arg10[%run_scoped3A_25, %dma_start3A_104, %dma_start3A_105] : memref<10x128x48xf32, #tpu.memory_space<vmem>> -> memref<1x128x48xf32, #tpu.memory_space<vmem>>
      %dma_start3A_107 = tpu.memref_squeeze %dma_start3A_106 : memref<1x128x48xf32, #tpu.memory_space<vmem>> -> memref<128x48xf32, #tpu.memory_space<vmem>>
      tpu.enqueue_dma source(%dma_start3A_107 : memref<128x48xf32, #tpu.memory_space<vmem>>) target(%dma_start3A_103 : memref<128x48xf32, #tpu.memory_space<vmem_shared>>) target_semaphore(%run_scoped3A_95 : memref<!tpu.dma_semaphore, #tpu.memory_space<semaphore_mem>>)
      %dma_wait3A = arith.constant 0 : i32
      %dma_wait3A_108 = arith.constant 0 : i32
      %dma_wait3A_109 = tpu.memref_slice %arg10[%run_scoped3A_25, %dma_wait3A, %dma_wait3A_108] : memref<10x128x48xf32, #tpu.memory_space<vmem>> -> memref<1x128x48xf32, #tpu.memory_space<vmem>>
      %dma_wait3A_110 = tpu.memref_squeeze %dma_wait3A_109 : memref<1x128x48xf32, #tpu.memory_space<vmem>> -> memref<128x48xf32, #tpu.memory_space<vmem>>
      %dma_wait3A_111 = arith.constant 0 : i32
      %dma_wait3A_112 = tpu.memref_slice %arg7[%add3A_24, %dma_wait3A_111] : memref<10240x48xf32, #tpu.memory_space<vmem_shared>> -> memref<128x48xf32, #tpu.memory_space<vmem_shared>>
      %dma_wait3A_113 = arith.constant 0 : i32
      %dma_wait3A_114 = tpu.memref_slice %arg7[%add3A_24, %dma_wait3A_113] : memref<10240x48xf32, #tpu.memory_space<vmem_shared>> -> memref<128x48xf32, #tpu.memory_space<vmem_shared>>
      %dma_wait3A_115 = arith.constant 0 : i32
      %dma_wait3A_116 = arith.constant 0 : i32
      %dma_wait3A_117 = tpu.memref_slice %arg10[%run_scoped3A_25, %dma_wait3A_115, %dma_wait3A_116] : memref<10x128x48xf32, #tpu.memory_space<vmem>> -> memref<1x128x48xf32, #tpu.memory_space<vmem>>
      %dma_wait3A_118 = tpu.memref_squeeze %dma_wait3A_117 : memref<1x128x48xf32, #tpu.memory_space<vmem>> -> memref<128x48xf32, #tpu.memory_space<vmem>>
      tpu.wait_dma2 semaphore(%run_scoped3A_95 : memref<!tpu.dma_semaphore, #tpu.memory_space<semaphore_mem>>) src(%dma_wait3A_118 : memref<128x48xf32, #tpu.memory_space<vmem>>) dst(%dma_wait3A_114 : memref<128x48xf32, #tpu.memory_space<vmem_shared>>)
      tpu.yield
    }) : () -> ()
    "tpu.region"() ({
      %run_scoped3A_95 = tpu.sem_alloc : memref<!tpu.dma_semaphore, #tpu.memory_space<semaphore_mem>>
      %dma_start3A_96 = arith.constant 0 : i32
      %dma_start3A_97 = arith.constant 0 : i32
      %dma_start3A_98 = tpu.memref_slice %arg3[%add3A, %dma_start3A_96, %dma_start3A_97] : memref<32x80x128xi32, #tpu.memory_space<hbm>> -> memref<1x80x128xi32, #tpu.memory_space<hbm>>
      %dma_start3A_99 = tpu.memref_squeeze %dma_start3A_98 : memref<1x80x128xi32, #tpu.memory_space<hbm>> -> memref<80x128xi32, #tpu.memory_space<hbm>>
      %dma_start3A_100 = arith.constant 0 : i32
      %dma_start3A_101 = arith.constant 0 : i32
      %dma_start3A_102 = tpu.memref_slice %arg3[%add3A, %dma_start3A_100, %dma_start3A_101] : memref<32x80x128xi32, #tpu.memory_space<hbm>> -> memref<1x80x128xi32, #tpu.memory_space<hbm>>
      %dma_start3A_103 = tpu.memref_squeeze %dma_start3A_102 : memref<1x80x128xi32, #tpu.memory_space<hbm>> -> memref<80x128xi32, #tpu.memory_space<hbm>>
      tpu.enqueue_dma source(%dma_start3A_103 : memref<80x128xi32, #tpu.memory_space<hbm>>) target(%arg8 : memref<80x128xi32, #tpu.memory_space<vmem>>) target_semaphore(%run_scoped3A_95 : memref<!tpu.dma_semaphore, #tpu.memory_space<semaphore_mem>>)
      %dma_wait3A = arith.constant 0 : i32
      %dma_wait3A_104 = arith.constant 0 : i32
      %dma_wait3A_105 = tpu.memref_slice %arg3[%add3A, %dma_wait3A, %dma_wait3A_104] : memref<32x80x128xi32, #tpu.memory_space<hbm>> -> memref<1x80x128xi32, #tpu.memory_space<hbm>>
      %dma_wait3A_106 = tpu.memref_squeeze %dma_wait3A_105 : memref<1x80x128xi32, #tpu.memory_space<hbm>> -> memref<80x128xi32, #tpu.memory_space<hbm>>
      %dma_wait3A_107 = arith.constant 0 : i32
      %dma_wait3A_108 = arith.constant 0 : i32
      %dma_wait3A_109 = tpu.memref_slice %arg3[%add3A, %dma_wait3A_107, %dma_wait3A_108] : memref<32x80x128xi32, #tpu.memory_space<hbm>> -> memref<1x80x128xi32, #tpu.memory_space<hbm>>
      %dma_wait3A_110 = tpu.memref_squeeze %dma_wait3A_109 : memref<1x80x128xi32, #tpu.memory_space<hbm>> -> memref<80x128xi32, #tpu.memory_space<hbm>>
      tpu.wait_dma2 semaphore(%run_scoped3A_95 : memref<!tpu.dma_semaphore, #tpu.memory_space<semaphore_mem>>) src(%dma_wait3A_110 : memref<80x128xi32, #tpu.memory_space<hbm>>) dst(%arg8 : memref<80x128xi32, #tpu.memory_space<vmem>>)
      tpu.yield
    }) : () -> ()
    "tpu.region"() ({
      %run_scoped3A_95 = tpu.sem_alloc : memref<!tpu.dma_semaphore, #tpu.memory_space<semaphore_mem>>
      %dma_start3A_96 = arith.constant 0 : i32
      %dma_start3A_97 = arith.constant 0 : i32
      %dma_start3A_98 = tpu.memref_slice %arg4[%add3A, %dma_start3A_96, %dma_start3A_97] : memref<32x80x128xi32, #tpu.memory_space<hbm>> -> memref<1x80x128xi32, #tpu.memory_space<hbm>>
      %dma_start3A_99 = tpu.memref_squeeze %dma_start3A_98 : memref<1x80x128xi32, #tpu.memory_space<hbm>> -> memref<80x128xi32, #tpu.memory_space<hbm>>
      %dma_start3A_100 = arith.constant 0 : i32
      %dma_start3A_101 = arith.constant 0 : i32
      %dma_start3A_102 = tpu.memref_slice %arg4[%add3A, %dma_start3A_100, %dma_start3A_101] : memref<32x80x128xi32, #tpu.memory_space<hbm>> -> memref<1x80x128xi32, #tpu.memory_space<hbm>>
      %dma_start3A_103 = tpu.memref_squeeze %dma_start3A_102 : memref<1x80x128xi32, #tpu.memory_space<hbm>> -> memref<80x128xi32, #tpu.memory_space<hbm>>
      tpu.enqueue_dma source(%dma_start3A_103 : memref<80x128xi32, #tpu.memory_space<hbm>>) target(%arg9 : memref<80x128xi32, #tpu.memory_space<vmem>>) target_semaphore(%run_scoped3A_95 : memref<!tpu.dma_semaphore, #tpu.memory_space<semaphore_mem>>)
      %dma_wait3A = arith.constant 0 : i32
      %dma_wait3A_104 = arith.constant 0 : i32
      %dma_wait3A_105 = tpu.memref_slice %arg4[%add3A, %dma_wait3A, %dma_wait3A_104] : memref<32x80x128xi32, #tpu.memory_space<hbm>> -> memref<1x80x128xi32, #tpu.memory_space<hbm>>
      %dma_wait3A_106 = tpu.memref_squeeze %dma_wait3A_105 : memref<1x80x128xi32, #tpu.memory_space<hbm>> -> memref<80x128xi32, #tpu.memory_space<hbm>>
      %dma_wait3A_107 = arith.constant 0 : i32
      %dma_wait3A_108 = arith.constant 0 : i32
      %dma_wait3A_109 = tpu.memref_slice %arg4[%add3A, %dma_wait3A_107, %dma_wait3A_108] : memref<32x80x128xi32, #tpu.memory_space<hbm>> -> memref<1x80x128xi32, #tpu.memory_space<hbm>>
      %dma_wait3A_110 = tpu.memref_squeeze %dma_wait3A_109 : memref<1x80x128xi32, #tpu.memory_space<hbm>> -> memref<80x128xi32, #tpu.memory_space<hbm>>
      tpu.wait_dma2 semaphore(%run_scoped3A_95 : memref<!tpu.dma_semaphore, #tpu.memory_space<semaphore_mem>>) src(%dma_wait3A_110 : memref<80x128xi32, #tpu.memory_space<hbm>>) dst(%arg9 : memref<80x128xi32, #tpu.memory_space<vmem>>)
      tpu.yield
    }) : () -> ()
    %barrier3A = arith.constant 0 : index
    tpu.barrier barrier_id(%barrier3A)
    %dma_start3A = arith.constant 0 : i32
    %dma_start3A_26 = arith.constant 0 : i32
    %dma_start3A_27 = arith.constant 0 : i32
    %dma_start3A_28 = arith.constant 0 : i32
    %dma_start3A_29 = tpu.memref_slice %arg10[%dma_start3A_26, %dma_start3A_27, %dma_start3A_28] : memref<10x128x48xf32, #tpu.memory_space<vmem>> -> memref<1x128x48xf32, #tpu.memory_space<vmem>>
    %dma_start3A_30 = tpu.memref_squeeze %dma_start3A_29 : memref<1x128x48xf32, #tpu.memory_space<vmem>> -> memref<128x48xf32, #tpu.memory_space<vmem>>
    %dma_start3A_31 = arith.constant 0 : i32
    %dma_start3A_32 = tpu.memref_slice %arg8[%dma_start3A, %dma_start3A_31] : memref<80x128xi32, #tpu.memory_space<vmem>> -> memref<1x128xi32, #tpu.memory_space<vmem>>
    %dma_start3A_33 = tpu.memref_squeeze %dma_start3A_32 : memref<1x128xi32, #tpu.memory_space<vmem>> -> memref<128xi32, #tpu.memory_space<vmem>>
    %dma_start3A_34 = arith.constant 0 : i32
    %dma_start3A_35 = arith.constant 0 : i32
    %dma_start3A_36 = tpu.memref_slice %arg2[%dma_start3A_34, %dma_start3A_35] : memref<10240x48xf32, #tpu.memory_space<hbm>> -> memref<10240x48xf32, #tpu.memory_space<hbm>>
    tpu.enqueue_indirect_dma source(%dma_start3A_36 : memref<10240x48xf32, #tpu.memory_space<hbm>>) target(%dma_start3A_30 : memref<128x48xf32, #tpu.memory_space<vmem>>) offsets(%dma_start3A_33 : memref<128xi32, #tpu.memory_space<vmem>>) semaphore(%arg11 : memref<!tpu.dma_semaphore, #tpu.memory_space<semaphore_mem>>)
    %dma_start3A_37 = arith.constant 1 : i32
    %dma_start3A_38 = arith.constant 1 : i32
    %dma_start3A_39 = arith.constant 0 : i32
    %dma_start3A_40 = arith.constant 0 : i32
    %dma_start3A_41 = tpu.memref_slice %arg10[%dma_start3A_38, %dma_start3A_39, %dma_start3A_40] : memref<10x128x48xf32, #tpu.memory_space<vmem>> -> memref<1x128x48xf32, #tpu.memory_space<vmem>>
    %dma_start3A_42 = tpu.memref_squeeze %dma_start3A_41 : memref<1x128x48xf32, #tpu.memory_space<vmem>> -> memref<128x48xf32, #tpu.memory_space<vmem>>
    %dma_start3A_43 = arith.constant 0 : i32
    %dma_start3A_44 = tpu.memref_slice %arg8[%dma_start3A_37, %dma_start3A_43] : memref<80x128xi32, #tpu.memory_space<vmem>> -> memref<1x128xi32, #tpu.memory_space<vmem>>
    %dma_start3A_45 = tpu.memref_squeeze %dma_start3A_44 : memref<1x128xi32, #tpu.memory_space<vmem>> -> memref<128xi32, #tpu.memory_space<vmem>>
    %dma_start3A_46 = arith.constant 0 : i32
    %dma_start3A_47 = arith.constant 0 : i32
    %dma_start3A_48 = tpu.memref_slice %arg2[%dma_start3A_46, %dma_start3A_47] : memref<10240x48xf32, #tpu.memory_space<hbm>> -> memref<10240x48xf32, #tpu.memory_space<hbm>>
    tpu.enqueue_indirect_dma source(%dma_start3A_48 : memref<10240x48xf32, #tpu.memory_space<hbm>>) target(%dma_start3A_42 : memref<128x48xf32, #tpu.memory_space<vmem>>) offsets(%dma_start3A_45 : memref<128xi32, #tpu.memory_space<vmem>>) semaphore(%arg11 : memref<!tpu.dma_semaphore, #tpu.memory_space<semaphore_mem>>)
    %dma_start3A_49 = arith.constant 2 : i32
    %dma_start3A_50 = arith.constant 2 : i32
    %dma_start3A_51 = arith.constant 0 : i32
    %dma_start3A_52 = arith.constant 0 : i32
    %dma_start3A_53 = tpu.memref_slice %arg10[%dma_start3A_50, %dma_start3A_51, %dma_start3A_52] : memref<10x128x48xf32, #tpu.memory_space<vmem>> -> memref<1x128x48xf32, #tpu.memory_space<vmem>>
    %dma_start3A_54 = tpu.memref_squeeze %dma_start3A_53 : memref<1x128x48xf32, #tpu.memory_space<vmem>> -> memref<128x48xf32, #tpu.memory_space<vmem>>
    %dma_start3A_55 = arith.constant 0 : i32
    %dma_start3A_56 = tpu.memref_slice %arg8[%dma_start3A_49, %dma_start3A_55] : memref<80x128xi32, #tpu.memory_space<vmem>> -> memref<1x128xi32, #tpu.memory_space<vmem>>
    %dma_start3A_57 = tpu.memref_squeeze %dma_start3A_56 : memref<1x128xi32, #tpu.memory_space<vmem>> -> memref<128xi32, #tpu.memory_space<vmem>>
    %dma_start3A_58 = arith.constant 0 : i32
    %dma_start3A_59 = arith.constant 0 : i32
    %dma_start3A_60 = tpu.memref_slice %arg2[%dma_start3A_58, %dma_start3A_59] : memref<10240x48xf32, #tpu.memory_space<hbm>> -> memref<10240x48xf32, #tpu.memory_space<hbm>>
    tpu.enqueue_indirect_dma source(%dma_start3A_60 : memref<10240x48xf32, #tpu.memory_space<hbm>>) target(%dma_start3A_54 : memref<128x48xf32, #tpu.memory_space<vmem>>) offsets(%dma_start3A_57 : memref<128xi32, #tpu.memory_space<vmem>>) semaphore(%arg11 : memref<!tpu.dma_semaphore, #tpu.memory_space<semaphore_mem>>)
    %dma_start3A_61 = arith.constant 3 : i32
    %dma_start3A_62 = arith.constant 3 : i32
    %dma_start3A_63 = arith.constant 0 : i32
    %dma_start3A_64 = arith.constant 0 : i32
    %dma_start3A_65 = tpu.memref_slice %arg10[%dma_start3A_62, %dma_start3A_63, %dma_start3A_64] : memref<10x128x48xf32, #tpu.memory_space<vmem>> -> memref<1x128x48xf32, #tpu.memory_space<vmem>>
    %dma_start3A_66 = tpu.memref_squeeze %dma_start3A_65 : memref<1x128x48xf32, #tpu.memory_space<vmem>> -> memref<128x48xf32, #tpu.memory_space<vmem>>
    %dma_start3A_67 = arith.constant 0 : i32
    %dma_start3A_68 = tpu.memref_slice %arg8[%dma_start3A_61, %dma_start3A_67] : memref<80x128xi32, #tpu.memory_space<vmem>> -> memref<1x128xi32, #tpu.memory_space<vmem>>
    %dma_start3A_69 = tpu.memref_squeeze %dma_start3A_68 : memref<1x128xi32, #tpu.memory_space<vmem>> -> memref<128xi32, #tpu.memory_space<vmem>>
    %dma_start3A_70 = arith.constant 0 : i32
    %dma_start3A_71 = arith.constant 0 : i32
    %dma_start3A_72 = tpu.memref_slice %arg2[%dma_start3A_70, %dma_start3A_71] : memref<10240x48xf32, #tpu.memory_space<hbm>> -> memref<10240x48xf32, #tpu.memory_space<hbm>>
    tpu.enqueue_indirect_dma source(%dma_start3A_72 : memref<10240x48xf32, #tpu.memory_space<hbm>>) target(%dma_start3A_66 : memref<128x48xf32, #tpu.memory_space<vmem>>) offsets(%dma_start3A_69 : memref<128xi32, #tpu.memory_space<vmem>>) semaphore(%arg11 : memref<!tpu.dma_semaphore, #tpu.memory_space<semaphore_mem>>)
    %dma_start3A_73 = arith.constant 4 : i32
    %dma_start3A_74 = arith.constant 4 : i32
    %dma_start3A_75 = arith.constant 0 : i32
    %dma_start3A_76 = arith.constant 0 : i32
    %dma_start3A_77 = tpu.memref_slice %arg10[%dma_start3A_74, %dma_start3A_75, %dma_start3A_76] : memref<10x128x48xf32, #tpu.memory_space<vmem>> -> memref<1x128x48xf32, #tpu.memory_space<vmem>>
    %dma_start3A_78 = tpu.memref_squeeze %dma_start3A_77 : memref<1x128x48xf32, #tpu.memory_space<vmem>> -> memref<128x48xf32, #tpu.memory_space<vmem>>
    %dma_start3A_79 = arith.constant 0 : i32
    %dma_start3A_80 = tpu.memref_slice %arg8[%dma_start3A_73, %dma_start3A_79] : memref<80x128xi32, #tpu.memory_space<vmem>> -> memref<1x128xi32, #tpu.memory_space<vmem>>
    %dma_start3A_81 = tpu.memref_squeeze %dma_start3A_80 : memref<1x128xi32, #tpu.memory_space<vmem>> -> memref<128xi32, #tpu.memory_space<vmem>>
    %dma_start3A_82 = arith.constant 0 : i32
    %dma_start3A_83 = arith.constant 0 : i32
    %dma_start3A_84 = tpu.memref_slice %arg2[%dma_start3A_82, %dma_start3A_83] : memref<10240x48xf32, #tpu.memory_space<hbm>> -> memref<10240x48xf32, #tpu.memory_space<hbm>>
    tpu.enqueue_indirect_dma source(%dma_start3A_84 : memref<10240x48xf32, #tpu.memory_space<hbm>>) target(%dma_start3A_78 : memref<128x48xf32, #tpu.memory_space<vmem>>) offsets(%dma_start3A_81 : memref<128xi32, #tpu.memory_space<vmem>>) semaphore(%arg11 : memref<!tpu.dma_semaphore, #tpu.memory_space<semaphore_mem>>)
    %scan3A = arith.constant 0 : i32
    %scan3A_85 = arith.constant 0 : i32
    %scan3A_86 = arith.constant 16 : i32
    %scan3A_87 = arith.addi %scan3A_85, %scan3A_86 : i32
    %scan3A_88 = arith.constant 1 : i32
    scf.for %scan3A_95 = %scan3A_85 to %scan3A_87 step %scan3A_88  : i32 {
      %jit3A = arith.constant 2 : i32
      %eq3A = arith.constant 0 : i32
      %eq3A_96 = arith.cmpi eq, %jit3A, %eq3A : i32
      %jit3A_97 = arith.constant 1 : i32
      %select_n3A = arith.select %eq3A_96, %jit3A_97, %jit3A : i32
      %rem3A = arith.remsi %scan3A_95, %select_n3A : i32
      %ne3A = arith.constant 0 : i32
      %ne3A_98 = arith.cmpi ne, %rem3A, %ne3A : i32
      %lt3A = arith.constant 0 : i32
      %lt3A_99 = arith.cmpi slt, %rem3A, %lt3A : i32
      %lt3A_100 = arith.constant 0 : i32
      %lt3A_101 = arith.cmpi slt, %select_n3A, %lt3A_100 : i32
      %ne3A_102 = arith.xori %lt3A_99, %lt3A_101 : i1
      %and3A = arith.andi %ne3A_102, %ne3A_98 : i1
      %add3A_103 = arith.addi %rem3A, %select_n3A : i32
      %select_n3A_104 = arith.select %and3A, %add3A_103, %rem3A : i32
      %mul3A_105 = arith.constant 5 : i32
      %mul3A_106 = arith.muli %select_n3A_104, %mul3A_105 : i32
      %sub3A = arith.constant 1 : i32
      %sub3A_107 = arith.subi %sub3A, %select_n3A_104 : i32
      %mul3A_108 = arith.constant 5 : i32
      %mul3A_109 = arith.muli %sub3A_107, %mul3A_108 : i32
      %mul3A_110 = arith.constant 5 : i32
      %mul3A_111 = arith.muli %scan3A_95, %mul3A_110 : i32
      %add3A_112 = arith.constant 0 : i32
      %add3A_113 = arith.addi %mul3A_111, %add3A_112 : i32
      %add3A_114 = arith.constant 0 : i32
      %add3A_115 = arith.addi %mul3A_106, %add3A_114 : i32
      %dma_wait3A = arith.constant 0 : i32
      %dma_wait3A_116 = arith.constant 0 : i32
      %dma_wait3A_117 = tpu.memref_slice %arg10[%add3A_115, %dma_wait3A, %dma_wait3A_116] : memref<10x128x48xf32, #tpu.memory_space<vmem>> -> memref<1x128x48xf32, #tpu.memory_space<vmem>>
      %dma_wait3A_118 = tpu.memref_squeeze %dma_wait3A_117 : memref<1x128x48xf32, #tpu.memory_space<vmem>> -> memref<128x48xf32, #tpu.memory_space<vmem>>
      %dma_wait3A_119 = arith.constant 0 : i32
      %dma_wait3A_120 = tpu.memref_slice %arg8[%add3A_113, %dma_wait3A_119] : memref<80x128xi32, #tpu.memory_space<vmem>> -> memref<1x128xi32, #tpu.memory_space<vmem>>
      %dma_wait3A_121 = tpu.memref_squeeze %dma_wait3A_120 : memref<1x128xi32, #tpu.memory_space<vmem>> -> memref<128xi32, #tpu.memory_space<vmem>>
      %dma_wait3A_122 = arith.constant 0 : i32
      %dma_wait3A_123 = arith.constant 0 : i32
      %dma_wait3A_124 = tpu.memref_slice %arg2[%dma_wait3A_122, %dma_wait3A_123] : memref<10240x48xf32, #tpu.memory_space<hbm>> -> memref<10240x48xf32, #tpu.memory_space<hbm>>
      tpu.wait_indirect_dma semaphore(%arg11 : memref<!tpu.dma_semaphore, #tpu.memory_space<semaphore_mem>>) src(%dma_wait3A_124 : memref<10240x48xf32, #tpu.memory_space<hbm>>) dst(%dma_wait3A_118 : memref<128x48xf32, #tpu.memory_space<vmem>>)
      %mul3A_125 = arith.constant 5 : i32
      %mul3A_126 = arith.muli %scan3A_95, %mul3A_125 : i32
      %add3A_127 = arith.constant 1 : i32
      %add3A_128 = arith.addi %mul3A_126, %add3A_127 : i32
      %add3A_129 = arith.constant 1 : i32
      %add3A_130 = arith.addi %mul3A_106, %add3A_129 : i32
      %dma_wait3A_131 = arith.constant 0 : i32
      %dma_wait3A_132 = arith.constant 0 : i32
      %dma_wait3A_133 = tpu.memref_slice %arg10[%add3A_130, %dma_wait3A_131, %dma_wait3A_132] : memref<10x128x48xf32, #tpu.memory_space<vmem>> -> memref<1x128x48xf32, #tpu.memory_space<vmem>>
      %dma_wait3A_134 = tpu.memref_squeeze %dma_wait3A_133 : memref<1x128x48xf32, #tpu.memory_space<vmem>> -> memref<128x48xf32, #tpu.memory_space<vmem>>
      %dma_wait3A_135 = arith.constant 0 : i32
      %dma_wait3A_136 = tpu.memref_slice %arg8[%add3A_128, %dma_wait3A_135] : memref<80x128xi32, #tpu.memory_space<vmem>> -> memref<1x128xi32, #tpu.memory_space<vmem>>
      %dma_wait3A_137 = tpu.memref_squeeze %dma_wait3A_136 : memref<1x128xi32, #tpu.memory_space<vmem>> -> memref<128xi32, #tpu.memory_space<vmem>>
      %dma_wait3A_138 = arith.constant 0 : i32
      %dma_wait3A_139 = arith.constant 0 : i32
      %dma_wait3A_140 = tpu.memref_slice %arg2[%dma_wait3A_138, %dma_wait3A_139] : memref<10240x48xf32, #tpu.memory_space<hbm>> -> memref<10240x48xf32, #tpu.memory_space<hbm>>
      tpu.wait_indirect_dma semaphore(%arg11 : memref<!tpu.dma_semaphore, #tpu.memory_space<semaphore_mem>>) src(%dma_wait3A_140 : memref<10240x48xf32, #tpu.memory_space<hbm>>) dst(%dma_wait3A_134 : memref<128x48xf32, #tpu.memory_space<vmem>>)
      %mul3A_141 = arith.constant 5 : i32
      %mul3A_142 = arith.muli %scan3A_95, %mul3A_141 : i32
      %add3A_143 = arith.constant 2 : i32
      %add3A_144 = arith.addi %mul3A_142, %add3A_143 : i32
      %add3A_145 = arith.constant 2 : i32
      %add3A_146 = arith.addi %mul3A_106, %add3A_145 : i32
      %dma_wait3A_147 = arith.constant 0 : i32
      %dma_wait3A_148 = arith.constant 0 : i32
      %dma_wait3A_149 = tpu.memref_slice %arg10[%add3A_146, %dma_wait3A_147, %dma_wait3A_148] : memref<10x128x48xf32, #tpu.memory_space<vmem>> -> memref<1x128x48xf32, #tpu.memory_space<vmem>>
      %dma_wait3A_150 = tpu.memref_squeeze %dma_wait3A_149 : memref<1x128x48xf32, #tpu.memory_space<vmem>> -> memref<128x48xf32, #tpu.memory_space<vmem>>
      %dma_wait3A_151 = arith.constant 0 : i32
      %dma_wait3A_152 = tpu.memref_slice %arg8[%add3A_144, %dma_wait3A_151] : memref<80x128xi32, #tpu.memory_space<vmem>> -> memref<1x128xi32, #tpu.memory_space<vmem>>
      %dma_wait3A_153 = tpu.memref_squeeze %dma_wait3A_152 : memref<1x128xi32, #tpu.memory_space<vmem>> -> memref<128xi32, #tpu.memory_space<vmem>>
      %dma_wait3A_154 = arith.constant 0 : i32
      %dma_wait3A_155 = arith.constant 0 : i32
      %dma_wait3A_156 = tpu.memref_slice %arg2[%dma_wait3A_154, %dma_wait3A_155] : memref<10240x48xf32, #tpu.memory_space<hbm>> -> memref<10240x48xf32, #tpu.memory_space<hbm>>
      tpu.wait_indirect_dma semaphore(%arg11 : memref<!tpu.dma_semaphore, #tpu.memory_space<semaphore_mem>>) src(%dma_wait3A_156 : memref<10240x48xf32, #tpu.memory_space<hbm>>) dst(%dma_wait3A_150 : memref<128x48xf32, #tpu.memory_space<vmem>>)
      %mul3A_157 = arith.constant 5 : i32
      %mul3A_158 = arith.muli %scan3A_95, %mul3A_157 : i32
      %add3A_159 = arith.constant 3 : i32
      %add3A_160 = arith.addi %mul3A_158, %add3A_159 : i32
      %add3A_161 = arith.constant 3 : i32
      %add3A_162 = arith.addi %mul3A_106, %add3A_161 : i32
      %dma_wait3A_163 = arith.constant 0 : i32
      %dma_wait3A_164 = arith.constant 0 : i32
      %dma_wait3A_165 = tpu.memref_slice %arg10[%add3A_162, %dma_wait3A_163, %dma_wait3A_164] : memref<10x128x48xf32, #tpu.memory_space<vmem>> -> memref<1x128x48xf32, #tpu.memory_space<vmem>>
      %dma_wait3A_166 = tpu.memref_squeeze %dma_wait3A_165 : memref<1x128x48xf32, #tpu.memory_space<vmem>> -> memref<128x48xf32, #tpu.memory_space<vmem>>
      %dma_wait3A_167 = arith.constant 0 : i32
      %dma_wait3A_168 = tpu.memref_slice %arg8[%add3A_160, %dma_wait3A_167] : memref<80x128xi32, #tpu.memory_space<vmem>> -> memref<1x128xi32, #tpu.memory_space<vmem>>
      %dma_wait3A_169 = tpu.memref_squeeze %dma_wait3A_168 : memref<1x128xi32, #tpu.memory_space<vmem>> -> memref<128xi32, #tpu.memory_space<vmem>>
      %dma_wait3A_170 = arith.constant 0 : i32
      %dma_wait3A_171 = arith.constant 0 : i32
      %dma_wait3A_172 = tpu.memref_slice %arg2[%dma_wait3A_170, %dma_wait3A_171] : memref<10240x48xf32, #tpu.memory_space<hbm>> -> memref<10240x48xf32, #tpu.memory_space<hbm>>
      tpu.wait_indirect_dma semaphore(%arg11 : memref<!tpu.dma_semaphore, #tpu.memory_space<semaphore_mem>>) src(%dma_wait3A_172 : memref<10240x48xf32, #tpu.memory_space<hbm>>) dst(%dma_wait3A_166 : memref<128x48xf32, #tpu.memory_space<vmem>>)
      %mul3A_173 = arith.constant 5 : i32
      %mul3A_174 = arith.muli %scan3A_95, %mul3A_173 : i32
      %add3A_175 = arith.constant 4 : i32
      %add3A_176 = arith.addi %mul3A_174, %add3A_175 : i32
      %add3A_177 = arith.constant 4 : i32
      %add3A_178 = arith.addi %mul3A_106, %add3A_177 : i32
      %dma_wait3A_179 = arith.constant 0 : i32
      %dma_wait3A_180 = arith.constant 0 : i32
      %dma_wait3A_181 = tpu.memref_slice %arg10[%add3A_178, %dma_wait3A_179, %dma_wait3A_180] : memref<10x128x48xf32, #tpu.memory_space<vmem>> -> memref<1x128x48xf32, #tpu.memory_space<vmem>>
      %dma_wait3A_182 = tpu.memref_squeeze %dma_wait3A_181 : memref<1x128x48xf32, #tpu.memory_space<vmem>> -> memref<128x48xf32, #tpu.memory_space<vmem>>
      %dma_wait3A_183 = arith.constant 0 : i32
      %dma_wait3A_184 = tpu.memref_slice %arg8[%add3A_176, %dma_wait3A_183] : memref<80x128xi32, #tpu.memory_space<vmem>> -> memref<1x128xi32, #tpu.memory_space<vmem>>
      %dma_wait3A_185 = tpu.memref_squeeze %dma_wait3A_184 : memref<1x128xi32, #tpu.memory_space<vmem>> -> memref<128xi32, #tpu.memory_space<vmem>>
      %dma_wait3A_186 = arith.constant 0 : i32
      %dma_wait3A_187 = arith.constant 0 : i32
      %dma_wait3A_188 = tpu.memref_slice %arg2[%dma_wait3A_186, %dma_wait3A_187] : memref<10240x48xf32, #tpu.memory_space<hbm>> -> memref<10240x48xf32, #tpu.memory_space<hbm>>
      tpu.wait_indirect_dma semaphore(%arg11 : memref<!tpu.dma_semaphore, #tpu.memory_space<semaphore_mem>>) src(%dma_wait3A_188 : memref<10240x48xf32, #tpu.memory_space<hbm>>) dst(%dma_wait3A_182 : memref<128x48xf32, #tpu.memory_space<vmem>>)
      %mul3A_189 = arith.constant 5 : i32
      %mul3A_190 = arith.muli %scan3A_95, %mul3A_189 : i32
      %add3A_191 = arith.constant 0 : i32
      %add3A_192 = arith.addi %mul3A_190, %add3A_191 : i32
      %add3A_193 = arith.constant 0 : i32
      %add3A_194 = arith.addi %mul3A_106, %add3A_193 : i32
      %dma_start3A_195 = arith.constant 0 : i32
      %dma_start3A_196 = arith.constant 0 : i32
      %dma_start3A_197 = tpu.memref_slice %arg10[%add3A_194, %dma_start3A_195, %dma_start3A_196] : memref<10x128x48xf32, #tpu.memory_space<vmem>> -> memref<1x128x48xf32, #tpu.memory_space<vmem>>
      %dma_start3A_198 = tpu.memref_squeeze %dma_start3A_197 : memref<1x128x48xf32, #tpu.memory_space<vmem>> -> memref<128x48xf32, #tpu.memory_space<vmem>>
      %dma_start3A_199 = arith.constant 0 : i32
      %dma_start3A_200 = tpu.memref_slice %arg9[%add3A_192, %dma_start3A_199] : memref<80x128xi32, #tpu.memory_space<vmem>> -> memref<1x128xi32, #tpu.memory_space<vmem>>
      %dma_start3A_201 = tpu.memref_squeeze %dma_start3A_200 : memref<1x128xi32, #tpu.memory_space<vmem>> -> memref<128xi32, #tpu.memory_space<vmem>>
      %dma_start3A_202 = arith.constant 0 : i32
      %dma_start3A_203 = arith.constant 0 : i32
      %dma_start3A_204 = tpu.memref_slice %arg7[%dma_start3A_202, %dma_start3A_203] : memref<10240x48xf32, #tpu.memory_space<vmem_shared>> -> memref<10240x48xf32, #tpu.memory_space<vmem_shared>>
      tpu.enqueue_indirect_dma source(%dma_start3A_198 : memref<128x48xf32, #tpu.memory_space<vmem>>) target(%dma_start3A_204 : memref<10240x48xf32, #tpu.memory_space<vmem_shared>>) offsets(%dma_start3A_201 : memref<128xi32, #tpu.memory_space<vmem>>) semaphore(%arg12 : memref<!tpu.dma_semaphore, #tpu.memory_space<semaphore_mem>>) {add = true}
      %mul3A_205 = arith.constant 5 : i32
      %mul3A_206 = arith.muli %scan3A_95, %mul3A_205 : i32
      %add3A_207 = arith.constant 1 : i32
      %add3A_208 = arith.addi %mul3A_206, %add3A_207 : i32
      %add3A_209 = arith.constant 1 : i32
      %add3A_210 = arith.addi %mul3A_106, %add3A_209 : i32
      %dma_start3A_211 = arith.constant 0 : i32
      %dma_start3A_212 = arith.constant 0 : i32
      %dma_start3A_213 = tpu.memref_slice %arg10[%add3A_210, %dma_start3A_211, %dma_start3A_212] : memref<10x128x48xf32, #tpu.memory_space<vmem>> -> memref<1x128x48xf32, #tpu.memory_space<vmem>>
      %dma_start3A_214 = tpu.memref_squeeze %dma_start3A_213 : memref<1x128x48xf32, #tpu.memory_space<vmem>> -> memref<128x48xf32, #tpu.memory_space<vmem>>
      %dma_start3A_215 = arith.constant 0 : i32
      %dma_start3A_216 = tpu.memref_slice %arg9[%add3A_208, %dma_start3A_215] : memref<80x128xi32, #tpu.memory_space<vmem>> -> memref<1x128xi32, #tpu.memory_space<vmem>>
      %dma_start3A_217 = tpu.memref_squeeze %dma_start3A_216 : memref<1x128xi32, #tpu.memory_space<vmem>> -> memref<128xi32, #tpu.memory_space<vmem>>
      %dma_start3A_218 = arith.constant 0 : i32
      %dma_start3A_219 = arith.constant 0 : i32
      %dma_start3A_220 = tpu.memref_slice %arg7[%dma_start3A_218, %dma_start3A_219] : memref<10240x48xf32, #tpu.memory_space<vmem_shared>> -> memref<10240x48xf32, #tpu.memory_space<vmem_shared>>
      tpu.enqueue_indirect_dma source(%dma_start3A_214 : memref<128x48xf32, #tpu.memory_space<vmem>>) target(%dma_start3A_220 : memref<10240x48xf32, #tpu.memory_space<vmem_shared>>) offsets(%dma_start3A_217 : memref<128xi32, #tpu.memory_space<vmem>>) semaphore(%arg12 : memref<!tpu.dma_semaphore, #tpu.memory_space<semaphore_mem>>) {add = true}
      %mul3A_221 = arith.constant 5 : i32
      %mul3A_222 = arith.muli %scan3A_95, %mul3A_221 : i32
      %add3A_223 = arith.constant 2 : i32
      %add3A_224 = arith.addi %mul3A_222, %add3A_223 : i32
      %add3A_225 = arith.constant 2 : i32
      %add3A_226 = arith.addi %mul3A_106, %add3A_225 : i32
      %dma_start3A_227 = arith.constant 0 : i32
      %dma_start3A_228 = arith.constant 0 : i32
      %dma_start3A_229 = tpu.memref_slice %arg10[%add3A_226, %dma_start3A_227, %dma_start3A_228] : memref<10x128x48xf32, #tpu.memory_space<vmem>> -> memref<1x128x48xf32, #tpu.memory_space<vmem>>
      %dma_start3A_230 = tpu.memref_squeeze %dma_start3A_229 : memref<1x128x48xf32, #tpu.memory_space<vmem>> -> memref<128x48xf32, #tpu.memory_space<vmem>>
      %dma_start3A_231 = arith.constant 0 : i32
      %dma_start3A_232 = tpu.memref_slice %arg9[%add3A_224, %dma_start3A_231] : memref<80x128xi32, #tpu.memory_space<vmem>> -> memref<1x128xi32, #tpu.memory_space<vmem>>
      %dma_start3A_233 = tpu.memref_squeeze %dma_start3A_232 : memref<1x128xi32, #tpu.memory_space<vmem>> -> memref<128xi32, #tpu.memory_space<vmem>>
      %dma_start3A_234 = arith.constant 0 : i32
      %dma_start3A_235 = arith.constant 0 : i32
      %dma_start3A_236 = tpu.memref_slice %arg7[%dma_start3A_234, %dma_start3A_235] : memref<10240x48xf32, #tpu.memory_space<vmem_shared>> -> memref<10240x48xf32, #tpu.memory_space<vmem_shared>>
      tpu.enqueue_indirect_dma source(%dma_start3A_230 : memref<128x48xf32, #tpu.memory_space<vmem>>) target(%dma_start3A_236 : memref<10240x48xf32, #tpu.memory_space<vmem_shared>>) offsets(%dma_start3A_233 : memref<128xi32, #tpu.memory_space<vmem>>) semaphore(%arg12 : memref<!tpu.dma_semaphore, #tpu.memory_space<semaphore_mem>>) {add = true}
      %mul3A_237 = arith.constant 5 : i32
      %mul3A_238 = arith.muli %scan3A_95, %mul3A_237 : i32
      %add3A_239 = arith.constant 3 : i32
      %add3A_240 = arith.addi %mul3A_238, %add3A_239 : i32
      %add3A_241 = arith.constant 3 : i32
      %add3A_242 = arith.addi %mul3A_106, %add3A_241 : i32
      %dma_start3A_243 = arith.constant 0 : i32
      %dma_start3A_244 = arith.constant 0 : i32
      %dma_start3A_245 = tpu.memref_slice %arg10[%add3A_242, %dma_start3A_243, %dma_start3A_244] : memref<10x128x48xf32, #tpu.memory_space<vmem>> -> memref<1x128x48xf32, #tpu.memory_space<vmem>>
      %dma_start3A_246 = tpu.memref_squeeze %dma_start3A_245 : memref<1x128x48xf32, #tpu.memory_space<vmem>> -> memref<128x48xf32, #tpu.memory_space<vmem>>
      %dma_start3A_247 = arith.constant 0 : i32
      %dma_start3A_248 = tpu.memref_slice %arg9[%add3A_240, %dma_start3A_247] : memref<80x128xi32, #tpu.memory_space<vmem>> -> memref<1x128xi32, #tpu.memory_space<vmem>>
      %dma_start3A_249 = tpu.memref_squeeze %dma_start3A_248 : memref<1x128xi32, #tpu.memory_space<vmem>> -> memref<128xi32, #tpu.memory_space<vmem>>
      %dma_start3A_250 = arith.constant 0 : i32
      %dma_start3A_251 = arith.constant 0 : i32
      %dma_start3A_252 = tpu.memref_slice %arg7[%dma_start3A_250, %dma_start3A_251] : memref<10240x48xf32, #tpu.memory_space<vmem_shared>> -> memref<10240x48xf32, #tpu.memory_space<vmem_shared>>
      tpu.enqueue_indirect_dma source(%dma_start3A_246 : memref<128x48xf32, #tpu.memory_space<vmem>>) target(%dma_start3A_252 : memref<10240x48xf32, #tpu.memory_space<vmem_shared>>) offsets(%dma_start3A_249 : memref<128xi32, #tpu.memory_space<vmem>>) semaphore(%arg12 : memref<!tpu.dma_semaphore, #tpu.memory_space<semaphore_mem>>) {add = true}
      %mul3A_253 = arith.constant 5 : i32
      %mul3A_254 = arith.muli %scan3A_95, %mul3A_253 : i32
      %add3A_255 = arith.constant 4 : i32
      %add3A_256 = arith.addi %mul3A_254, %add3A_255 : i32
      %add3A_257 = arith.constant 4 : i32
      %add3A_258 = arith.addi %mul3A_106, %add3A_257 : i32
      %dma_start3A_259 = arith.constant 0 : i32
      %dma_start3A_260 = arith.constant 0 : i32
      %dma_start3A_261 = tpu.memref_slice %arg10[%add3A_258, %dma_start3A_259, %dma_start3A_260] : memref<10x128x48xf32, #tpu.memory_space<vmem>> -> memref<1x128x48xf32, #tpu.memory_space<vmem>>
      %dma_start3A_262 = tpu.memref_squeeze %dma_start3A_261 : memref<1x128x48xf32, #tpu.memory_space<vmem>> -> memref<128x48xf32, #tpu.memory_space<vmem>>
      %dma_start3A_263 = arith.constant 0 : i32
      %dma_start3A_264 = tpu.memref_slice %arg9[%add3A_256, %dma_start3A_263] : memref<80x128xi32, #tpu.memory_space<vmem>> -> memref<1x128xi32, #tpu.memory_space<vmem>>
      %dma_start3A_265 = tpu.memref_squeeze %dma_start3A_264 : memref<1x128xi32, #tpu.memory_space<vmem>> -> memref<128xi32, #tpu.memory_space<vmem>>
      %dma_start3A_266 = arith.constant 0 : i32
      %dma_start3A_267 = arith.constant 0 : i32
      %dma_start3A_268 = tpu.memref_slice %arg7[%dma_start3A_266, %dma_start3A_267] : memref<10240x48xf32, #tpu.memory_space<vmem_shared>> -> memref<10240x48xf32, #tpu.memory_space<vmem_shared>>
      tpu.enqueue_indirect_dma source(%dma_start3A_262 : memref<128x48xf32, #tpu.memory_space<vmem>>) target(%dma_start3A_268 : memref<10240x48xf32, #tpu.memory_space<vmem_shared>>) offsets(%dma_start3A_265 : memref<128xi32, #tpu.memory_space<vmem>>) semaphore(%arg12 : memref<!tpu.dma_semaphore, #tpu.memory_space<semaphore_mem>>) {add = true}
      %add3A_269 = arith.constant 1 : i32
      %add3A_270 = arith.addi %scan3A_95, %add3A_269 : i32
      %mul3A_271 = arith.constant 5 : i32
      %mul3A_272 = arith.muli %add3A_270, %mul3A_271 : i32
      %add3A_273 = arith.constant 0 : i32
      %add3A_274 = arith.addi %mul3A_272, %add3A_273 : i32
      %lt3A_275 = arith.constant 80 : i32
      %lt3A_276 = arith.cmpi slt, %add3A_274, %lt3A_275 : i32
      %convert_element_type3A = arith.extui %lt3A_276 : i1 to i32
      %cond3A = arith.constant 0 : i32
      %cond3A_277 = arith.cmpi ne, %convert_element_type3A, %cond3A : i32
      scf.if %cond3A_277 {
        %add3A_402 = arith.constant 0 : i32
        %add3A_403 = arith.addi %mul3A_109, %add3A_402 : i32
        %dma_start3A_404 = arith.constant 0 : i32
        %dma_start3A_405 = arith.constant 0 : i32
        %dma_start3A_406 = tpu.memref_slice %arg10[%add3A_403, %dma_start3A_404, %dma_start3A_405] : memref<10x128x48xf32, #tpu.memory_space<vmem>> -> memref<1x128x48xf32, #tpu.memory_space<vmem>>
        %dma_start3A_407 = tpu.memref_squeeze %dma_start3A_406 : memref<1x128x48xf32, #tpu.memory_space<vmem>> -> memref<128x48xf32, #tpu.memory_space<vmem>>
        %dma_start3A_408 = arith.constant 0 : i32
        %dma_start3A_409 = tpu.memref_slice %arg8[%add3A_274, %dma_start3A_408] : memref<80x128xi32, #tpu.memory_space<vmem>> -> memref<1x128xi32, #tpu.memory_space<vmem>>
        %dma_start3A_410 = tpu.memref_squeeze %dma_start3A_409 : memref<1x128xi32, #tpu.memory_space<vmem>> -> memref<128xi32, #tpu.memory_space<vmem>>
        %dma_start3A_411 = arith.constant 0 : i32
        %dma_start3A_412 = arith.constant 0 : i32
        %dma_start3A_413 = tpu.memref_slice %arg2[%dma_start3A_411, %dma_start3A_412] : memref<10240x48xf32, #tpu.memory_space<hbm>> -> memref<10240x48xf32, #tpu.memory_space<hbm>>
        tpu.enqueue_indirect_dma source(%dma_start3A_413 : memref<10240x48xf32, #tpu.memory_space<hbm>>) target(%dma_start3A_407 : memref<128x48xf32, #tpu.memory_space<vmem>>) offsets(%dma_start3A_410 : memref<128xi32, #tpu.memory_space<vmem>>) semaphore(%arg11 : memref<!tpu.dma_semaphore, #tpu.memory_space<semaphore_mem>>)
      } else {
      }
      %add3A_278 = arith.constant 1 : i32
      %add3A_279 = arith.addi %scan3A_95, %add3A_278 : i32
      %mul3A_280 = arith.constant 5 : i32
      %mul3A_281 = arith.muli %add3A_279, %mul3A_280 : i32
      %add3A_282 = arith.constant 1 : i32
      %add3A_283 = arith.addi %mul3A_281, %add3A_282 : i32
      %lt3A_284 = arith.constant 80 : i32
      %lt3A_285 = arith.cmpi slt, %add3A_283, %lt3A_284 : i32
      %convert_element_type3A_286 = arith.extui %lt3A_285 : i1 to i32
      %cond3A_287 = arith.constant 0 : i32
      %cond3A_288 = arith.cmpi ne, %convert_element_type3A_286, %cond3A_287 : i32
      scf.if %cond3A_288 {
        %add3A_402 = arith.constant 1 : i32
        %add3A_403 = arith.addi %mul3A_109, %add3A_402 : i32
        %dma_start3A_404 = arith.constant 0 : i32
        %dma_start3A_405 = arith.constant 0 : i32
        %dma_start3A_406 = tpu.memref_slice %arg10[%add3A_403, %dma_start3A_404, %dma_start3A_405] : memref<10x128x48xf32, #tpu.memory_space<vmem>> -> memref<1x128x48xf32, #tpu.memory_space<vmem>>
        %dma_start3A_407 = tpu.memref_squeeze %dma_start3A_406 : memref<1x128x48xf32, #tpu.memory_space<vmem>> -> memref<128x48xf32, #tpu.memory_space<vmem>>
        %dma_start3A_408 = arith.constant 0 : i32
        %dma_start3A_409 = tpu.memref_slice %arg8[%add3A_283, %dma_start3A_408] : memref<80x128xi32, #tpu.memory_space<vmem>> -> memref<1x128xi32, #tpu.memory_space<vmem>>
        %dma_start3A_410 = tpu.memref_squeeze %dma_start3A_409 : memref<1x128xi32, #tpu.memory_space<vmem>> -> memref<128xi32, #tpu.memory_space<vmem>>
        %dma_start3A_411 = arith.constant 0 : i32
        %dma_start3A_412 = arith.constant 0 : i32
        %dma_start3A_413 = tpu.memref_slice %arg2[%dma_start3A_411, %dma_start3A_412] : memref<10240x48xf32, #tpu.memory_space<hbm>> -> memref<10240x48xf32, #tpu.memory_space<hbm>>
        tpu.enqueue_indirect_dma source(%dma_start3A_413 : memref<10240x48xf32, #tpu.memory_space<hbm>>) target(%dma_start3A_407 : memref<128x48xf32, #tpu.memory_space<vmem>>) offsets(%dma_start3A_410 : memref<128xi32, #tpu.memory_space<vmem>>) semaphore(%arg11 : memref<!tpu.dma_semaphore, #tpu.memory_space<semaphore_mem>>)
      } else {
      }
      %add3A_289 = arith.constant 1 : i32
      %add3A_290 = arith.addi %scan3A_95, %add3A_289 : i32
      %mul3A_291 = arith.constant 5 : i32
      %mul3A_292 = arith.muli %add3A_290, %mul3A_291 : i32
      %add3A_293 = arith.constant 2 : i32
      %add3A_294 = arith.addi %mul3A_292, %add3A_293 : i32
      %lt3A_295 = arith.constant 80 : i32
      %lt3A_296 = arith.cmpi slt, %add3A_294, %lt3A_295 : i32
      %convert_element_type3A_297 = arith.extui %lt3A_296 : i1 to i32
      %cond3A_298 = arith.constant 0 : i32
      %cond3A_299 = arith.cmpi ne, %convert_element_type3A_297, %cond3A_298 : i32
      scf.if %cond3A_299 {
        %add3A_402 = arith.constant 2 : i32
        %add3A_403 = arith.addi %mul3A_109, %add3A_402 : i32
        %dma_start3A_404 = arith.constant 0 : i32
        %dma_start3A_405 = arith.constant 0 : i32
        %dma_start3A_406 = tpu.memref_slice %arg10[%add3A_403, %dma_start3A_404, %dma_start3A_405] : memref<10x128x48xf32, #tpu.memory_space<vmem>> -> memref<1x128x48xf32, #tpu.memory_space<vmem>>
        %dma_start3A_407 = tpu.memref_squeeze %dma_start3A_406 : memref<1x128x48xf32, #tpu.memory_space<vmem>> -> memref<128x48xf32, #tpu.memory_space<vmem>>
        %dma_start3A_408 = arith.constant 0 : i32
        %dma_start3A_409 = tpu.memref_slice %arg8[%add3A_294, %dma_start3A_408] : memref<80x128xi32, #tpu.memory_space<vmem>> -> memref<1x128xi32, #tpu.memory_space<vmem>>
        %dma_start3A_410 = tpu.memref_squeeze %dma_start3A_409 : memref<1x128xi32, #tpu.memory_space<vmem>> -> memref<128xi32, #tpu.memory_space<vmem>>
        %dma_start3A_411 = arith.constant 0 : i32
        %dma_start3A_412 = arith.constant 0 : i32
        %dma_start3A_413 = tpu.memref_slice %arg2[%dma_start3A_411, %dma_start3A_412] : memref<10240x48xf32, #tpu.memory_space<hbm>> -> memref<10240x48xf32, #tpu.memory_space<hbm>>
        tpu.enqueue_indirect_dma source(%dma_start3A_413 : memref<10240x48xf32, #tpu.memory_space<hbm>>) target(%dma_start3A_407 : memref<128x48xf32, #tpu.memory_space<vmem>>) offsets(%dma_start3A_410 : memref<128xi32, #tpu.memory_space<vmem>>) semaphore(%arg11 : memref<!tpu.dma_semaphore, #tpu.memory_space<semaphore_mem>>)
      } else {
      }
      %add3A_300 = arith.constant 1 : i32
      %add3A_301 = arith.addi %scan3A_95, %add3A_300 : i32
      %mul3A_302 = arith.constant 5 : i32
      %mul3A_303 = arith.muli %add3A_301, %mul3A_302 : i32
      %add3A_304 = arith.constant 3 : i32
      %add3A_305 = arith.addi %mul3A_303, %add3A_304 : i32
      %lt3A_306 = arith.constant 80 : i32
      %lt3A_307 = arith.cmpi slt, %add3A_305, %lt3A_306 : i32
      %convert_element_type3A_308 = arith.extui %lt3A_307 : i1 to i32
      %cond3A_309 = arith.constant 0 : i32
      %cond3A_310 = arith.cmpi ne, %convert_element_type3A_308, %cond3A_309 : i32
      scf.if %cond3A_310 {
        %add3A_402 = arith.constant 3 : i32
        %add3A_403 = arith.addi %mul3A_109, %add3A_402 : i32
        %dma_start3A_404 = arith.constant 0 : i32
        %dma_start3A_405 = arith.constant 0 : i32
        %dma_start3A_406 = tpu.memref_slice %arg10[%add3A_403, %dma_start3A_404, %dma_start3A_405] : memref<10x128x48xf32, #tpu.memory_space<vmem>> -> memref<1x128x48xf32, #tpu.memory_space<vmem>>
        %dma_start3A_407 = tpu.memref_squeeze %dma_start3A_406 : memref<1x128x48xf32, #tpu.memory_space<vmem>> -> memref<128x48xf32, #tpu.memory_space<vmem>>
        %dma_start3A_408 = arith.constant 0 : i32
        %dma_start3A_409 = tpu.memref_slice %arg8[%add3A_305, %dma_start3A_408] : memref<80x128xi32, #tpu.memory_space<vmem>> -> memref<1x128xi32, #tpu.memory_space<vmem>>
        %dma_start3A_410 = tpu.memref_squeeze %dma_start3A_409 : memref<1x128xi32, #tpu.memory_space<vmem>> -> memref<128xi32, #tpu.memory_space<vmem>>
        %dma_start3A_411 = arith.constant 0 : i32
        %dma_start3A_412 = arith.constant 0 : i32
        %dma_start3A_413 = tpu.memref_slice %arg2[%dma_start3A_411, %dma_start3A_412] : memref<10240x48xf32, #tpu.memory_space<hbm>> -> memref<10240x48xf32, #tpu.memory_space<hbm>>
        tpu.enqueue_indirect_dma source(%dma_start3A_413 : memref<10240x48xf32, #tpu.memory_space<hbm>>) target(%dma_start3A_407 : memref<128x48xf32, #tpu.memory_space<vmem>>) offsets(%dma_start3A_410 : memref<128xi32, #tpu.memory_space<vmem>>) semaphore(%arg11 : memref<!tpu.dma_semaphore, #tpu.memory_space<semaphore_mem>>)
      } else {
      }
      %add3A_311 = arith.constant 1 : i32
      %add3A_312 = arith.addi %scan3A_95, %add3A_311 : i32
      %mul3A_313 = arith.constant 5 : i32
      %mul3A_314 = arith.muli %add3A_312, %mul3A_313 : i32
      %add3A_315 = arith.constant 4 : i32
      %add3A_316 = arith.addi %mul3A_314, %add3A_315 : i32
      %lt3A_317 = arith.constant 80 : i32
      %lt3A_318 = arith.cmpi slt, %add3A_316, %lt3A_317 : i32
      %convert_element_type3A_319 = arith.extui %lt3A_318 : i1 to i32
      %cond3A_320 = arith.constant 0 : i32
      %cond3A_321 = arith.cmpi ne, %convert_element_type3A_319, %cond3A_320 : i32
      scf.if %cond3A_321 {
        %add3A_402 = arith.constant 4 : i32
        %add3A_403 = arith.addi %mul3A_109, %add3A_402 : i32
        %dma_start3A_404 = arith.constant 0 : i32
        %dma_start3A_405 = arith.constant 0 : i32
        %dma_start3A_406 = tpu.memref_slice %arg10[%add3A_403, %dma_start3A_404, %dma_start3A_405] : memref<10x128x48xf32, #tpu.memory_space<vmem>> -> memref<1x128x48xf32, #tpu.memory_space<vmem>>
        %dma_start3A_407 = tpu.memref_squeeze %dma_start3A_406 : memref<1x128x48xf32, #tpu.memory_space<vmem>> -> memref<128x48xf32, #tpu.memory_space<vmem>>
        %dma_start3A_408 = arith.constant 0 : i32
        %dma_start3A_409 = tpu.memref_slice %arg8[%add3A_316, %dma_start3A_408] : memref<80x128xi32, #tpu.memory_space<vmem>> -> memref<1x128xi32, #tpu.memory_space<vmem>>
        %dma_start3A_410 = tpu.memref_squeeze %dma_start3A_409 : memref<1x128xi32, #tpu.memory_space<vmem>> -> memref<128xi32, #tpu.memory_space<vmem>>
        %dma_start3A_411 = arith.constant 0 : i32
        %dma_start3A_412 = arith.constant 0 : i32
        %dma_start3A_413 = tpu.memref_slice %arg2[%dma_start3A_411, %dma_start3A_412] : memref<10240x48xf32, #tpu.memory_space<hbm>> -> memref<10240x48xf32, #tpu.memory_space<hbm>>
        tpu.enqueue_indirect_dma source(%dma_start3A_413 : memref<10240x48xf32, #tpu.memory_space<hbm>>) target(%dma_start3A_407 : memref<128x48xf32, #tpu.memory_space<vmem>>) offsets(%dma_start3A_410 : memref<128xi32, #tpu.memory_space<vmem>>) semaphore(%arg11 : memref<!tpu.dma_semaphore, #tpu.memory_space<semaphore_mem>>)
      } else {
      }
      %mul3A_322 = arith.constant 5 : i32
      %mul3A_323 = arith.muli %scan3A_95, %mul3A_322 : i32
      %add3A_324 = arith.constant 0 : i32
      %add3A_325 = arith.addi %mul3A_323, %add3A_324 : i32
      %add3A_326 = arith.constant 0 : i32
      %add3A_327 = arith.addi %mul3A_106, %add3A_326 : i32
      %dma_wait3A_328 = arith.constant 0 : i32
      %dma_wait3A_329 = arith.constant 0 : i32
      %dma_wait3A_330 = tpu.memref_slice %arg10[%add3A_327, %dma_wait3A_328, %dma_wait3A_329] : memref<10x128x48xf32, #tpu.memory_space<vmem>> -> memref<1x128x48xf32, #tpu.memory_space<vmem>>
      %dma_wait3A_331 = tpu.memref_squeeze %dma_wait3A_330 : memref<1x128x48xf32, #tpu.memory_space<vmem>> -> memref<128x48xf32, #tpu.memory_space<vmem>>
      %dma_wait3A_332 = arith.constant 0 : i32
      %dma_wait3A_333 = tpu.memref_slice %arg9[%add3A_325, %dma_wait3A_332] : memref<80x128xi32, #tpu.memory_space<vmem>> -> memref<1x128xi32, #tpu.memory_space<vmem>>
      %dma_wait3A_334 = tpu.memref_squeeze %dma_wait3A_333 : memref<1x128xi32, #tpu.memory_space<vmem>> -> memref<128xi32, #tpu.memory_space<vmem>>
      %dma_wait3A_335 = arith.constant 0 : i32
      %dma_wait3A_336 = arith.constant 0 : i32
      %dma_wait3A_337 = tpu.memref_slice %arg7[%dma_wait3A_335, %dma_wait3A_336] : memref<10240x48xf32, #tpu.memory_space<vmem_shared>> -> memref<10240x48xf32, #tpu.memory_space<vmem_shared>>
      tpu.wait_indirect_dma semaphore(%arg12 : memref<!tpu.dma_semaphore, #tpu.memory_space<semaphore_mem>>) src(%dma_wait3A_331 : memref<128x48xf32, #tpu.memory_space<vmem>>) dst(%dma_wait3A_337 : memref<10240x48xf32, #tpu.memory_space<vmem_shared>>)
      %mul3A_338 = arith.constant 5 : i32
      %mul3A_339 = arith.muli %scan3A_95, %mul3A_338 : i32
      %add3A_340 = arith.constant 1 : i32
      %add3A_341 = arith.addi %mul3A_339, %add3A_340 : i32
      %add3A_342 = arith.constant 1 : i32
      %add3A_343 = arith.addi %mul3A_106, %add3A_342 : i32
      %dma_wait3A_344 = arith.constant 0 : i32
      %dma_wait3A_345 = arith.constant 0 : i32
      %dma_wait3A_346 = tpu.memref_slice %arg10[%add3A_343, %dma_wait3A_344, %dma_wait3A_345] : memref<10x128x48xf32, #tpu.memory_space<vmem>> -> memref<1x128x48xf32, #tpu.memory_space<vmem>>
      %dma_wait3A_347 = tpu.memref_squeeze %dma_wait3A_346 : memref<1x128x48xf32, #tpu.memory_space<vmem>> -> memref<128x48xf32, #tpu.memory_space<vmem>>
      %dma_wait3A_348 = arith.constant 0 : i32
      %dma_wait3A_349 = tpu.memref_slice %arg9[%add3A_341, %dma_wait3A_348] : memref<80x128xi32, #tpu.memory_space<vmem>> -> memref<1x128xi32, #tpu.memory_space<vmem>>
      %dma_wait3A_350 = tpu.memref_squeeze %dma_wait3A_349 : memref<1x128xi32, #tpu.memory_space<vmem>> -> memref<128xi32, #tpu.memory_space<vmem>>
      %dma_wait3A_351 = arith.constant 0 : i32
      %dma_wait3A_352 = arith.constant 0 : i32
      %dma_wait3A_353 = tpu.memref_slice %arg7[%dma_wait3A_351, %dma_wait3A_352] : memref<10240x48xf32, #tpu.memory_space<vmem_shared>> -> memref<10240x48xf32, #tpu.memory_space<vmem_shared>>
      tpu.wait_indirect_dma semaphore(%arg12 : memref<!tpu.dma_semaphore, #tpu.memory_space<semaphore_mem>>) src(%dma_wait3A_347 : memref<128x48xf32, #tpu.memory_space<vmem>>) dst(%dma_wait3A_353 : memref<10240x48xf32, #tpu.memory_space<vmem_shared>>)
      %mul3A_354 = arith.constant 5 : i32
      %mul3A_355 = arith.muli %scan3A_95, %mul3A_354 : i32
      %add3A_356 = arith.constant 2 : i32
      %add3A_357 = arith.addi %mul3A_355, %add3A_356 : i32
      %add3A_358 = arith.constant 2 : i32
      %add3A_359 = arith.addi %mul3A_106, %add3A_358 : i32
      %dma_wait3A_360 = arith.constant 0 : i32
      %dma_wait3A_361 = arith.constant 0 : i32
      %dma_wait3A_362 = tpu.memref_slice %arg10[%add3A_359, %dma_wait3A_360, %dma_wait3A_361] : memref<10x128x48xf32, #tpu.memory_space<vmem>> -> memref<1x128x48xf32, #tpu.memory_space<vmem>>
      %dma_wait3A_363 = tpu.memref_squeeze %dma_wait3A_362 : memref<1x128x48xf32, #tpu.memory_space<vmem>> -> memref<128x48xf32, #tpu.memory_space<vmem>>
      %dma_wait3A_364 = arith.constant 0 : i32
      %dma_wait3A_365 = tpu.memref_slice %arg9[%add3A_357, %dma_wait3A_364] : memref<80x128xi32, #tpu.memory_space<vmem>> -> memref<1x128xi32, #tpu.memory_space<vmem>>
      %dma_wait3A_366 = tpu.memref_squeeze %dma_wait3A_365 : memref<1x128xi32, #tpu.memory_space<vmem>> -> memref<128xi32, #tpu.memory_space<vmem>>
      %dma_wait3A_367 = arith.constant 0 : i32
      %dma_wait3A_368 = arith.constant 0 : i32
      %dma_wait3A_369 = tpu.memref_slice %arg7[%dma_wait3A_367, %dma_wait3A_368] : memref<10240x48xf32, #tpu.memory_space<vmem_shared>> -> memref<10240x48xf32, #tpu.memory_space<vmem_shared>>
      tpu.wait_indirect_dma semaphore(%arg12 : memref<!tpu.dma_semaphore, #tpu.memory_space<semaphore_mem>>) src(%dma_wait3A_363 : memref<128x48xf32, #tpu.memory_space<vmem>>) dst(%dma_wait3A_369 : memref<10240x48xf32, #tpu.memory_space<vmem_shared>>)
      %mul3A_370 = arith.constant 5 : i32
      %mul3A_371 = arith.muli %scan3A_95, %mul3A_370 : i32
      %add3A_372 = arith.constant 3 : i32
      %add3A_373 = arith.addi %mul3A_371, %add3A_372 : i32
      %add3A_374 = arith.constant 3 : i32
      %add3A_375 = arith.addi %mul3A_106, %add3A_374 : i32
      %dma_wait3A_376 = arith.constant 0 : i32
      %dma_wait3A_377 = arith.constant 0 : i32
      %dma_wait3A_378 = tpu.memref_slice %arg10[%add3A_375, %dma_wait3A_376, %dma_wait3A_377] : memref<10x128x48xf32, #tpu.memory_space<vmem>> -> memref<1x128x48xf32, #tpu.memory_space<vmem>>
      %dma_wait3A_379 = tpu.memref_squeeze %dma_wait3A_378 : memref<1x128x48xf32, #tpu.memory_space<vmem>> -> memref<128x48xf32, #tpu.memory_space<vmem>>
      %dma_wait3A_380 = arith.constant 0 : i32
      %dma_wait3A_381 = tpu.memref_slice %arg9[%add3A_373, %dma_wait3A_380] : memref<80x128xi32, #tpu.memory_space<vmem>> -> memref<1x128xi32, #tpu.memory_space<vmem>>
      %dma_wait3A_382 = tpu.memref_squeeze %dma_wait3A_381 : memref<1x128xi32, #tpu.memory_space<vmem>> -> memref<128xi32, #tpu.memory_space<vmem>>
      %dma_wait3A_383 = arith.constant 0 : i32
      %dma_wait3A_384 = arith.constant 0 : i32
      %dma_wait3A_385 = tpu.memref_slice %arg7[%dma_wait3A_383, %dma_wait3A_384] : memref<10240x48xf32, #tpu.memory_space<vmem_shared>> -> memref<10240x48xf32, #tpu.memory_space<vmem_shared>>
      tpu.wait_indirect_dma semaphore(%arg12 : memref<!tpu.dma_semaphore, #tpu.memory_space<semaphore_mem>>) src(%dma_wait3A_379 : memref<128x48xf32, #tpu.memory_space<vmem>>) dst(%dma_wait3A_385 : memref<10240x48xf32, #tpu.memory_space<vmem_shared>>)
      %mul3A_386 = arith.constant 5 : i32
      %mul3A_387 = arith.muli %scan3A_95, %mul3A_386 : i32
      %add3A_388 = arith.constant 4 : i32
      %add3A_389 = arith.addi %mul3A_387, %add3A_388 : i32
      %add3A_390 = arith.constant 4 : i32
      %add3A_391 = arith.addi %mul3A_106, %add3A_390 : i32
      %dma_wait3A_392 = arith.constant 0 : i32
      %dma_wait3A_393 = arith.constant 0 : i32
      %dma_wait3A_394 = tpu.memref_slice %arg10[%add3A_391, %dma_wait3A_392, %dma_wait3A_393] : memref<10x128x48xf32, #tpu.memory_space<vmem>> -> memref<1x128x48xf32, #tpu.memory_space<vmem>>
      %dma_wait3A_395 = tpu.memref_squeeze %dma_wait3A_394 : memref<1x128x48xf32, #tpu.memory_space<vmem>> -> memref<128x48xf32, #tpu.memory_space<vmem>>
      %dma_wait3A_396 = arith.constant 0 : i32
      %dma_wait3A_397 = tpu.memref_slice %arg9[%add3A_389, %dma_wait3A_396] : memref<80x128xi32, #tpu.memory_space<vmem>> -> memref<1x128xi32, #tpu.memory_space<vmem>>
      %dma_wait3A_398 = tpu.memref_squeeze %dma_wait3A_397 : memref<1x128xi32, #tpu.memory_space<vmem>> -> memref<128xi32, #tpu.memory_space<vmem>>
      %dma_wait3A_399 = arith.constant 0 : i32
      %dma_wait3A_400 = arith.constant 0 : i32
      %dma_wait3A_401 = tpu.memref_slice %arg7[%dma_wait3A_399, %dma_wait3A_400] : memref<10240x48xf32, #tpu.memory_space<vmem_shared>> -> memref<10240x48xf32, #tpu.memory_space<vmem_shared>>
      tpu.wait_indirect_dma semaphore(%arg12 : memref<!tpu.dma_semaphore, #tpu.memory_space<semaphore_mem>>) src(%dma_wait3A_395 : memref<128x48xf32, #tpu.memory_space<vmem>>) dst(%dma_wait3A_401 : memref<10240x48xf32, #tpu.memory_space<vmem_shared>>)
    }
    %scan3A_89 = arith.constant 16 : i32
    %barrier3A_90 = arith.constant 0 : index
    tpu.barrier barrier_id(%barrier3A_90)
    %mul3A_91 = arith.constant 640 : i32
    %mul3A_92 = arith.muli %arg1, %mul3A_91 : i32
    %mul3A_93 = arith.constant 640 : i32
    %mul3A_94 = arith.muli %arg1, %mul3A_93 : i32
    "tpu.region"() ({
      %run_scoped3A_95 = tpu.sem_alloc : memref<!tpu.dma_semaphore, #tpu.memory_space<semaphore_mem>>
      %dma_start3A_96 = arith.constant 0 : i32
      %dma_start3A_97 = tpu.memref_slice %arg6[%arg0, %mul3A_94, %dma_start3A_96] : memref<2x10240x48xf32, #tpu.memory_space<hbm>> -> memref<1x640x48xf32, #tpu.memory_space<hbm>>
      %dma_start3A_98 = tpu.memref_squeeze %dma_start3A_97 : memref<1x640x48xf32, #tpu.memory_space<hbm>> -> memref<640x48xf32, #tpu.memory_space<hbm>>
      %dma_start3A_99 = arith.constant 0 : i32
      %dma_start3A_100 = tpu.memref_slice %arg7[%mul3A_92, %dma_start3A_99] : memref<10240x48xf32, #tpu.memory_space<vmem_shared>> -> memref<640x48xf32, #tpu.memory_space<vmem_shared>>
      tpu.enqueue_dma source(%dma_start3A_100 : memref<640x48xf32, #tpu.memory_space<vmem_shared>>) target(%dma_start3A_98 : memref<640x48xf32, #tpu.memory_space<hbm>>) target_semaphore(%run_scoped3A_95 : memref<!tpu.dma_semaphore, #tpu.memory_space<semaphore_mem>>)
      %dma_wait3A = arith.constant 0 : i32
      %dma_wait3A_101 = tpu.memref_slice %arg6[%arg0, %mul3A_94, %dma_wait3A] : memref<2x10240x48xf32, #tpu.memory_space<hbm>> -> memref<1x640x48xf32, #tpu.memory_space<hbm>>
      %dma_wait3A_102 = tpu.memref_squeeze %dma_wait3A_101 : memref<1x640x48xf32, #tpu.memory_space<hbm>> -> memref<640x48xf32, #tpu.memory_space<hbm>>
      %dma_wait3A_103 = arith.constant 0 : i32
      %dma_wait3A_104 = tpu.memref_slice %arg7[%mul3A_92, %dma_wait3A_103] : memref<10240x48xf32, #tpu.memory_space<vmem_shared>> -> memref<640x48xf32, #tpu.memory_space<vmem_shared>>
      tpu.wait_dma2 semaphore(%run_scoped3A_95 : memref<!tpu.dma_semaphore, #tpu.memory_space<semaphore_mem>>) src(%dma_wait3A_104 : memref<640x48xf32, #tpu.memory_space<vmem_shared>>) dst(%dma_wait3A_102 : memref<640x48xf32, #tpu.memory_space<hbm>>)
      tpu.yield
    }) : () -> ()
    return
  }
}

#map = affine_map<(d0, d1) -> (0, 0, 0)>
#map1 = affine_map<(d0, d1) -> (0, 0)>
module attributes {stable_mosaic.version = 14 : i64} {
  func.func @_deg_kernel(%arg0: i32, %arg1: i32, %arg2: memref<32x80x128xi32, #tpu.memory_space<hbm>>, %arg3: memref<640x8xf32, #tpu.memory_space<hbm>>, %arg4: memref<128x8xf32, #tpu.memory_space<hbm>>, %arg5: memref<2x10240x8xf32, #tpu.memory_space<hbm>>, %arg6: memref<10240x8xf32, #tpu.memory_space<vmem_shared>>, %arg7: memref<640x8xf32, #tpu.memory_space<vmem>>, %arg8: memref<80x128xi32, #tpu.memory_space<vmem>>, %arg9: memref<128x8xf32, #tpu.memory_space<vmem>>) attributes {dimension_semantics = [#tpu.dimension_semantics<core_parallel>, #tpu.dimension_semantics<subcore_parallel>], iteration_bounds = array<i64: 2, 16>, scalar_prefetch = 0 : i64, scratch_operands = 4 : i64, tpu.core_type = #tpu.core_type<sc_vector_subcore>, window_params = [{transform_indices = #map}, {transform_indices = #map1}, {transform_indices = #map1}, {transform_indices = #map}]} {
    %mul3A = arith.constant 16 : i32
    %mul3A_0 = arith.muli %arg0, %mul3A : i32
    %add3A = arith.addi %mul3A_0, %arg1 : i32
    "tpu.region"() ({
      %run_scoped3A = tpu.sem_alloc : memref<!tpu.dma_semaphore, #tpu.memory_space<semaphore_mem>>
      tpu.enqueue_dma source(%arg3 : memref<640x8xf32, #tpu.memory_space<hbm>>) target(%arg7 : memref<640x8xf32, #tpu.memory_space<vmem>>) target_semaphore(%run_scoped3A : memref<!tpu.dma_semaphore, #tpu.memory_space<semaphore_mem>>)
      tpu.wait_dma2 semaphore(%run_scoped3A : memref<!tpu.dma_semaphore, #tpu.memory_space<semaphore_mem>>) src(%arg3 : memref<640x8xf32, #tpu.memory_space<hbm>>) dst(%arg7 : memref<640x8xf32, #tpu.memory_space<vmem>>)
      tpu.yield
    }) : () -> ()
    %mul3A_1 = arith.constant 640 : i32
    %mul3A_2 = arith.muli %arg1, %mul3A_1 : i32
    "tpu.region"() ({
      %run_scoped3A = tpu.sem_alloc : memref<!tpu.dma_semaphore, #tpu.memory_space<semaphore_mem>>
      %dma_start3A = arith.constant 0 : i32
      %dma_start3A_13 = tpu.memref_slice %arg6[%mul3A_2, %dma_start3A] : memref<10240x8xf32, #tpu.memory_space<vmem_shared>> -> memref<640x8xf32, #tpu.memory_space<vmem_shared>>
      %dma_start3A_14 = arith.constant 0 : i32
      %dma_start3A_15 = tpu.memref_slice %arg6[%mul3A_2, %dma_start3A_14] : memref<10240x8xf32, #tpu.memory_space<vmem_shared>> -> memref<640x8xf32, #tpu.memory_space<vmem_shared>>
      tpu.enqueue_dma source(%arg7 : memref<640x8xf32, #tpu.memory_space<vmem>>) target(%dma_start3A_15 : memref<640x8xf32, #tpu.memory_space<vmem_shared>>) target_semaphore(%run_scoped3A : memref<!tpu.dma_semaphore, #tpu.memory_space<semaphore_mem>>)
      %dma_wait3A = arith.constant 0 : i32
      %dma_wait3A_16 = tpu.memref_slice %arg6[%mul3A_2, %dma_wait3A] : memref<10240x8xf32, #tpu.memory_space<vmem_shared>> -> memref<640x8xf32, #tpu.memory_space<vmem_shared>>
      %dma_wait3A_17 = arith.constant 0 : i32
      %dma_wait3A_18 = tpu.memref_slice %arg6[%mul3A_2, %dma_wait3A_17] : memref<10240x8xf32, #tpu.memory_space<vmem_shared>> -> memref<640x8xf32, #tpu.memory_space<vmem_shared>>
      tpu.wait_dma2 semaphore(%run_scoped3A : memref<!tpu.dma_semaphore, #tpu.memory_space<semaphore_mem>>) src(%arg7 : memref<640x8xf32, #tpu.memory_space<vmem>>) dst(%dma_wait3A_18 : memref<640x8xf32, #tpu.memory_space<vmem_shared>>)
      tpu.yield
    }) : () -> ()
    "tpu.region"() ({
      %run_scoped3A = tpu.sem_alloc : memref<!tpu.dma_semaphore, #tpu.memory_space<semaphore_mem>>
      tpu.enqueue_dma source(%arg4 : memref<128x8xf32, #tpu.memory_space<hbm>>) target(%arg9 : memref<128x8xf32, #tpu.memory_space<vmem>>) target_semaphore(%run_scoped3A : memref<!tpu.dma_semaphore, #tpu.memory_space<semaphore_mem>>)
      tpu.wait_dma2 semaphore(%run_scoped3A : memref<!tpu.dma_semaphore, #tpu.memory_space<semaphore_mem>>) src(%arg4 : memref<128x8xf32, #tpu.memory_space<hbm>>) dst(%arg9 : memref<128x8xf32, #tpu.memory_space<vmem>>)
      tpu.yield
    }) : () -> ()
    "tpu.region"() ({
      %run_scoped3A = tpu.sem_alloc : memref<!tpu.dma_semaphore, #tpu.memory_space<semaphore_mem>>
      %dma_start3A = arith.constant 0 : i32
      %dma_start3A_13 = arith.constant 0 : i32
      %dma_start3A_14 = tpu.memref_slice %arg2[%add3A, %dma_start3A, %dma_start3A_13] : memref<32x80x128xi32, #tpu.memory_space<hbm>> -> memref<1x80x128xi32, #tpu.memory_space<hbm>>
      %dma_start3A_15 = tpu.memref_squeeze %dma_start3A_14 : memref<1x80x128xi32, #tpu.memory_space<hbm>> -> memref<80x128xi32, #tpu.memory_space<hbm>>
      %dma_start3A_16 = arith.constant 0 : i32
      %dma_start3A_17 = arith.constant 0 : i32
      %dma_start3A_18 = tpu.memref_slice %arg2[%add3A, %dma_start3A_16, %dma_start3A_17] : memref<32x80x128xi32, #tpu.memory_space<hbm>> -> memref<1x80x128xi32, #tpu.memory_space<hbm>>
      %dma_start3A_19 = tpu.memref_squeeze %dma_start3A_18 : memref<1x80x128xi32, #tpu.memory_space<hbm>> -> memref<80x128xi32, #tpu.memory_space<hbm>>
      tpu.enqueue_dma source(%dma_start3A_19 : memref<80x128xi32, #tpu.memory_space<hbm>>) target(%arg8 : memref<80x128xi32, #tpu.memory_space<vmem>>) target_semaphore(%run_scoped3A : memref<!tpu.dma_semaphore, #tpu.memory_space<semaphore_mem>>)
      %dma_wait3A = arith.constant 0 : i32
      %dma_wait3A_20 = arith.constant 0 : i32
      %dma_wait3A_21 = tpu.memref_slice %arg2[%add3A, %dma_wait3A, %dma_wait3A_20] : memref<32x80x128xi32, #tpu.memory_space<hbm>> -> memref<1x80x128xi32, #tpu.memory_space<hbm>>
      %dma_wait3A_22 = tpu.memref_squeeze %dma_wait3A_21 : memref<1x80x128xi32, #tpu.memory_space<hbm>> -> memref<80x128xi32, #tpu.memory_space<hbm>>
      %dma_wait3A_23 = arith.constant 0 : i32
      %dma_wait3A_24 = arith.constant 0 : i32
      %dma_wait3A_25 = tpu.memref_slice %arg2[%add3A, %dma_wait3A_23, %dma_wait3A_24] : memref<32x80x128xi32, #tpu.memory_space<hbm>> -> memref<1x80x128xi32, #tpu.memory_space<hbm>>
      %dma_wait3A_26 = tpu.memref_squeeze %dma_wait3A_25 : memref<1x80x128xi32, #tpu.memory_space<hbm>> -> memref<80x128xi32, #tpu.memory_space<hbm>>
      tpu.wait_dma2 semaphore(%run_scoped3A : memref<!tpu.dma_semaphore, #tpu.memory_space<semaphore_mem>>) src(%dma_wait3A_26 : memref<80x128xi32, #tpu.memory_space<hbm>>) dst(%arg8 : memref<80x128xi32, #tpu.memory_space<vmem>>)
      tpu.yield
    }) : () -> ()
    %barrier3A = arith.constant 0 : index
    tpu.barrier barrier_id(%barrier3A)
    %scan3A = arith.constant 0 : i32
    %scan3A_3 = arith.constant 0 : i32
    %scan3A_4 = arith.constant 80 : i32
    %scan3A_5 = arith.addi %scan3A_3, %scan3A_4 : i32
    %scan3A_6 = arith.constant 1 : i32
    scf.for %scan3A_13 = %scan3A_3 to %scan3A_5 step %scan3A_6  : i32 {
      "tpu.region"() ({
        %run_scoped3A = tpu.sem_alloc : memref<!tpu.dma_semaphore, #tpu.memory_space<semaphore_mem>>
        %dma_start3A = arith.constant 0 : i32
        %dma_start3A_14 = tpu.memref_slice %arg8[%scan3A_13, %dma_start3A] : memref<80x128xi32, #tpu.memory_space<vmem>> -> memref<1x128xi32, #tpu.memory_space<vmem>>
        %dma_start3A_15 = tpu.memref_squeeze %dma_start3A_14 : memref<1x128xi32, #tpu.memory_space<vmem>> -> memref<128xi32, #tpu.memory_space<vmem>>
        %dma_start3A_16 = arith.constant 0 : i32
        %dma_start3A_17 = arith.constant 0 : i32
        %dma_start3A_18 = tpu.memref_slice %arg6[%dma_start3A_16, %dma_start3A_17] : memref<10240x8xf32, #tpu.memory_space<vmem_shared>> -> memref<10240x8xf32, #tpu.memory_space<vmem_shared>>
        tpu.enqueue_indirect_dma source(%arg9 : memref<128x8xf32, #tpu.memory_space<vmem>>) target(%dma_start3A_18 : memref<10240x8xf32, #tpu.memory_space<vmem_shared>>) offsets(%dma_start3A_15 : memref<128xi32, #tpu.memory_space<vmem>>) semaphore(%run_scoped3A : memref<!tpu.dma_semaphore, #tpu.memory_space<semaphore_mem>>) {add = true}
        %dma_wait3A = arith.constant 0 : i32
        %dma_wait3A_19 = tpu.memref_slice %arg8[%scan3A_13, %dma_wait3A] : memref<80x128xi32, #tpu.memory_space<vmem>> -> memref<1x128xi32, #tpu.memory_space<vmem>>
        %dma_wait3A_20 = tpu.memref_squeeze %dma_wait3A_19 : memref<1x128xi32, #tpu.memory_space<vmem>> -> memref<128xi32, #tpu.memory_space<vmem>>
        %dma_wait3A_21 = arith.constant 0 : i32
        %dma_wait3A_22 = arith.constant 0 : i32
        %dma_wait3A_23 = tpu.memref_slice %arg6[%dma_wait3A_21, %dma_wait3A_22] : memref<10240x8xf32, #tpu.memory_space<vmem_shared>> -> memref<10240x8xf32, #tpu.memory_space<vmem_shared>>
        tpu.wait_indirect_dma semaphore(%run_scoped3A : memref<!tpu.dma_semaphore, #tpu.memory_space<semaphore_mem>>) src(%arg9 : memref<128x8xf32, #tpu.memory_space<vmem>>) dst(%dma_wait3A_23 : memref<10240x8xf32, #tpu.memory_space<vmem_shared>>)
        tpu.yield
      }) : () -> ()
    }
    %scan3A_7 = arith.constant 80 : i32
    %barrier3A_8 = arith.constant 0 : index
    tpu.barrier barrier_id(%barrier3A_8)
    %mul3A_9 = arith.constant 640 : i32
    %mul3A_10 = arith.muli %arg1, %mul3A_9 : i32
    %mul3A_11 = arith.constant 640 : i32
    %mul3A_12 = arith.muli %arg1, %mul3A_11 : i32
    "tpu.region"() ({
      %run_scoped3A = tpu.sem_alloc : memref<!tpu.dma_semaphore, #tpu.memory_space<semaphore_mem>>
      %dma_start3A = arith.constant 0 : i32
      %dma_start3A_13 = tpu.memref_slice %arg5[%arg0, %mul3A_12, %dma_start3A] : memref<2x10240x8xf32, #tpu.memory_space<hbm>> -> memref<1x640x8xf32, #tpu.memory_space<hbm>>
      %dma_start3A_14 = tpu.memref_squeeze %dma_start3A_13 : memref<1x640x8xf32, #tpu.memory_space<hbm>> -> memref<640x8xf32, #tpu.memory_space<hbm>>
      %dma_start3A_15 = arith.constant 0 : i32
      %dma_start3A_16 = tpu.memref_slice %arg6[%mul3A_10, %dma_start3A_15] : memref<10240x8xf32, #tpu.memory_space<vmem_shared>> -> memref<640x8xf32, #tpu.memory_space<vmem_shared>>
      tpu.enqueue_dma source(%dma_start3A_16 : memref<640x8xf32, #tpu.memory_space<vmem_shared>>) target(%dma_start3A_14 : memref<640x8xf32, #tpu.memory_space<hbm>>) target_semaphore(%run_scoped3A : memref<!tpu.dma_semaphore, #tpu.memory_space<semaphore_mem>>)
      %dma_wait3A = arith.constant 0 : i32
      %dma_wait3A_17 = tpu.memref_slice %arg5[%arg0, %mul3A_12, %dma_wait3A] : memref<2x10240x8xf32, #tpu.memory_space<hbm>> -> memref<1x640x8xf32, #tpu.memory_space<hbm>>
      %dma_wait3A_18 = tpu.memref_squeeze %dma_wait3A_17 : memref<1x640x8xf32, #tpu.memory_space<hbm>> -> memref<640x8xf32, #tpu.memory_space<hbm>>
      %dma_wait3A_19 = arith.constant 0 : i32
      %dma_wait3A_20 = tpu.memref_slice %arg6[%mul3A_10, %dma_wait3A_19] : memref<10240x8xf32, #tpu.memory_space<vmem_shared>> -> memref<640x8xf32, #tpu.memory_space<vmem_shared>>
      tpu.wait_dma2 semaphore(%run_scoped3A : memref<!tpu.dma_semaphore, #tpu.memory_space<semaphore_mem>>) src(%dma_wait3A_20 : memref<640x8xf32, #tpu.memory_space<vmem_shared>>) dst(%dma_wait3A_18 : memref<640x8xf32, #tpu.memory_space<hbm>>)
      tpu.yield
    }) : () -> ()
    return
  }
}

#map = affine_map<(d0, d1) -> (0, 0)>
#map1 = affine_map<(d0, d1) -> (0, 0, 0)>
module attributes {stable_mosaic.version = 14 : i64} {
  func.func @_prop_kernel(%arg0: i32, %arg1: i32, %arg2: memref<10240x48xf32, #tpu.memory_space<hbm>>, %arg3: memref<32x80x128xi32, #tpu.memory_space<hbm>>, %arg4: memref<32x80x128xi32, #tpu.memory_space<hbm>>, %arg5: memref<128x48xf32, #tpu.memory_space<hbm>>, %arg6: memref<2x10240x48xf32, #tpu.memory_space<hbm>>, %arg7: memref<10240x48xf32, #tpu.memory_space<vmem_shared>>, %arg8: memref<80x128xi32, #tpu.memory_space<vmem>>, %arg9: memref<80x128xi32, #tpu.memory_space<vmem>>, %arg10: memref<10x128x48xf32, #tpu.memory_space<vmem>>, %arg11: memref<!tpu.dma_semaphore, #tpu.memory_space<semaphore_mem>>, %arg12: memref<!tpu.dma_semaphore, #tpu.memory_space<semaphore_mem>>) attributes {dimension_semantics = [#tpu.dimension_semantics<core_parallel>, #tpu.dimension_semantics<subcore_parallel>], iteration_bounds = array<i64: 2, 16>, scalar_prefetch = 0 : i64, scratch_operands = 6 : i64, tpu.core_type = #tpu.core_type<sc_vector_subcore>, window_params = [{transform_indices = #map}, {transform_indices = #map1}, {transform_indices = #map1}, {transform_indices = #map}, {transform_indices = #map1}]} {
    %mul3A = arith.constant 16 : i32
    %mul3A_0 = arith.muli %arg0, %mul3A : i32
    %add3A = arith.addi %mul3A_0, %arg1 : i32
    %run_scoped3A = arith.constant 0 : i32
    "tpu.region"() ({
      %run_scoped3A_95 = tpu.sem_alloc : memref<!tpu.dma_semaphore, #tpu.memory_space<semaphore_mem>>
      %dma_start3A_96 = arith.constant 0 : i32
      %dma_start3A_97 = arith.constant 0 : i32
      %dma_start3A_98 = tpu.memref_slice %arg10[%run_scoped3A, %dma_start3A_96, %dma_start3A_97] : memref<10x128x48xf32, #tpu.memory_space<vmem>> -> memref<1x128x48xf32, #tpu.memory_space<vmem>>
      %dma_start3A_99 = tpu.memref_squeeze %dma_start3A_98 : memref<1x128x48xf32, #tpu.memory_space<vmem>> -> memref<128x48xf32, #tpu.memory_space<vmem>>
      %dma_start3A_100 = arith.constant 0 : i32
      %dma_start3A_101 = arith.constant 0 : i32
      %dma_start3A_102 = tpu.memref_slice %arg10[%run_scoped3A, %dma_start3A_100, %dma_start3A_101] : memref<10x128x48xf32, #tpu.memory_space<vmem>> -> memref<1x128x48xf32, #tpu.memory_space<vmem>>
      %dma_start3A_103 = tpu.memref_squeeze %dma_start3A_102 : memref<1x128x48xf32, #tpu.memory_space<vmem>> -> memref<128x48xf32, #tpu.memory_space<vmem>>
      tpu.enqueue_dma source(%arg5 : memref<128x48xf32, #tpu.memory_space<hbm>>) target(%dma_start3A_103 : memref<128x48xf32, #tpu.memory_space<vmem>>) target_semaphore(%run_scoped3A_95 : memref<!tpu.dma_semaphore, #tpu.memory_space<semaphore_mem>>)
      %dma_wait3A = arith.constant 0 : i32
      %dma_wait3A_104 = arith.constant 0 : i32
      %dma_wait3A_105 = tpu.memref_slice %arg10[%run_scoped3A, %dma_wait3A, %dma_wait3A_104] : memref<10x128x48xf32, #tpu.memory_space<vmem>> -> memref<1x128x48xf32, #tpu.memory_space<vmem>>
      %dma_wait3A_106 = tpu.memref_squeeze %dma_wait3A_105 : memref<1x128x48xf32, #tpu.memory_space<vmem>> -> memref<128x48xf32, #tpu.memory_space<vmem>>
      %dma_wait3A_107 = arith.constant 0 : i32
      %dma_wait3A_108 = arith.constant 0 : i32
      %dma_wait3A_109 = tpu.memref_slice %arg10[%run_scoped3A, %dma_wait3A_107, %dma_wait3A_108] : memref<10x128x48xf32, #tpu.memory_space<vmem>> -> memref<1x128x48xf32, #tpu.memory_space<vmem>>
      %dma_wait3A_110 = tpu.memref_squeeze %dma_wait3A_109 : memref<1x128x48xf32, #tpu.memory_space<vmem>> -> memref<128x48xf32, #tpu.memory_space<vmem>>
      tpu.wait_dma2 semaphore(%run_scoped3A_95 : memref<!tpu.dma_semaphore, #tpu.memory_space<semaphore_mem>>) src(%arg5 : memref<128x48xf32, #tpu.memory_space<hbm>>) dst(%dma_wait3A_110 : memref<128x48xf32, #tpu.memory_space<vmem>>)
      tpu.yield
    }) : () -> ()
    %mul3A_1 = arith.constant 640 : i32
    %mul3A_2 = arith.muli %arg1, %mul3A_1 : i32
    %add3A_3 = arith.constant 0 : i32
    %add3A_4 = arith.addi %mul3A_2, %add3A_3 : i32
    %run_scoped3A_5 = arith.constant 0 : i32
    "tpu.region"() ({
      %run_scoped3A_95 = tpu.sem_alloc : memref<!tpu.dma_semaphore, #tpu.memory_space<semaphore_mem>>
      %dma_start3A_96 = arith.constant 0 : i32
      %dma_start3A_97 = arith.constant 0 : i32
      %dma_start3A_98 = tpu.memref_slice %arg10[%run_scoped3A_5, %dma_start3A_96, %dma_start3A_97] : memref<10x128x48xf32, #tpu.memory_space<vmem>> -> memref<1x128x48xf32, #tpu.memory_space<vmem>>
      %dma_start3A_99 = tpu.memref_squeeze %dma_start3A_98 : memref<1x128x48xf32, #tpu.memory_space<vmem>> -> memref<128x48xf32, #tpu.memory_space<vmem>>
      %dma_start3A_100 = arith.constant 0 : i32
      %dma_start3A_101 = tpu.memref_slice %arg7[%add3A_4, %dma_start3A_100] : memref<10240x48xf32, #tpu.memory_space<vmem_shared>> -> memref<128x48xf32, #tpu.memory_space<vmem_shared>>
      %dma_start3A_102 = arith.constant 0 : i32
      %dma_start3A_103 = tpu.memref_slice %arg7[%add3A_4, %dma_start3A_102] : memref<10240x48xf32, #tpu.memory_space<vmem_shared>> -> memref<128x48xf32, #tpu.memory_space<vmem_shared>>
      %dma_start3A_104 = arith.constant 0 : i32
      %dma_start3A_105 = arith.constant 0 : i32
      %dma_start3A_106 = tpu.memref_slice %arg10[%run_scoped3A_5, %dma_start3A_104, %dma_start3A_105] : memref<10x128x48xf32, #tpu.memory_space<vmem>> -> memref<1x128x48xf32, #tpu.memory_space<vmem>>
      %dma_start3A_107 = tpu.memref_squeeze %dma_start3A_106 : memref<1x128x48xf32, #tpu.memory_space<vmem>> -> memref<128x48xf32, #tpu.memory_space<vmem>>
      tpu.enqueue_dma source(%dma_start3A_107 : memref<128x48xf32, #tpu.memory_space<vmem>>) target(%dma_start3A_103 : memref<128x48xf32, #tpu.memory_space<vmem_shared>>) target_semaphore(%run_scoped3A_95 : memref<!tpu.dma_semaphore, #tpu.memory_space<semaphore_mem>>)
      %dma_wait3A = arith.constant 0 : i32
      %dma_wait3A_108 = arith.constant 0 : i32
      %dma_wait3A_109 = tpu.memref_slice %arg10[%run_scoped3A_5, %dma_wait3A, %dma_wait3A_108] : memref<10x128x48xf32, #tpu.memory_space<vmem>> -> memref<1x128x48xf32, #tpu.memory_space<vmem>>
      %dma_wait3A_110 = tpu.memref_squeeze %dma_wait3A_109 : memref<1x128x48xf32, #tpu.memory_space<vmem>> -> memref<128x48xf32, #tpu.memory_space<vmem>>
      %dma_wait3A_111 = arith.constant 0 : i32
      %dma_wait3A_112 = tpu.memref_slice %arg7[%add3A_4, %dma_wait3A_111] : memref<10240x48xf32, #tpu.memory_space<vmem_shared>> -> memref<128x48xf32, #tpu.memory_space<vmem_shared>>
      %dma_wait3A_113 = arith.constant 0 : i32
      %dma_wait3A_114 = tpu.memref_slice %arg7[%add3A_4, %dma_wait3A_113] : memref<10240x48xf32, #tpu.memory_space<vmem_shared>> -> memref<128x48xf32, #tpu.memory_space<vmem_shared>>
      %dma_wait3A_115 = arith.constant 0 : i32
      %dma_wait3A_116 = arith.constant 0 : i32
      %dma_wait3A_117 = tpu.memref_slice %arg10[%run_scoped3A_5, %dma_wait3A_115, %dma_wait3A_116] : memref<10x128x48xf32, #tpu.memory_space<vmem>> -> memref<1x128x48xf32, #tpu.memory_space<vmem>>
      %dma_wait3A_118 = tpu.memref_squeeze %dma_wait3A_117 : memref<1x128x48xf32, #tpu.memory_space<vmem>> -> memref<128x48xf32, #tpu.memory_space<vmem>>
      tpu.wait_dma2 semaphore(%run_scoped3A_95 : memref<!tpu.dma_semaphore, #tpu.memory_space<semaphore_mem>>) src(%dma_wait3A_118 : memref<128x48xf32, #tpu.memory_space<vmem>>) dst(%dma_wait3A_114 : memref<128x48xf32, #tpu.memory_space<vmem_shared>>)
      tpu.yield
    }) : () -> ()
    %mul3A_6 = arith.constant 640 : i32
    %mul3A_7 = arith.muli %arg1, %mul3A_6 : i32
    %add3A_8 = arith.constant 128 : i32
    %add3A_9 = arith.addi %mul3A_7, %add3A_8 : i32
    %run_scoped3A_10 = arith.constant 0 : i32
    "tpu.region"() ({
      %run_scoped3A_95 = tpu.sem_alloc : memref<!tpu.dma_semaphore, #tpu.memory_space<semaphore_mem>>
      %dma_start3A_96 = arith.constant 0 : i32
      %dma_start3A_97 = arith.constant 0 : i32
      %dma_start3A_98 = tpu.memref_slice %arg10[%run_scoped3A_10, %dma_start3A_96, %dma_start3A_97] : memref<10x128x48xf32, #tpu.memory_space<vmem>> -> memref<1x128x48xf32, #tpu.memory_space<vmem>>
      %dma_start3A_99 = tpu.memref_squeeze %dma_start3A_98 : memref<1x128x48xf32, #tpu.memory_space<vmem>> -> memref<128x48xf32, #tpu.memory_space<vmem>>
      %dma_start3A_100 = arith.constant 0 : i32
      %dma_start3A_101 = tpu.memref_slice %arg7[%add3A_9, %dma_start3A_100] : memref<10240x48xf32, #tpu.memory_space<vmem_shared>> -> memref<128x48xf32, #tpu.memory_space<vmem_shared>>
      %dma_start3A_102 = arith.constant 0 : i32
      %dma_start3A_103 = tpu.memref_slice %arg7[%add3A_9, %dma_start3A_102] : memref<10240x48xf32, #tpu.memory_space<vmem_shared>> -> memref<128x48xf32, #tpu.memory_space<vmem_shared>>
      %dma_start3A_104 = arith.constant 0 : i32
      %dma_start3A_105 = arith.constant 0 : i32
      %dma_start3A_106 = tpu.memref_slice %arg10[%run_scoped3A_10, %dma_start3A_104, %dma_start3A_105] : memref<10x128x48xf32, #tpu.memory_space<vmem>> -> memref<1x128x48xf32, #tpu.memory_space<vmem>>
      %dma_start3A_107 = tpu.memref_squeeze %dma_start3A_106 : memref<1x128x48xf32, #tpu.memory_space<vmem>> -> memref<128x48xf32, #tpu.memory_space<vmem>>
      tpu.enqueue_dma source(%dma_start3A_107 : memref<128x48xf32, #tpu.memory_space<vmem>>) target(%dma_start3A_103 : memref<128x48xf32, #tpu.memory_space<vmem_shared>>) target_semaphore(%run_scoped3A_95 : memref<!tpu.dma_semaphore, #tpu.memory_space<semaphore_mem>>)
      %dma_wait3A = arith.constant 0 : i32
      %dma_wait3A_108 = arith.constant 0 : i32
      %dma_wait3A_109 = tpu.memref_slice %arg10[%run_scoped3A_10, %dma_wait3A, %dma_wait3A_108] : memref<10x128x48xf32, #tpu.memory_space<vmem>> -> memref<1x128x48xf32, #tpu.memory_space<vmem>>
      %dma_wait3A_110 = tpu.memref_squeeze %dma_wait3A_109 : memref<1x128x48xf32, #tpu.memory_space<vmem>> -> memref<128x48xf32, #tpu.memory_space<vmem>>
      %dma_wait3A_111 = arith.constant 0 : i32
      %dma_wait3A_112 = tpu.memref_slice %arg7[%add3A_9, %dma_wait3A_111] : memref<10240x48xf32, #tpu.memory_space<vmem_shared>> -> memref<128x48xf32, #tpu.memory_space<vmem_shared>>
      %dma_wait3A_113 = arith.constant 0 : i32
      %dma_wait3A_114 = tpu.memref_slice %arg7[%add3A_9, %dma_wait3A_113] : memref<10240x48xf32, #tpu.memory_space<vmem_shared>> -> memref<128x48xf32, #tpu.memory_space<vmem_shared>>
      %dma_wait3A_115 = arith.constant 0 : i32
      %dma_wait3A_116 = arith.constant 0 : i32
      %dma_wait3A_117 = tpu.memref_slice %arg10[%run_scoped3A_10, %dma_wait3A_115, %dma_wait3A_116] : memref<10x128x48xf32, #tpu.memory_space<vmem>> -> memref<1x128x48xf32, #tpu.memory_space<vmem>>
      %dma_wait3A_118 = tpu.memref_squeeze %dma_wait3A_117 : memref<1x128x48xf32, #tpu.memory_space<vmem>> -> memref<128x48xf32, #tpu.memory_space<vmem>>
      tpu.wait_dma2 semaphore(%run_scoped3A_95 : memref<!tpu.dma_semaphore, #tpu.memory_space<semaphore_mem>>) src(%dma_wait3A_118 : memref<128x48xf32, #tpu.memory_space<vmem>>) dst(%dma_wait3A_114 : memref<128x48xf32, #tpu.memory_space<vmem_shared>>)
      tpu.yield
    }) : () -> ()
    %mul3A_11 = arith.constant 640 : i32
    %mul3A_12 = arith.muli %arg1, %mul3A_11 : i32
    %add3A_13 = arith.constant 256 : i32
    %add3A_14 = arith.addi %mul3A_12, %add3A_13 : i32
    %run_scoped3A_15 = arith.constant 0 : i32
    "tpu.region"() ({
      %run_scoped3A_95 = tpu.sem_alloc : memref<!tpu.dma_semaphore, #tpu.memory_space<semaphore_mem>>
      %dma_start3A_96 = arith.constant 0 : i32
      %dma_start3A_97 = arith.constant 0 : i32
      %dma_start3A_98 = tpu.memref_slice %arg10[%run_scoped3A_15, %dma_start3A_96, %dma_start3A_97] : memref<10x128x48xf32, #tpu.memory_space<vmem>> -> memref<1x128x48xf32, #tpu.memory_space<vmem>>
      %dma_start3A_99 = tpu.memref_squeeze %dma_start3A_98 : memref<1x128x48xf32, #tpu.memory_space<vmem>> -> memref<128x48xf32, #tpu.memory_space<vmem>>
      %dma_start3A_100 = arith.constant 0 : i32
      %dma_start3A_101 = tpu.memref_slice %arg7[%add3A_14, %dma_start3A_100] : memref<10240x48xf32, #tpu.memory_space<vmem_shared>> -> memref<128x48xf32, #tpu.memory_space<vmem_shared>>
      %dma_start3A_102 = arith.constant 0 : i32
      %dma_start3A_103 = tpu.memref_slice %arg7[%add3A_14, %dma_start3A_102] : memref<10240x48xf32, #tpu.memory_space<vmem_shared>> -> memref<128x48xf32, #tpu.memory_space<vmem_shared>>
      %dma_start3A_104 = arith.constant 0 : i32
      %dma_start3A_105 = arith.constant 0 : i32
      %dma_start3A_106 = tpu.memref_slice %arg10[%run_scoped3A_15, %dma_start3A_104, %dma_start3A_105] : memref<10x128x48xf32, #tpu.memory_space<vmem>> -> memref<1x128x48xf32, #tpu.memory_space<vmem>>
      %dma_start3A_107 = tpu.memref_squeeze %dma_start3A_106 : memref<1x128x48xf32, #tpu.memory_space<vmem>> -> memref<128x48xf32, #tpu.memory_space<vmem>>
      tpu.enqueue_dma source(%dma_start3A_107 : memref<128x48xf32, #tpu.memory_space<vmem>>) target(%dma_start3A_103 : memref<128x48xf32, #tpu.memory_space<vmem_shared>>) target_semaphore(%run_scoped3A_95 : memref<!tpu.dma_semaphore, #tpu.memory_space<semaphore_mem>>)
      %dma_wait3A = arith.constant 0 : i32
      %dma_wait3A_108 = arith.constant 0 : i32
      %dma_wait3A_109 = tpu.memref_slice %arg10[%run_scoped3A_15, %dma_wait3A, %dma_wait3A_108] : memref<10x128x48xf32, #tpu.memory_space<vmem>> -> memref<1x128x48xf32, #tpu.memory_space<vmem>>
      %dma_wait3A_110 = tpu.memref_squeeze %dma_wait3A_109 : memref<1x128x48xf32, #tpu.memory_space<vmem>> -> memref<128x48xf32, #tpu.memory_space<vmem>>
      %dma_wait3A_111 = arith.constant 0 : i32
      %dma_wait3A_112 = tpu.memref_slice %arg7[%add3A_14, %dma_wait3A_111] : memref<10240x48xf32, #tpu.memory_space<vmem_shared>> -> memref<128x48xf32, #tpu.memory_space<vmem_shared>>
      %dma_wait3A_113 = arith.constant 0 : i32
      %dma_wait3A_114 = tpu.memref_slice %arg7[%add3A_14, %dma_wait3A_113] : memref<10240x48xf32, #tpu.memory_space<vmem_shared>> -> memref<128x48xf32, #tpu.memory_space<vmem_shared>>
      %dma_wait3A_115 = arith.constant 0 : i32
      %dma_wait3A_116 = arith.constant 0 : i32
      %dma_wait3A_117 = tpu.memref_slice %arg10[%run_scoped3A_15, %dma_wait3A_115, %dma_wait3A_116] : memref<10x128x48xf32, #tpu.memory_space<vmem>> -> memref<1x128x48xf32, #tpu.memory_space<vmem>>
      %dma_wait3A_118 = tpu.memref_squeeze %dma_wait3A_117 : memref<1x128x48xf32, #tpu.memory_space<vmem>> -> memref<128x48xf32, #tpu.memory_space<vmem>>
      tpu.wait_dma2 semaphore(%run_scoped3A_95 : memref<!tpu.dma_semaphore, #tpu.memory_space<semaphore_mem>>) src(%dma_wait3A_118 : memref<128x48xf32, #tpu.memory_space<vmem>>) dst(%dma_wait3A_114 : memref<128x48xf32, #tpu.memory_space<vmem_shared>>)
      tpu.yield
    }) : () -> ()
    %mul3A_16 = arith.constant 640 : i32
    %mul3A_17 = arith.muli %arg1, %mul3A_16 : i32
    %add3A_18 = arith.constant 384 : i32
    %add3A_19 = arith.addi %mul3A_17, %add3A_18 : i32
    %run_scoped3A_20 = arith.constant 0 : i32
    "tpu.region"() ({
      %run_scoped3A_95 = tpu.sem_alloc : memref<!tpu.dma_semaphore, #tpu.memory_space<semaphore_mem>>
      %dma_start3A_96 = arith.constant 0 : i32
      %dma_start3A_97 = arith.constant 0 : i32
      %dma_start3A_98 = tpu.memref_slice %arg10[%run_scoped3A_20, %dma_start3A_96, %dma_start3A_97] : memref<10x128x48xf32, #tpu.memory_space<vmem>> -> memref<1x128x48xf32, #tpu.memory_space<vmem>>
      %dma_start3A_99 = tpu.memref_squeeze %dma_start3A_98 : memref<1x128x48xf32, #tpu.memory_space<vmem>> -> memref<128x48xf32, #tpu.memory_space<vmem>>
      %dma_start3A_100 = arith.constant 0 : i32
      %dma_start3A_101 = tpu.memref_slice %arg7[%add3A_19, %dma_start3A_100] : memref<10240x48xf32, #tpu.memory_space<vmem_shared>> -> memref<128x48xf32, #tpu.memory_space<vmem_shared>>
      %dma_start3A_102 = arith.constant 0 : i32
      %dma_start3A_103 = tpu.memref_slice %arg7[%add3A_19, %dma_start3A_102] : memref<10240x48xf32, #tpu.memory_space<vmem_shared>> -> memref<128x48xf32, #tpu.memory_space<vmem_shared>>
      %dma_start3A_104 = arith.constant 0 : i32
      %dma_start3A_105 = arith.constant 0 : i32
      %dma_start3A_106 = tpu.memref_slice %arg10[%run_scoped3A_20, %dma_start3A_104, %dma_start3A_105] : memref<10x128x48xf32, #tpu.memory_space<vmem>> -> memref<1x128x48xf32, #tpu.memory_space<vmem>>
      %dma_start3A_107 = tpu.memref_squeeze %dma_start3A_106 : memref<1x128x48xf32, #tpu.memory_space<vmem>> -> memref<128x48xf32, #tpu.memory_space<vmem>>
      tpu.enqueue_dma source(%dma_start3A_107 : memref<128x48xf32, #tpu.memory_space<vmem>>) target(%dma_start3A_103 : memref<128x48xf32, #tpu.memory_space<vmem_shared>>) target_semaphore(%run_scoped3A_95 : memref<!tpu.dma_semaphore, #tpu.memory_space<semaphore_mem>>)
      %dma_wait3A = arith.constant 0 : i32
      %dma_wait3A_108 = arith.constant 0 : i32
      %dma_wait3A_109 = tpu.memref_slice %arg10[%run_scoped3A_20, %dma_wait3A, %dma_wait3A_108] : memref<10x128x48xf32, #tpu.memory_space<vmem>> -> memref<1x128x48xf32, #tpu.memory_space<vmem>>
      %dma_wait3A_110 = tpu.memref_squeeze %dma_wait3A_109 : memref<1x128x48xf32, #tpu.memory_space<vmem>> -> memref<128x48xf32, #tpu.memory_space<vmem>>
      %dma_wait3A_111 = arith.constant 0 : i32
      %dma_wait3A_112 = tpu.memref_slice %arg7[%add3A_19, %dma_wait3A_111] : memref<10240x48xf32, #tpu.memory_space<vmem_shared>> -> memref<128x48xf32, #tpu.memory_space<vmem_shared>>
      %dma_wait3A_113 = arith.constant 0 : i32
      %dma_wait3A_114 = tpu.memref_slice %arg7[%add3A_19, %dma_wait3A_113] : memref<10240x48xf32, #tpu.memory_space<vmem_shared>> -> memref<128x48xf32, #tpu.memory_space<vmem_shared>>
      %dma_wait3A_115 = arith.constant 0 : i32
      %dma_wait3A_116 = arith.constant 0 : i32
      %dma_wait3A_117 = tpu.memref_slice %arg10[%run_scoped3A_20, %dma_wait3A_115, %dma_wait3A_116] : memref<10x128x48xf32, #tpu.memory_space<vmem>> -> memref<1x128x48xf32, #tpu.memory_space<vmem>>
      %dma_wait3A_118 = tpu.memref_squeeze %dma_wait3A_117 : memref<1x128x48xf32, #tpu.memory_space<vmem>> -> memref<128x48xf32, #tpu.memory_space<vmem>>
      tpu.wait_dma2 semaphore(%run_scoped3A_95 : memref<!tpu.dma_semaphore, #tpu.memory_space<semaphore_mem>>) src(%dma_wait3A_118 : memref<128x48xf32, #tpu.memory_space<vmem>>) dst(%dma_wait3A_114 : memref<128x48xf32, #tpu.memory_space<vmem_shared>>)
      tpu.yield
    }) : () -> ()
    %mul3A_21 = arith.constant 640 : i32
    %mul3A_22 = arith.muli %arg1, %mul3A_21 : i32
    %add3A_23 = arith.constant 512 : i32
    %add3A_24 = arith.addi %mul3A_22, %add3A_23 : i32
    %run_scoped3A_25 = arith.constant 0 : i32
    "tpu.region"() ({
      %run_scoped3A_95 = tpu.sem_alloc : memref<!tpu.dma_semaphore, #tpu.memory_space<semaphore_mem>>
      %dma_start3A_96 = arith.constant 0 : i32
      %dma_start3A_97 = arith.constant 0 : i32
      %dma_start3A_98 = tpu.memref_slice %arg10[%run_scoped3A_25, %dma_start3A_96, %dma_start3A_97] : memref<10x128x48xf32, #tpu.memory_space<vmem>> -> memref<1x128x48xf32, #tpu.memory_space<vmem>>
      %dma_start3A_99 = tpu.memref_squeeze %dma_start3A_98 : memref<1x128x48xf32, #tpu.memory_space<vmem>> -> memref<128x48xf32, #tpu.memory_space<vmem>>
      %dma_start3A_100 = arith.constant 0 : i32
      %dma_start3A_101 = tpu.memref_slice %arg7[%add3A_24, %dma_start3A_100] : memref<10240x48xf32, #tpu.memory_space<vmem_shared>> -> memref<128x48xf32, #tpu.memory_space<vmem_shared>>
      %dma_start3A_102 = arith.constant 0 : i32
      %dma_start3A_103 = tpu.memref_slice %arg7[%add3A_24, %dma_start3A_102] : memref<10240x48xf32, #tpu.memory_space<vmem_shared>> -> memref<128x48xf32, #tpu.memory_space<vmem_shared>>
      %dma_start3A_104 = arith.constant 0 : i32
      %dma_start3A_105 = arith.constant 0 : i32
      %dma_start3A_106 = tpu.memref_slice %arg10[%run_scoped3A_25, %dma_start3A_104, %dma_start3A_105] : memref<10x128x48xf32, #tpu.memory_space<vmem>> -> memref<1x128x48xf32, #tpu.memory_space<vmem>>
      %dma_start3A_107 = tpu.memref_squeeze %dma_start3A_106 : memref<1x128x48xf32, #tpu.memory_space<vmem>> -> memref<128x48xf32, #tpu.memory_space<vmem>>
      tpu.enqueue_dma source(%dma_start3A_107 : memref<128x48xf32, #tpu.memory_space<vmem>>) target(%dma_start3A_103 : memref<128x48xf32, #tpu.memory_space<vmem_shared>>) target_semaphore(%run_scoped3A_95 : memref<!tpu.dma_semaphore, #tpu.memory_space<semaphore_mem>>)
      %dma_wait3A = arith.constant 0 : i32
      %dma_wait3A_108 = arith.constant 0 : i32
      %dma_wait3A_109 = tpu.memref_slice %arg10[%run_scoped3A_25, %dma_wait3A, %dma_wait3A_108] : memref<10x128x48xf32, #tpu.memory_space<vmem>> -> memref<1x128x48xf32, #tpu.memory_space<vmem>>
      %dma_wait3A_110 = tpu.memref_squeeze %dma_wait3A_109 : memref<1x128x48xf32, #tpu.memory_space<vmem>> -> memref<128x48xf32, #tpu.memory_space<vmem>>
      %dma_wait3A_111 = arith.constant 0 : i32
      %dma_wait3A_112 = tpu.memref_slice %arg7[%add3A_24, %dma_wait3A_111] : memref<10240x48xf32, #tpu.memory_space<vmem_shared>> -> memref<128x48xf32, #tpu.memory_space<vmem_shared>>
      %dma_wait3A_113 = arith.constant 0 : i32
      %dma_wait3A_114 = tpu.memref_slice %arg7[%add3A_24, %dma_wait3A_113] : memref<10240x48xf32, #tpu.memory_space<vmem_shared>> -> memref<128x48xf32, #tpu.memory_space<vmem_shared>>
      %dma_wait3A_115 = arith.constant 0 : i32
      %dma_wait3A_116 = arith.constant 0 : i32
      %dma_wait3A_117 = tpu.memref_slice %arg10[%run_scoped3A_25, %dma_wait3A_115, %dma_wait3A_116] : memref<10x128x48xf32, #tpu.memory_space<vmem>> -> memref<1x128x48xf32, #tpu.memory_space<vmem>>
      %dma_wait3A_118 = tpu.memref_squeeze %dma_wait3A_117 : memref<1x128x48xf32, #tpu.memory_space<vmem>> -> memref<128x48xf32, #tpu.memory_space<vmem>>
      tpu.wait_dma2 semaphore(%run_scoped3A_95 : memref<!tpu.dma_semaphore, #tpu.memory_space<semaphore_mem>>) src(%dma_wait3A_118 : memref<128x48xf32, #tpu.memory_space<vmem>>) dst(%dma_wait3A_114 : memref<128x48xf32, #tpu.memory_space<vmem_shared>>)
      tpu.yield
    }) : () -> ()
    "tpu.region"() ({
      %run_scoped3A_95 = tpu.sem_alloc : memref<!tpu.dma_semaphore, #tpu.memory_space<semaphore_mem>>
      %dma_start3A_96 = arith.constant 0 : i32
      %dma_start3A_97 = arith.constant 0 : i32
      %dma_start3A_98 = tpu.memref_slice %arg3[%add3A, %dma_start3A_96, %dma_start3A_97] : memref<32x80x128xi32, #tpu.memory_space<hbm>> -> memref<1x80x128xi32, #tpu.memory_space<hbm>>
      %dma_start3A_99 = tpu.memref_squeeze %dma_start3A_98 : memref<1x80x128xi32, #tpu.memory_space<hbm>> -> memref<80x128xi32, #tpu.memory_space<hbm>>
      %dma_start3A_100 = arith.constant 0 : i32
      %dma_start3A_101 = arith.constant 0 : i32
      %dma_start3A_102 = tpu.memref_slice %arg3[%add3A, %dma_start3A_100, %dma_start3A_101] : memref<32x80x128xi32, #tpu.memory_space<hbm>> -> memref<1x80x128xi32, #tpu.memory_space<hbm>>
      %dma_start3A_103 = tpu.memref_squeeze %dma_start3A_102 : memref<1x80x128xi32, #tpu.memory_space<hbm>> -> memref<80x128xi32, #tpu.memory_space<hbm>>
      tpu.enqueue_dma source(%dma_start3A_103 : memref<80x128xi32, #tpu.memory_space<hbm>>) target(%arg8 : memref<80x128xi32, #tpu.memory_space<vmem>>) target_semaphore(%run_scoped3A_95 : memref<!tpu.dma_semaphore, #tpu.memory_space<semaphore_mem>>)
      %dma_wait3A = arith.constant 0 : i32
      %dma_wait3A_104 = arith.constant 0 : i32
      %dma_wait3A_105 = tpu.memref_slice %arg3[%add3A, %dma_wait3A, %dma_wait3A_104] : memref<32x80x128xi32, #tpu.memory_space<hbm>> -> memref<1x80x128xi32, #tpu.memory_space<hbm>>
      %dma_wait3A_106 = tpu.memref_squeeze %dma_wait3A_105 : memref<1x80x128xi32, #tpu.memory_space<hbm>> -> memref<80x128xi32, #tpu.memory_space<hbm>>
      %dma_wait3A_107 = arith.constant 0 : i32
      %dma_wait3A_108 = arith.constant 0 : i32
      %dma_wait3A_109 = tpu.memref_slice %arg3[%add3A, %dma_wait3A_107, %dma_wait3A_108] : memref<32x80x128xi32, #tpu.memory_space<hbm>> -> memref<1x80x128xi32, #tpu.memory_space<hbm>>
      %dma_wait3A_110 = tpu.memref_squeeze %dma_wait3A_109 : memref<1x80x128xi32, #tpu.memory_space<hbm>> -> memref<80x128xi32, #tpu.memory_space<hbm>>
      tpu.wait_dma2 semaphore(%run_scoped3A_95 : memref<!tpu.dma_semaphore, #tpu.memory_space<semaphore_mem>>) src(%dma_wait3A_110 : memref<80x128xi32, #tpu.memory_space<hbm>>) dst(%arg8 : memref<80x128xi32, #tpu.memory_space<vmem>>)
      tpu.yield
    }) : () -> ()
    "tpu.region"() ({
      %run_scoped3A_95 = tpu.sem_alloc : memref<!tpu.dma_semaphore, #tpu.memory_space<semaphore_mem>>
      %dma_start3A_96 = arith.constant 0 : i32
      %dma_start3A_97 = arith.constant 0 : i32
      %dma_start3A_98 = tpu.memref_slice %arg4[%add3A, %dma_start3A_96, %dma_start3A_97] : memref<32x80x128xi32, #tpu.memory_space<hbm>> -> memref<1x80x128xi32, #tpu.memory_space<hbm>>
      %dma_start3A_99 = tpu.memref_squeeze %dma_start3A_98 : memref<1x80x128xi32, #tpu.memory_space<hbm>> -> memref<80x128xi32, #tpu.memory_space<hbm>>
      %dma_start3A_100 = arith.constant 0 : i32
      %dma_start3A_101 = arith.constant 0 : i32
      %dma_start3A_102 = tpu.memref_slice %arg4[%add3A, %dma_start3A_100, %dma_start3A_101] : memref<32x80x128xi32, #tpu.memory_space<hbm>> -> memref<1x80x128xi32, #tpu.memory_space<hbm>>
      %dma_start3A_103 = tpu.memref_squeeze %dma_start3A_102 : memref<1x80x128xi32, #tpu.memory_space<hbm>> -> memref<80x128xi32, #tpu.memory_space<hbm>>
      tpu.enqueue_dma source(%dma_start3A_103 : memref<80x128xi32, #tpu.memory_space<hbm>>) target(%arg9 : memref<80x128xi32, #tpu.memory_space<vmem>>) target_semaphore(%run_scoped3A_95 : memref<!tpu.dma_semaphore, #tpu.memory_space<semaphore_mem>>)
      %dma_wait3A = arith.constant 0 : i32
      %dma_wait3A_104 = arith.constant 0 : i32
      %dma_wait3A_105 = tpu.memref_slice %arg4[%add3A, %dma_wait3A, %dma_wait3A_104] : memref<32x80x128xi32, #tpu.memory_space<hbm>> -> memref<1x80x128xi32, #tpu.memory_space<hbm>>
      %dma_wait3A_106 = tpu.memref_squeeze %dma_wait3A_105 : memref<1x80x128xi32, #tpu.memory_space<hbm>> -> memref<80x128xi32, #tpu.memory_space<hbm>>
      %dma_wait3A_107 = arith.constant 0 : i32
      %dma_wait3A_108 = arith.constant 0 : i32
      %dma_wait3A_109 = tpu.memref_slice %arg4[%add3A, %dma_wait3A_107, %dma_wait3A_108] : memref<32x80x128xi32, #tpu.memory_space<hbm>> -> memref<1x80x128xi32, #tpu.memory_space<hbm>>
      %dma_wait3A_110 = tpu.memref_squeeze %dma_wait3A_109 : memref<1x80x128xi32, #tpu.memory_space<hbm>> -> memref<80x128xi32, #tpu.memory_space<hbm>>
      tpu.wait_dma2 semaphore(%run_scoped3A_95 : memref<!tpu.dma_semaphore, #tpu.memory_space<semaphore_mem>>) src(%dma_wait3A_110 : memref<80x128xi32, #tpu.memory_space<hbm>>) dst(%arg9 : memref<80x128xi32, #tpu.memory_space<vmem>>)
      tpu.yield
    }) : () -> ()
    %barrier3A = arith.constant 0 : index
    tpu.barrier barrier_id(%barrier3A)
    %dma_start3A = arith.constant 0 : i32
    %dma_start3A_26 = arith.constant 0 : i32
    %dma_start3A_27 = arith.constant 0 : i32
    %dma_start3A_28 = arith.constant 0 : i32
    %dma_start3A_29 = tpu.memref_slice %arg10[%dma_start3A_26, %dma_start3A_27, %dma_start3A_28] : memref<10x128x48xf32, #tpu.memory_space<vmem>> -> memref<1x128x48xf32, #tpu.memory_space<vmem>>
    %dma_start3A_30 = tpu.memref_squeeze %dma_start3A_29 : memref<1x128x48xf32, #tpu.memory_space<vmem>> -> memref<128x48xf32, #tpu.memory_space<vmem>>
    %dma_start3A_31 = arith.constant 0 : i32
    %dma_start3A_32 = tpu.memref_slice %arg8[%dma_start3A, %dma_start3A_31] : memref<80x128xi32, #tpu.memory_space<vmem>> -> memref<1x128xi32, #tpu.memory_space<vmem>>
    %dma_start3A_33 = tpu.memref_squeeze %dma_start3A_32 : memref<1x128xi32, #tpu.memory_space<vmem>> -> memref<128xi32, #tpu.memory_space<vmem>>
    %dma_start3A_34 = arith.constant 0 : i32
    %dma_start3A_35 = arith.constant 0 : i32
    %dma_start3A_36 = tpu.memref_slice %arg2[%dma_start3A_34, %dma_start3A_35] : memref<10240x48xf32, #tpu.memory_space<hbm>> -> memref<10240x48xf32, #tpu.memory_space<hbm>>
    tpu.enqueue_indirect_dma source(%dma_start3A_36 : memref<10240x48xf32, #tpu.memory_space<hbm>>) target(%dma_start3A_30 : memref<128x48xf32, #tpu.memory_space<vmem>>) offsets(%dma_start3A_33 : memref<128xi32, #tpu.memory_space<vmem>>) semaphore(%arg11 : memref<!tpu.dma_semaphore, #tpu.memory_space<semaphore_mem>>)
    %dma_start3A_37 = arith.constant 1 : i32
    %dma_start3A_38 = arith.constant 1 : i32
    %dma_start3A_39 = arith.constant 0 : i32
    %dma_start3A_40 = arith.constant 0 : i32
    %dma_start3A_41 = tpu.memref_slice %arg10[%dma_start3A_38, %dma_start3A_39, %dma_start3A_40] : memref<10x128x48xf32, #tpu.memory_space<vmem>> -> memref<1x128x48xf32, #tpu.memory_space<vmem>>
    %dma_start3A_42 = tpu.memref_squeeze %dma_start3A_41 : memref<1x128x48xf32, #tpu.memory_space<vmem>> -> memref<128x48xf32, #tpu.memory_space<vmem>>
    %dma_start3A_43 = arith.constant 0 : i32
    %dma_start3A_44 = tpu.memref_slice %arg8[%dma_start3A_37, %dma_start3A_43] : memref<80x128xi32, #tpu.memory_space<vmem>> -> memref<1x128xi32, #tpu.memory_space<vmem>>
    %dma_start3A_45 = tpu.memref_squeeze %dma_start3A_44 : memref<1x128xi32, #tpu.memory_space<vmem>> -> memref<128xi32, #tpu.memory_space<vmem>>
    %dma_start3A_46 = arith.constant 0 : i32
    %dma_start3A_47 = arith.constant 0 : i32
    %dma_start3A_48 = tpu.memref_slice %arg2[%dma_start3A_46, %dma_start3A_47] : memref<10240x48xf32, #tpu.memory_space<hbm>> -> memref<10240x48xf32, #tpu.memory_space<hbm>>
    tpu.enqueue_indirect_dma source(%dma_start3A_48 : memref<10240x48xf32, #tpu.memory_space<hbm>>) target(%dma_start3A_42 : memref<128x48xf32, #tpu.memory_space<vmem>>) offsets(%dma_start3A_45 : memref<128xi32, #tpu.memory_space<vmem>>) semaphore(%arg11 : memref<!tpu.dma_semaphore, #tpu.memory_space<semaphore_mem>>)
    %dma_start3A_49 = arith.constant 2 : i32
    %dma_start3A_50 = arith.constant 2 : i32
    %dma_start3A_51 = arith.constant 0 : i32
    %dma_start3A_52 = arith.constant 0 : i32
    %dma_start3A_53 = tpu.memref_slice %arg10[%dma_start3A_50, %dma_start3A_51, %dma_start3A_52] : memref<10x128x48xf32, #tpu.memory_space<vmem>> -> memref<1x128x48xf32, #tpu.memory_space<vmem>>
    %dma_start3A_54 = tpu.memref_squeeze %dma_start3A_53 : memref<1x128x48xf32, #tpu.memory_space<vmem>> -> memref<128x48xf32, #tpu.memory_space<vmem>>
    %dma_start3A_55 = arith.constant 0 : i32
    %dma_start3A_56 = tpu.memref_slice %arg8[%dma_start3A_49, %dma_start3A_55] : memref<80x128xi32, #tpu.memory_space<vmem>> -> memref<1x128xi32, #tpu.memory_space<vmem>>
    %dma_start3A_57 = tpu.memref_squeeze %dma_start3A_56 : memref<1x128xi32, #tpu.memory_space<vmem>> -> memref<128xi32, #tpu.memory_space<vmem>>
    %dma_start3A_58 = arith.constant 0 : i32
    %dma_start3A_59 = arith.constant 0 : i32
    %dma_start3A_60 = tpu.memref_slice %arg2[%dma_start3A_58, %dma_start3A_59] : memref<10240x48xf32, #tpu.memory_space<hbm>> -> memref<10240x48xf32, #tpu.memory_space<hbm>>
    tpu.enqueue_indirect_dma source(%dma_start3A_60 : memref<10240x48xf32, #tpu.memory_space<hbm>>) target(%dma_start3A_54 : memref<128x48xf32, #tpu.memory_space<vmem>>) offsets(%dma_start3A_57 : memref<128xi32, #tpu.memory_space<vmem>>) semaphore(%arg11 : memref<!tpu.dma_semaphore, #tpu.memory_space<semaphore_mem>>)
    %dma_start3A_61 = arith.constant 3 : i32
    %dma_start3A_62 = arith.constant 3 : i32
    %dma_start3A_63 = arith.constant 0 : i32
    %dma_start3A_64 = arith.constant 0 : i32
    %dma_start3A_65 = tpu.memref_slice %arg10[%dma_start3A_62, %dma_start3A_63, %dma_start3A_64] : memref<10x128x48xf32, #tpu.memory_space<vmem>> -> memref<1x128x48xf32, #tpu.memory_space<vmem>>
    %dma_start3A_66 = tpu.memref_squeeze %dma_start3A_65 : memref<1x128x48xf32, #tpu.memory_space<vmem>> -> memref<128x48xf32, #tpu.memory_space<vmem>>
    %dma_start3A_67 = arith.constant 0 : i32
    %dma_start3A_68 = tpu.memref_slice %arg8[%dma_start3A_61, %dma_start3A_67] : memref<80x128xi32, #tpu.memory_space<vmem>> -> memref<1x128xi32, #tpu.memory_space<vmem>>
    %dma_start3A_69 = tpu.memref_squeeze %dma_start3A_68 : memref<1x128xi32, #tpu.memory_space<vmem>> -> memref<128xi32, #tpu.memory_space<vmem>>
    %dma_start3A_70 = arith.constant 0 : i32
    %dma_start3A_71 = arith.constant 0 : i32
    %dma_start3A_72 = tpu.memref_slice %arg2[%dma_start3A_70, %dma_start3A_71] : memref<10240x48xf32, #tpu.memory_space<hbm>> -> memref<10240x48xf32, #tpu.memory_space<hbm>>
    tpu.enqueue_indirect_dma source(%dma_start3A_72 : memref<10240x48xf32, #tpu.memory_space<hbm>>) target(%dma_start3A_66 : memref<128x48xf32, #tpu.memory_space<vmem>>) offsets(%dma_start3A_69 : memref<128xi32, #tpu.memory_space<vmem>>) semaphore(%arg11 : memref<!tpu.dma_semaphore, #tpu.memory_space<semaphore_mem>>)
    %dma_start3A_73 = arith.constant 4 : i32
    %dma_start3A_74 = arith.constant 4 : i32
    %dma_start3A_75 = arith.constant 0 : i32
    %dma_start3A_76 = arith.constant 0 : i32
    %dma_start3A_77 = tpu.memref_slice %arg10[%dma_start3A_74, %dma_start3A_75, %dma_start3A_76] : memref<10x128x48xf32, #tpu.memory_space<vmem>> -> memref<1x128x48xf32, #tpu.memory_space<vmem>>
    %dma_start3A_78 = tpu.memref_squeeze %dma_start3A_77 : memref<1x128x48xf32, #tpu.memory_space<vmem>> -> memref<128x48xf32, #tpu.memory_space<vmem>>
    %dma_start3A_79 = arith.constant 0 : i32
    %dma_start3A_80 = tpu.memref_slice %arg8[%dma_start3A_73, %dma_start3A_79] : memref<80x128xi32, #tpu.memory_space<vmem>> -> memref<1x128xi32, #tpu.memory_space<vmem>>
    %dma_start3A_81 = tpu.memref_squeeze %dma_start3A_80 : memref<1x128xi32, #tpu.memory_space<vmem>> -> memref<128xi32, #tpu.memory_space<vmem>>
    %dma_start3A_82 = arith.constant 0 : i32
    %dma_start3A_83 = arith.constant 0 : i32
    %dma_start3A_84 = tpu.memref_slice %arg2[%dma_start3A_82, %dma_start3A_83] : memref<10240x48xf32, #tpu.memory_space<hbm>> -> memref<10240x48xf32, #tpu.memory_space<hbm>>
    tpu.enqueue_indirect_dma source(%dma_start3A_84 : memref<10240x48xf32, #tpu.memory_space<hbm>>) target(%dma_start3A_78 : memref<128x48xf32, #tpu.memory_space<vmem>>) offsets(%dma_start3A_81 : memref<128xi32, #tpu.memory_space<vmem>>) semaphore(%arg11 : memref<!tpu.dma_semaphore, #tpu.memory_space<semaphore_mem>>)
    %scan3A = arith.constant 0 : i32
    %scan3A_85 = arith.constant 0 : i32
    %scan3A_86 = arith.constant 16 : i32
    %scan3A_87 = arith.addi %scan3A_85, %scan3A_86 : i32
    %scan3A_88 = arith.constant 1 : i32
    scf.for %scan3A_95 = %scan3A_85 to %scan3A_87 step %scan3A_88  : i32 {
      %jit3A = arith.constant 2 : i32
      %eq3A = arith.constant 0 : i32
      %eq3A_96 = arith.cmpi eq, %jit3A, %eq3A : i32
      %jit3A_97 = arith.constant 1 : i32
      %select_n3A = arith.select %eq3A_96, %jit3A_97, %jit3A : i32
      %rem3A = arith.remsi %scan3A_95, %select_n3A : i32
      %ne3A = arith.constant 0 : i32
      %ne3A_98 = arith.cmpi ne, %rem3A, %ne3A : i32
      %lt3A = arith.constant 0 : i32
      %lt3A_99 = arith.cmpi slt, %rem3A, %lt3A : i32
      %lt3A_100 = arith.constant 0 : i32
      %lt3A_101 = arith.cmpi slt, %select_n3A, %lt3A_100 : i32
      %ne3A_102 = arith.xori %lt3A_99, %lt3A_101 : i1
      %and3A = arith.andi %ne3A_102, %ne3A_98 : i1
      %add3A_103 = arith.addi %rem3A, %select_n3A : i32
      %select_n3A_104 = arith.select %and3A, %add3A_103, %rem3A : i32
      %mul3A_105 = arith.constant 5 : i32
      %mul3A_106 = arith.muli %select_n3A_104, %mul3A_105 : i32
      %sub3A = arith.constant 1 : i32
      %sub3A_107 = arith.subi %sub3A, %select_n3A_104 : i32
      %mul3A_108 = arith.constant 5 : i32
      %mul3A_109 = arith.muli %sub3A_107, %mul3A_108 : i32
      %mul3A_110 = arith.constant 5 : i32
      %mul3A_111 = arith.muli %scan3A_95, %mul3A_110 : i32
      %add3A_112 = arith.constant 0 : i32
      %add3A_113 = arith.addi %mul3A_111, %add3A_112 : i32
      %add3A_114 = arith.constant 0 : i32
      %add3A_115 = arith.addi %mul3A_106, %add3A_114 : i32
      %dma_wait3A = arith.constant 0 : i32
      %dma_wait3A_116 = arith.constant 0 : i32
      %dma_wait3A_117 = tpu.memref_slice %arg10[%add3A_115, %dma_wait3A, %dma_wait3A_116] : memref<10x128x48xf32, #tpu.memory_space<vmem>> -> memref<1x128x48xf32, #tpu.memory_space<vmem>>
      %dma_wait3A_118 = tpu.memref_squeeze %dma_wait3A_117 : memref<1x128x48xf32, #tpu.memory_space<vmem>> -> memref<128x48xf32, #tpu.memory_space<vmem>>
      %dma_wait3A_119 = arith.constant 0 : i32
      %dma_wait3A_120 = tpu.memref_slice %arg8[%add3A_113, %dma_wait3A_119] : memref<80x128xi32, #tpu.memory_space<vmem>> -> memref<1x128xi32, #tpu.memory_space<vmem>>
      %dma_wait3A_121 = tpu.memref_squeeze %dma_wait3A_120 : memref<1x128xi32, #tpu.memory_space<vmem>> -> memref<128xi32, #tpu.memory_space<vmem>>
      %dma_wait3A_122 = arith.constant 0 : i32
      %dma_wait3A_123 = arith.constant 0 : i32
      %dma_wait3A_124 = tpu.memref_slice %arg2[%dma_wait3A_122, %dma_wait3A_123] : memref<10240x48xf32, #tpu.memory_space<hbm>> -> memref<10240x48xf32, #tpu.memory_space<hbm>>
      tpu.wait_indirect_dma semaphore(%arg11 : memref<!tpu.dma_semaphore, #tpu.memory_space<semaphore_mem>>) src(%dma_wait3A_124 : memref<10240x48xf32, #tpu.memory_space<hbm>>) dst(%dma_wait3A_118 : memref<128x48xf32, #tpu.memory_space<vmem>>)
      %mul3A_125 = arith.constant 5 : i32
      %mul3A_126 = arith.muli %scan3A_95, %mul3A_125 : i32
      %add3A_127 = arith.constant 1 : i32
      %add3A_128 = arith.addi %mul3A_126, %add3A_127 : i32
      %add3A_129 = arith.constant 1 : i32
      %add3A_130 = arith.addi %mul3A_106, %add3A_129 : i32
      %dma_wait3A_131 = arith.constant 0 : i32
      %dma_wait3A_132 = arith.constant 0 : i32
      %dma_wait3A_133 = tpu.memref_slice %arg10[%add3A_130, %dma_wait3A_131, %dma_wait3A_132] : memref<10x128x48xf32, #tpu.memory_space<vmem>> -> memref<1x128x48xf32, #tpu.memory_space<vmem>>
      %dma_wait3A_134 = tpu.memref_squeeze %dma_wait3A_133 : memref<1x128x48xf32, #tpu.memory_space<vmem>> -> memref<128x48xf32, #tpu.memory_space<vmem>>
      %dma_wait3A_135 = arith.constant 0 : i32
      %dma_wait3A_136 = tpu.memref_slice %arg8[%add3A_128, %dma_wait3A_135] : memref<80x128xi32, #tpu.memory_space<vmem>> -> memref<1x128xi32, #tpu.memory_space<vmem>>
      %dma_wait3A_137 = tpu.memref_squeeze %dma_wait3A_136 : memref<1x128xi32, #tpu.memory_space<vmem>> -> memref<128xi32, #tpu.memory_space<vmem>>
      %dma_wait3A_138 = arith.constant 0 : i32
      %dma_wait3A_139 = arith.constant 0 : i32
      %dma_wait3A_140 = tpu.memref_slice %arg2[%dma_wait3A_138, %dma_wait3A_139] : memref<10240x48xf32, #tpu.memory_space<hbm>> -> memref<10240x48xf32, #tpu.memory_space<hbm>>
      tpu.wait_indirect_dma semaphore(%arg11 : memref<!tpu.dma_semaphore, #tpu.memory_space<semaphore_mem>>) src(%dma_wait3A_140 : memref<10240x48xf32, #tpu.memory_space<hbm>>) dst(%dma_wait3A_134 : memref<128x48xf32, #tpu.memory_space<vmem>>)
      %mul3A_141 = arith.constant 5 : i32
      %mul3A_142 = arith.muli %scan3A_95, %mul3A_141 : i32
      %add3A_143 = arith.constant 2 : i32
      %add3A_144 = arith.addi %mul3A_142, %add3A_143 : i32
      %add3A_145 = arith.constant 2 : i32
      %add3A_146 = arith.addi %mul3A_106, %add3A_145 : i32
      %dma_wait3A_147 = arith.constant 0 : i32
      %dma_wait3A_148 = arith.constant 0 : i32
      %dma_wait3A_149 = tpu.memref_slice %arg10[%add3A_146, %dma_wait3A_147, %dma_wait3A_148] : memref<10x128x48xf32, #tpu.memory_space<vmem>> -> memref<1x128x48xf32, #tpu.memory_space<vmem>>
      %dma_wait3A_150 = tpu.memref_squeeze %dma_wait3A_149 : memref<1x128x48xf32, #tpu.memory_space<vmem>> -> memref<128x48xf32, #tpu.memory_space<vmem>>
      %dma_wait3A_151 = arith.constant 0 : i32
      %dma_wait3A_152 = tpu.memref_slice %arg8[%add3A_144, %dma_wait3A_151] : memref<80x128xi32, #tpu.memory_space<vmem>> -> memref<1x128xi32, #tpu.memory_space<vmem>>
      %dma_wait3A_153 = tpu.memref_squeeze %dma_wait3A_152 : memref<1x128xi32, #tpu.memory_space<vmem>> -> memref<128xi32, #tpu.memory_space<vmem>>
      %dma_wait3A_154 = arith.constant 0 : i32
      %dma_wait3A_155 = arith.constant 0 : i32
      %dma_wait3A_156 = tpu.memref_slice %arg2[%dma_wait3A_154, %dma_wait3A_155] : memref<10240x48xf32, #tpu.memory_space<hbm>> -> memref<10240x48xf32, #tpu.memory_space<hbm>>
      tpu.wait_indirect_dma semaphore(%arg11 : memref<!tpu.dma_semaphore, #tpu.memory_space<semaphore_mem>>) src(%dma_wait3A_156 : memref<10240x48xf32, #tpu.memory_space<hbm>>) dst(%dma_wait3A_150 : memref<128x48xf32, #tpu.memory_space<vmem>>)
      %mul3A_157 = arith.constant 5 : i32
      %mul3A_158 = arith.muli %scan3A_95, %mul3A_157 : i32
      %add3A_159 = arith.constant 3 : i32
      %add3A_160 = arith.addi %mul3A_158, %add3A_159 : i32
      %add3A_161 = arith.constant 3 : i32
      %add3A_162 = arith.addi %mul3A_106, %add3A_161 : i32
      %dma_wait3A_163 = arith.constant 0 : i32
      %dma_wait3A_164 = arith.constant 0 : i32
      %dma_wait3A_165 = tpu.memref_slice %arg10[%add3A_162, %dma_wait3A_163, %dma_wait3A_164] : memref<10x128x48xf32, #tpu.memory_space<vmem>> -> memref<1x128x48xf32, #tpu.memory_space<vmem>>
      %dma_wait3A_166 = tpu.memref_squeeze %dma_wait3A_165 : memref<1x128x48xf32, #tpu.memory_space<vmem>> -> memref<128x48xf32, #tpu.memory_space<vmem>>
      %dma_wait3A_167 = arith.constant 0 : i32
      %dma_wait3A_168 = tpu.memref_slice %arg8[%add3A_160, %dma_wait3A_167] : memref<80x128xi32, #tpu.memory_space<vmem>> -> memref<1x128xi32, #tpu.memory_space<vmem>>
      %dma_wait3A_169 = tpu.memref_squeeze %dma_wait3A_168 : memref<1x128xi32, #tpu.memory_space<vmem>> -> memref<128xi32, #tpu.memory_space<vmem>>
      %dma_wait3A_170 = arith.constant 0 : i32
      %dma_wait3A_171 = arith.constant 0 : i32
      %dma_wait3A_172 = tpu.memref_slice %arg2[%dma_wait3A_170, %dma_wait3A_171] : memref<10240x48xf32, #tpu.memory_space<hbm>> -> memref<10240x48xf32, #tpu.memory_space<hbm>>
      tpu.wait_indirect_dma semaphore(%arg11 : memref<!tpu.dma_semaphore, #tpu.memory_space<semaphore_mem>>) src(%dma_wait3A_172 : memref<10240x48xf32, #tpu.memory_space<hbm>>) dst(%dma_wait3A_166 : memref<128x48xf32, #tpu.memory_space<vmem>>)
      %mul3A_173 = arith.constant 5 : i32
      %mul3A_174 = arith.muli %scan3A_95, %mul3A_173 : i32
      %add3A_175 = arith.constant 4 : i32
      %add3A_176 = arith.addi %mul3A_174, %add3A_175 : i32
      %add3A_177 = arith.constant 4 : i32
      %add3A_178 = arith.addi %mul3A_106, %add3A_177 : i32
      %dma_wait3A_179 = arith.constant 0 : i32
      %dma_wait3A_180 = arith.constant 0 : i32
      %dma_wait3A_181 = tpu.memref_slice %arg10[%add3A_178, %dma_wait3A_179, %dma_wait3A_180] : memref<10x128x48xf32, #tpu.memory_space<vmem>> -> memref<1x128x48xf32, #tpu.memory_space<vmem>>
      %dma_wait3A_182 = tpu.memref_squeeze %dma_wait3A_181 : memref<1x128x48xf32, #tpu.memory_space<vmem>> -> memref<128x48xf32, #tpu.memory_space<vmem>>
      %dma_wait3A_183 = arith.constant 0 : i32
      %dma_wait3A_184 = tpu.memref_slice %arg8[%add3A_176, %dma_wait3A_183] : memref<80x128xi32, #tpu.memory_space<vmem>> -> memref<1x128xi32, #tpu.memory_space<vmem>>
      %dma_wait3A_185 = tpu.memref_squeeze %dma_wait3A_184 : memref<1x128xi32, #tpu.memory_space<vmem>> -> memref<128xi32, #tpu.memory_space<vmem>>
      %dma_wait3A_186 = arith.constant 0 : i32
      %dma_wait3A_187 = arith.constant 0 : i32
      %dma_wait3A_188 = tpu.memref_slice %arg2[%dma_wait3A_186, %dma_wait3A_187] : memref<10240x48xf32, #tpu.memory_space<hbm>> -> memref<10240x48xf32, #tpu.memory_space<hbm>>
      tpu.wait_indirect_dma semaphore(%arg11 : memref<!tpu.dma_semaphore, #tpu.memory_space<semaphore_mem>>) src(%dma_wait3A_188 : memref<10240x48xf32, #tpu.memory_space<hbm>>) dst(%dma_wait3A_182 : memref<128x48xf32, #tpu.memory_space<vmem>>)
      %mul3A_189 = arith.constant 5 : i32
      %mul3A_190 = arith.muli %scan3A_95, %mul3A_189 : i32
      %add3A_191 = arith.constant 0 : i32
      %add3A_192 = arith.addi %mul3A_190, %add3A_191 : i32
      %add3A_193 = arith.constant 0 : i32
      %add3A_194 = arith.addi %mul3A_106, %add3A_193 : i32
      %dma_start3A_195 = arith.constant 0 : i32
      %dma_start3A_196 = arith.constant 0 : i32
      %dma_start3A_197 = tpu.memref_slice %arg10[%add3A_194, %dma_start3A_195, %dma_start3A_196] : memref<10x128x48xf32, #tpu.memory_space<vmem>> -> memref<1x128x48xf32, #tpu.memory_space<vmem>>
      %dma_start3A_198 = tpu.memref_squeeze %dma_start3A_197 : memref<1x128x48xf32, #tpu.memory_space<vmem>> -> memref<128x48xf32, #tpu.memory_space<vmem>>
      %dma_start3A_199 = arith.constant 0 : i32
      %dma_start3A_200 = tpu.memref_slice %arg9[%add3A_192, %dma_start3A_199] : memref<80x128xi32, #tpu.memory_space<vmem>> -> memref<1x128xi32, #tpu.memory_space<vmem>>
      %dma_start3A_201 = tpu.memref_squeeze %dma_start3A_200 : memref<1x128xi32, #tpu.memory_space<vmem>> -> memref<128xi32, #tpu.memory_space<vmem>>
      %dma_start3A_202 = arith.constant 0 : i32
      %dma_start3A_203 = arith.constant 0 : i32
      %dma_start3A_204 = tpu.memref_slice %arg7[%dma_start3A_202, %dma_start3A_203] : memref<10240x48xf32, #tpu.memory_space<vmem_shared>> -> memref<10240x48xf32, #tpu.memory_space<vmem_shared>>
      tpu.enqueue_indirect_dma source(%dma_start3A_198 : memref<128x48xf32, #tpu.memory_space<vmem>>) target(%dma_start3A_204 : memref<10240x48xf32, #tpu.memory_space<vmem_shared>>) offsets(%dma_start3A_201 : memref<128xi32, #tpu.memory_space<vmem>>) semaphore(%arg12 : memref<!tpu.dma_semaphore, #tpu.memory_space<semaphore_mem>>) {add = true}
      %mul3A_205 = arith.constant 5 : i32
      %mul3A_206 = arith.muli %scan3A_95, %mul3A_205 : i32
      %add3A_207 = arith.constant 1 : i32
      %add3A_208 = arith.addi %mul3A_206, %add3A_207 : i32
      %add3A_209 = arith.constant 1 : i32
      %add3A_210 = arith.addi %mul3A_106, %add3A_209 : i32
      %dma_start3A_211 = arith.constant 0 : i32
      %dma_start3A_212 = arith.constant 0 : i32
      %dma_start3A_213 = tpu.memref_slice %arg10[%add3A_210, %dma_start3A_211, %dma_start3A_212] : memref<10x128x48xf32, #tpu.memory_space<vmem>> -> memref<1x128x48xf32, #tpu.memory_space<vmem>>
      %dma_start3A_214 = tpu.memref_squeeze %dma_start3A_213 : memref<1x128x48xf32, #tpu.memory_space<vmem>> -> memref<128x48xf32, #tpu.memory_space<vmem>>
      %dma_start3A_215 = arith.constant 0 : i32
      %dma_start3A_216 = tpu.memref_slice %arg9[%add3A_208, %dma_start3A_215] : memref<80x128xi32, #tpu.memory_space<vmem>> -> memref<1x128xi32, #tpu.memory_space<vmem>>
      %dma_start3A_217 = tpu.memref_squeeze %dma_start3A_216 : memref<1x128xi32, #tpu.memory_space<vmem>> -> memref<128xi32, #tpu.memory_space<vmem>>
      %dma_start3A_218 = arith.constant 0 : i32
      %dma_start3A_219 = arith.constant 0 : i32
      %dma_start3A_220 = tpu.memref_slice %arg7[%dma_start3A_218, %dma_start3A_219] : memref<10240x48xf32, #tpu.memory_space<vmem_shared>> -> memref<10240x48xf32, #tpu.memory_space<vmem_shared>>
      tpu.enqueue_indirect_dma source(%dma_start3A_214 : memref<128x48xf32, #tpu.memory_space<vmem>>) target(%dma_start3A_220 : memref<10240x48xf32, #tpu.memory_space<vmem_shared>>) offsets(%dma_start3A_217 : memref<128xi32, #tpu.memory_space<vmem>>) semaphore(%arg12 : memref<!tpu.dma_semaphore, #tpu.memory_space<semaphore_mem>>) {add = true}
      %mul3A_221 = arith.constant 5 : i32
      %mul3A_222 = arith.muli %scan3A_95, %mul3A_221 : i32
      %add3A_223 = arith.constant 2 : i32
      %add3A_224 = arith.addi %mul3A_222, %add3A_223 : i32
      %add3A_225 = arith.constant 2 : i32
      %add3A_226 = arith.addi %mul3A_106, %add3A_225 : i32
      %dma_start3A_227 = arith.constant 0 : i32
      %dma_start3A_228 = arith.constant 0 : i32
      %dma_start3A_229 = tpu.memref_slice %arg10[%add3A_226, %dma_start3A_227, %dma_start3A_228] : memref<10x128x48xf32, #tpu.memory_space<vmem>> -> memref<1x128x48xf32, #tpu.memory_space<vmem>>
      %dma_start3A_230 = tpu.memref_squeeze %dma_start3A_229 : memref<1x128x48xf32, #tpu.memory_space<vmem>> -> memref<128x48xf32, #tpu.memory_space<vmem>>
      %dma_start3A_231 = arith.constant 0 : i32
      %dma_start3A_232 = tpu.memref_slice %arg9[%add3A_224, %dma_start3A_231] : memref<80x128xi32, #tpu.memory_space<vmem>> -> memref<1x128xi32, #tpu.memory_space<vmem>>
      %dma_start3A_233 = tpu.memref_squeeze %dma_start3A_232 : memref<1x128xi32, #tpu.memory_space<vmem>> -> memref<128xi32, #tpu.memory_space<vmem>>
      %dma_start3A_234 = arith.constant 0 : i32
      %dma_start3A_235 = arith.constant 0 : i32
      %dma_start3A_236 = tpu.memref_slice %arg7[%dma_start3A_234, %dma_start3A_235] : memref<10240x48xf32, #tpu.memory_space<vmem_shared>> -> memref<10240x48xf32, #tpu.memory_space<vmem_shared>>
      tpu.enqueue_indirect_dma source(%dma_start3A_230 : memref<128x48xf32, #tpu.memory_space<vmem>>) target(%dma_start3A_236 : memref<10240x48xf32, #tpu.memory_space<vmem_shared>>) offsets(%dma_start3A_233 : memref<128xi32, #tpu.memory_space<vmem>>) semaphore(%arg12 : memref<!tpu.dma_semaphore, #tpu.memory_space<semaphore_mem>>) {add = true}
      %mul3A_237 = arith.constant 5 : i32
      %mul3A_238 = arith.muli %scan3A_95, %mul3A_237 : i32
      %add3A_239 = arith.constant 3 : i32
      %add3A_240 = arith.addi %mul3A_238, %add3A_239 : i32
      %add3A_241 = arith.constant 3 : i32
      %add3A_242 = arith.addi %mul3A_106, %add3A_241 : i32
      %dma_start3A_243 = arith.constant 0 : i32
      %dma_start3A_244 = arith.constant 0 : i32
      %dma_start3A_245 = tpu.memref_slice %arg10[%add3A_242, %dma_start3A_243, %dma_start3A_244] : memref<10x128x48xf32, #tpu.memory_space<vmem>> -> memref<1x128x48xf32, #tpu.memory_space<vmem>>
      %dma_start3A_246 = tpu.memref_squeeze %dma_start3A_245 : memref<1x128x48xf32, #tpu.memory_space<vmem>> -> memref<128x48xf32, #tpu.memory_space<vmem>>
      %dma_start3A_247 = arith.constant 0 : i32
      %dma_start3A_248 = tpu.memref_slice %arg9[%add3A_240, %dma_start3A_247] : memref<80x128xi32, #tpu.memory_space<vmem>> -> memref<1x128xi32, #tpu.memory_space<vmem>>
      %dma_start3A_249 = tpu.memref_squeeze %dma_start3A_248 : memref<1x128xi32, #tpu.memory_space<vmem>> -> memref<128xi32, #tpu.memory_space<vmem>>
      %dma_start3A_250 = arith.constant 0 : i32
      %dma_start3A_251 = arith.constant 0 : i32
      %dma_start3A_252 = tpu.memref_slice %arg7[%dma_start3A_250, %dma_start3A_251] : memref<10240x48xf32, #tpu.memory_space<vmem_shared>> -> memref<10240x48xf32, #tpu.memory_space<vmem_shared>>
      tpu.enqueue_indirect_dma source(%dma_start3A_246 : memref<128x48xf32, #tpu.memory_space<vmem>>) target(%dma_start3A_252 : memref<10240x48xf32, #tpu.memory_space<vmem_shared>>) offsets(%dma_start3A_249 : memref<128xi32, #tpu.memory_space<vmem>>) semaphore(%arg12 : memref<!tpu.dma_semaphore, #tpu.memory_space<semaphore_mem>>) {add = true}
      %mul3A_253 = arith.constant 5 : i32
      %mul3A_254 = arith.muli %scan3A_95, %mul3A_253 : i32
      %add3A_255 = arith.constant 4 : i32
      %add3A_256 = arith.addi %mul3A_254, %add3A_255 : i32
      %add3A_257 = arith.constant 4 : i32
      %add3A_258 = arith.addi %mul3A_106, %add3A_257 : i32
      %dma_start3A_259 = arith.constant 0 : i32
      %dma_start3A_260 = arith.constant 0 : i32
      %dma_start3A_261 = tpu.memref_slice %arg10[%add3A_258, %dma_start3A_259, %dma_start3A_260] : memref<10x128x48xf32, #tpu.memory_space<vmem>> -> memref<1x128x48xf32, #tpu.memory_space<vmem>>
      %dma_start3A_262 = tpu.memref_squeeze %dma_start3A_261 : memref<1x128x48xf32, #tpu.memory_space<vmem>> -> memref<128x48xf32, #tpu.memory_space<vmem>>
      %dma_start3A_263 = arith.constant 0 : i32
      %dma_start3A_264 = tpu.memref_slice %arg9[%add3A_256, %dma_start3A_263] : memref<80x128xi32, #tpu.memory_space<vmem>> -> memref<1x128xi32, #tpu.memory_space<vmem>>
      %dma_start3A_265 = tpu.memref_squeeze %dma_start3A_264 : memref<1x128xi32, #tpu.memory_space<vmem>> -> memref<128xi32, #tpu.memory_space<vmem>>
      %dma_start3A_266 = arith.constant 0 : i32
      %dma_start3A_267 = arith.constant 0 : i32
      %dma_start3A_268 = tpu.memref_slice %arg7[%dma_start3A_266, %dma_start3A_267] : memref<10240x48xf32, #tpu.memory_space<vmem_shared>> -> memref<10240x48xf32, #tpu.memory_space<vmem_shared>>
      tpu.enqueue_indirect_dma source(%dma_start3A_262 : memref<128x48xf32, #tpu.memory_space<vmem>>) target(%dma_start3A_268 : memref<10240x48xf32, #tpu.memory_space<vmem_shared>>) offsets(%dma_start3A_265 : memref<128xi32, #tpu.memory_space<vmem>>) semaphore(%arg12 : memref<!tpu.dma_semaphore, #tpu.memory_space<semaphore_mem>>) {add = true}
      %add3A_269 = arith.constant 1 : i32
      %add3A_270 = arith.addi %scan3A_95, %add3A_269 : i32
      %mul3A_271 = arith.constant 5 : i32
      %mul3A_272 = arith.muli %add3A_270, %mul3A_271 : i32
      %add3A_273 = arith.constant 0 : i32
      %add3A_274 = arith.addi %mul3A_272, %add3A_273 : i32
      %lt3A_275 = arith.constant 80 : i32
      %lt3A_276 = arith.cmpi slt, %add3A_274, %lt3A_275 : i32
      %convert_element_type3A = arith.extui %lt3A_276 : i1 to i32
      %cond3A = arith.constant 0 : i32
      %cond3A_277 = arith.cmpi ne, %convert_element_type3A, %cond3A : i32
      scf.if %cond3A_277 {
        %add3A_402 = arith.constant 0 : i32
        %add3A_403 = arith.addi %mul3A_109, %add3A_402 : i32
        %dma_start3A_404 = arith.constant 0 : i32
        %dma_start3A_405 = arith.constant 0 : i32
        %dma_start3A_406 = tpu.memref_slice %arg10[%add3A_403, %dma_start3A_404, %dma_start3A_405] : memref<10x128x48xf32, #tpu.memory_space<vmem>> -> memref<1x128x48xf32, #tpu.memory_space<vmem>>
        %dma_start3A_407 = tpu.memref_squeeze %dma_start3A_406 : memref<1x128x48xf32, #tpu.memory_space<vmem>> -> memref<128x48xf32, #tpu.memory_space<vmem>>
        %dma_start3A_408 = arith.constant 0 : i32
        %dma_start3A_409 = tpu.memref_slice %arg8[%add3A_274, %dma_start3A_408] : memref<80x128xi32, #tpu.memory_space<vmem>> -> memref<1x128xi32, #tpu.memory_space<vmem>>
        %dma_start3A_410 = tpu.memref_squeeze %dma_start3A_409 : memref<1x128xi32, #tpu.memory_space<vmem>> -> memref<128xi32, #tpu.memory_space<vmem>>
        %dma_start3A_411 = arith.constant 0 : i32
        %dma_start3A_412 = arith.constant 0 : i32
        %dma_start3A_413 = tpu.memref_slice %arg2[%dma_start3A_411, %dma_start3A_412] : memref<10240x48xf32, #tpu.memory_space<hbm>> -> memref<10240x48xf32, #tpu.memory_space<hbm>>
        tpu.enqueue_indirect_dma source(%dma_start3A_413 : memref<10240x48xf32, #tpu.memory_space<hbm>>) target(%dma_start3A_407 : memref<128x48xf32, #tpu.memory_space<vmem>>) offsets(%dma_start3A_410 : memref<128xi32, #tpu.memory_space<vmem>>) semaphore(%arg11 : memref<!tpu.dma_semaphore, #tpu.memory_space<semaphore_mem>>)
      } else {
      }
      %add3A_278 = arith.constant 1 : i32
      %add3A_279 = arith.addi %scan3A_95, %add3A_278 : i32
      %mul3A_280 = arith.constant 5 : i32
      %mul3A_281 = arith.muli %add3A_279, %mul3A_280 : i32
      %add3A_282 = arith.constant 1 : i32
      %add3A_283 = arith.addi %mul3A_281, %add3A_282 : i32
      %lt3A_284 = arith.constant 80 : i32
      %lt3A_285 = arith.cmpi slt, %add3A_283, %lt3A_284 : i32
      %convert_element_type3A_286 = arith.extui %lt3A_285 : i1 to i32
      %cond3A_287 = arith.constant 0 : i32
      %cond3A_288 = arith.cmpi ne, %convert_element_type3A_286, %cond3A_287 : i32
      scf.if %cond3A_288 {
        %add3A_402 = arith.constant 1 : i32
        %add3A_403 = arith.addi %mul3A_109, %add3A_402 : i32
        %dma_start3A_404 = arith.constant 0 : i32
        %dma_start3A_405 = arith.constant 0 : i32
        %dma_start3A_406 = tpu.memref_slice %arg10[%add3A_403, %dma_start3A_404, %dma_start3A_405] : memref<10x128x48xf32, #tpu.memory_space<vmem>> -> memref<1x128x48xf32, #tpu.memory_space<vmem>>
        %dma_start3A_407 = tpu.memref_squeeze %dma_start3A_406 : memref<1x128x48xf32, #tpu.memory_space<vmem>> -> memref<128x48xf32, #tpu.memory_space<vmem>>
        %dma_start3A_408 = arith.constant 0 : i32
        %dma_start3A_409 = tpu.memref_slice %arg8[%add3A_283, %dma_start3A_408] : memref<80x128xi32, #tpu.memory_space<vmem>> -> memref<1x128xi32, #tpu.memory_space<vmem>>
        %dma_start3A_410 = tpu.memref_squeeze %dma_start3A_409 : memref<1x128xi32, #tpu.memory_space<vmem>> -> memref<128xi32, #tpu.memory_space<vmem>>
        %dma_start3A_411 = arith.constant 0 : i32
        %dma_start3A_412 = arith.constant 0 : i32
        %dma_start3A_413 = tpu.memref_slice %arg2[%dma_start3A_411, %dma_start3A_412] : memref<10240x48xf32, #tpu.memory_space<hbm>> -> memref<10240x48xf32, #tpu.memory_space<hbm>>
        tpu.enqueue_indirect_dma source(%dma_start3A_413 : memref<10240x48xf32, #tpu.memory_space<hbm>>) target(%dma_start3A_407 : memref<128x48xf32, #tpu.memory_space<vmem>>) offsets(%dma_start3A_410 : memref<128xi32, #tpu.memory_space<vmem>>) semaphore(%arg11 : memref<!tpu.dma_semaphore, #tpu.memory_space<semaphore_mem>>)
      } else {
      }
      %add3A_289 = arith.constant 1 : i32
      %add3A_290 = arith.addi %scan3A_95, %add3A_289 : i32
      %mul3A_291 = arith.constant 5 : i32
      %mul3A_292 = arith.muli %add3A_290, %mul3A_291 : i32
      %add3A_293 = arith.constant 2 : i32
      %add3A_294 = arith.addi %mul3A_292, %add3A_293 : i32
      %lt3A_295 = arith.constant 80 : i32
      %lt3A_296 = arith.cmpi slt, %add3A_294, %lt3A_295 : i32
      %convert_element_type3A_297 = arith.extui %lt3A_296 : i1 to i32
      %cond3A_298 = arith.constant 0 : i32
      %cond3A_299 = arith.cmpi ne, %convert_element_type3A_297, %cond3A_298 : i32
      scf.if %cond3A_299 {
        %add3A_402 = arith.constant 2 : i32
        %add3A_403 = arith.addi %mul3A_109, %add3A_402 : i32
        %dma_start3A_404 = arith.constant 0 : i32
        %dma_start3A_405 = arith.constant 0 : i32
        %dma_start3A_406 = tpu.memref_slice %arg10[%add3A_403, %dma_start3A_404, %dma_start3A_405] : memref<10x128x48xf32, #tpu.memory_space<vmem>> -> memref<1x128x48xf32, #tpu.memory_space<vmem>>
        %dma_start3A_407 = tpu.memref_squeeze %dma_start3A_406 : memref<1x128x48xf32, #tpu.memory_space<vmem>> -> memref<128x48xf32, #tpu.memory_space<vmem>>
        %dma_start3A_408 = arith.constant 0 : i32
        %dma_start3A_409 = tpu.memref_slice %arg8[%add3A_294, %dma_start3A_408] : memref<80x128xi32, #tpu.memory_space<vmem>> -> memref<1x128xi32, #tpu.memory_space<vmem>>
        %dma_start3A_410 = tpu.memref_squeeze %dma_start3A_409 : memref<1x128xi32, #tpu.memory_space<vmem>> -> memref<128xi32, #tpu.memory_space<vmem>>
        %dma_start3A_411 = arith.constant 0 : i32
        %dma_start3A_412 = arith.constant 0 : i32
        %dma_start3A_413 = tpu.memref_slice %arg2[%dma_start3A_411, %dma_start3A_412] : memref<10240x48xf32, #tpu.memory_space<hbm>> -> memref<10240x48xf32, #tpu.memory_space<hbm>>
        tpu.enqueue_indirect_dma source(%dma_start3A_413 : memref<10240x48xf32, #tpu.memory_space<hbm>>) target(%dma_start3A_407 : memref<128x48xf32, #tpu.memory_space<vmem>>) offsets(%dma_start3A_410 : memref<128xi32, #tpu.memory_space<vmem>>) semaphore(%arg11 : memref<!tpu.dma_semaphore, #tpu.memory_space<semaphore_mem>>)
      } else {
      }
      %add3A_300 = arith.constant 1 : i32
      %add3A_301 = arith.addi %scan3A_95, %add3A_300 : i32
      %mul3A_302 = arith.constant 5 : i32
      %mul3A_303 = arith.muli %add3A_301, %mul3A_302 : i32
      %add3A_304 = arith.constant 3 : i32
      %add3A_305 = arith.addi %mul3A_303, %add3A_304 : i32
      %lt3A_306 = arith.constant 80 : i32
      %lt3A_307 = arith.cmpi slt, %add3A_305, %lt3A_306 : i32
      %convert_element_type3A_308 = arith.extui %lt3A_307 : i1 to i32
      %cond3A_309 = arith.constant 0 : i32
      %cond3A_310 = arith.cmpi ne, %convert_element_type3A_308, %cond3A_309 : i32
      scf.if %cond3A_310 {
        %add3A_402 = arith.constant 3 : i32
        %add3A_403 = arith.addi %mul3A_109, %add3A_402 : i32
        %dma_start3A_404 = arith.constant 0 : i32
        %dma_start3A_405 = arith.constant 0 : i32
        %dma_start3A_406 = tpu.memref_slice %arg10[%add3A_403, %dma_start3A_404, %dma_start3A_405] : memref<10x128x48xf32, #tpu.memory_space<vmem>> -> memref<1x128x48xf32, #tpu.memory_space<vmem>>
        %dma_start3A_407 = tpu.memref_squeeze %dma_start3A_406 : memref<1x128x48xf32, #tpu.memory_space<vmem>> -> memref<128x48xf32, #tpu.memory_space<vmem>>
        %dma_start3A_408 = arith.constant 0 : i32
        %dma_start3A_409 = tpu.memref_slice %arg8[%add3A_305, %dma_start3A_408] : memref<80x128xi32, #tpu.memory_space<vmem>> -> memref<1x128xi32, #tpu.memory_space<vmem>>
        %dma_start3A_410 = tpu.memref_squeeze %dma_start3A_409 : memref<1x128xi32, #tpu.memory_space<vmem>> -> memref<128xi32, #tpu.memory_space<vmem>>
        %dma_start3A_411 = arith.constant 0 : i32
        %dma_start3A_412 = arith.constant 0 : i32
        %dma_start3A_413 = tpu.memref_slice %arg2[%dma_start3A_411, %dma_start3A_412] : memref<10240x48xf32, #tpu.memory_space<hbm>> -> memref<10240x48xf32, #tpu.memory_space<hbm>>
        tpu.enqueue_indirect_dma source(%dma_start3A_413 : memref<10240x48xf32, #tpu.memory_space<hbm>>) target(%dma_start3A_407 : memref<128x48xf32, #tpu.memory_space<vmem>>) offsets(%dma_start3A_410 : memref<128xi32, #tpu.memory_space<vmem>>) semaphore(%arg11 : memref<!tpu.dma_semaphore, #tpu.memory_space<semaphore_mem>>)
      } else {
      }
      %add3A_311 = arith.constant 1 : i32
      %add3A_312 = arith.addi %scan3A_95, %add3A_311 : i32
      %mul3A_313 = arith.constant 5 : i32
      %mul3A_314 = arith.muli %add3A_312, %mul3A_313 : i32
      %add3A_315 = arith.constant 4 : i32
      %add3A_316 = arith.addi %mul3A_314, %add3A_315 : i32
      %lt3A_317 = arith.constant 80 : i32
      %lt3A_318 = arith.cmpi slt, %add3A_316, %lt3A_317 : i32
      %convert_element_type3A_319 = arith.extui %lt3A_318 : i1 to i32
      %cond3A_320 = arith.constant 0 : i32
      %cond3A_321 = arith.cmpi ne, %convert_element_type3A_319, %cond3A_320 : i32
      scf.if %cond3A_321 {
        %add3A_402 = arith.constant 4 : i32
        %add3A_403 = arith.addi %mul3A_109, %add3A_402 : i32
        %dma_start3A_404 = arith.constant 0 : i32
        %dma_start3A_405 = arith.constant 0 : i32
        %dma_start3A_406 = tpu.memref_slice %arg10[%add3A_403, %dma_start3A_404, %dma_start3A_405] : memref<10x128x48xf32, #tpu.memory_space<vmem>> -> memref<1x128x48xf32, #tpu.memory_space<vmem>>
        %dma_start3A_407 = tpu.memref_squeeze %dma_start3A_406 : memref<1x128x48xf32, #tpu.memory_space<vmem>> -> memref<128x48xf32, #tpu.memory_space<vmem>>
        %dma_start3A_408 = arith.constant 0 : i32
        %dma_start3A_409 = tpu.memref_slice %arg8[%add3A_316, %dma_start3A_408] : memref<80x128xi32, #tpu.memory_space<vmem>> -> memref<1x128xi32, #tpu.memory_space<vmem>>
        %dma_start3A_410 = tpu.memref_squeeze %dma_start3A_409 : memref<1x128xi32, #tpu.memory_space<vmem>> -> memref<128xi32, #tpu.memory_space<vmem>>
        %dma_start3A_411 = arith.constant 0 : i32
        %dma_start3A_412 = arith.constant 0 : i32
        %dma_start3A_413 = tpu.memref_slice %arg2[%dma_start3A_411, %dma_start3A_412] : memref<10240x48xf32, #tpu.memory_space<hbm>> -> memref<10240x48xf32, #tpu.memory_space<hbm>>
        tpu.enqueue_indirect_dma source(%dma_start3A_413 : memref<10240x48xf32, #tpu.memory_space<hbm>>) target(%dma_start3A_407 : memref<128x48xf32, #tpu.memory_space<vmem>>) offsets(%dma_start3A_410 : memref<128xi32, #tpu.memory_space<vmem>>) semaphore(%arg11 : memref<!tpu.dma_semaphore, #tpu.memory_space<semaphore_mem>>)
      } else {
      }
      %mul3A_322 = arith.constant 5 : i32
      %mul3A_323 = arith.muli %scan3A_95, %mul3A_322 : i32
      %add3A_324 = arith.constant 0 : i32
      %add3A_325 = arith.addi %mul3A_323, %add3A_324 : i32
      %add3A_326 = arith.constant 0 : i32
      %add3A_327 = arith.addi %mul3A_106, %add3A_326 : i32
      %dma_wait3A_328 = arith.constant 0 : i32
      %dma_wait3A_329 = arith.constant 0 : i32
      %dma_wait3A_330 = tpu.memref_slice %arg10[%add3A_327, %dma_wait3A_328, %dma_wait3A_329] : memref<10x128x48xf32, #tpu.memory_space<vmem>> -> memref<1x128x48xf32, #tpu.memory_space<vmem>>
      %dma_wait3A_331 = tpu.memref_squeeze %dma_wait3A_330 : memref<1x128x48xf32, #tpu.memory_space<vmem>> -> memref<128x48xf32, #tpu.memory_space<vmem>>
      %dma_wait3A_332 = arith.constant 0 : i32
      %dma_wait3A_333 = tpu.memref_slice %arg9[%add3A_325, %dma_wait3A_332] : memref<80x128xi32, #tpu.memory_space<vmem>> -> memref<1x128xi32, #tpu.memory_space<vmem>>
      %dma_wait3A_334 = tpu.memref_squeeze %dma_wait3A_333 : memref<1x128xi32, #tpu.memory_space<vmem>> -> memref<128xi32, #tpu.memory_space<vmem>>
      %dma_wait3A_335 = arith.constant 0 : i32
      %dma_wait3A_336 = arith.constant 0 : i32
      %dma_wait3A_337 = tpu.memref_slice %arg7[%dma_wait3A_335, %dma_wait3A_336] : memref<10240x48xf32, #tpu.memory_space<vmem_shared>> -> memref<10240x48xf32, #tpu.memory_space<vmem_shared>>
      tpu.wait_indirect_dma semaphore(%arg12 : memref<!tpu.dma_semaphore, #tpu.memory_space<semaphore_mem>>) src(%dma_wait3A_331 : memref<128x48xf32, #tpu.memory_space<vmem>>) dst(%dma_wait3A_337 : memref<10240x48xf32, #tpu.memory_space<vmem_shared>>)
      %mul3A_338 = arith.constant 5 : i32
      %mul3A_339 = arith.muli %scan3A_95, %mul3A_338 : i32
      %add3A_340 = arith.constant 1 : i32
      %add3A_341 = arith.addi %mul3A_339, %add3A_340 : i32
      %add3A_342 = arith.constant 1 : i32
      %add3A_343 = arith.addi %mul3A_106, %add3A_342 : i32
      %dma_wait3A_344 = arith.constant 0 : i32
      %dma_wait3A_345 = arith.constant 0 : i32
      %dma_wait3A_346 = tpu.memref_slice %arg10[%add3A_343, %dma_wait3A_344, %dma_wait3A_345] : memref<10x128x48xf32, #tpu.memory_space<vmem>> -> memref<1x128x48xf32, #tpu.memory_space<vmem>>
      %dma_wait3A_347 = tpu.memref_squeeze %dma_wait3A_346 : memref<1x128x48xf32, #tpu.memory_space<vmem>> -> memref<128x48xf32, #tpu.memory_space<vmem>>
      %dma_wait3A_348 = arith.constant 0 : i32
      %dma_wait3A_349 = tpu.memref_slice %arg9[%add3A_341, %dma_wait3A_348] : memref<80x128xi32, #tpu.memory_space<vmem>> -> memref<1x128xi32, #tpu.memory_space<vmem>>
      %dma_wait3A_350 = tpu.memref_squeeze %dma_wait3A_349 : memref<1x128xi32, #tpu.memory_space<vmem>> -> memref<128xi32, #tpu.memory_space<vmem>>
      %dma_wait3A_351 = arith.constant 0 : i32
      %dma_wait3A_352 = arith.constant 0 : i32
      %dma_wait3A_353 = tpu.memref_slice %arg7[%dma_wait3A_351, %dma_wait3A_352] : memref<10240x48xf32, #tpu.memory_space<vmem_shared>> -> memref<10240x48xf32, #tpu.memory_space<vmem_shared>>
      tpu.wait_indirect_dma semaphore(%arg12 : memref<!tpu.dma_semaphore, #tpu.memory_space<semaphore_mem>>) src(%dma_wait3A_347 : memref<128x48xf32, #tpu.memory_space<vmem>>) dst(%dma_wait3A_353 : memref<10240x48xf32, #tpu.memory_space<vmem_shared>>)
      %mul3A_354 = arith.constant 5 : i32
      %mul3A_355 = arith.muli %scan3A_95, %mul3A_354 : i32
      %add3A_356 = arith.constant 2 : i32
      %add3A_357 = arith.addi %mul3A_355, %add3A_356 : i32
      %add3A_358 = arith.constant 2 : i32
      %add3A_359 = arith.addi %mul3A_106, %add3A_358 : i32
      %dma_wait3A_360 = arith.constant 0 : i32
      %dma_wait3A_361 = arith.constant 0 : i32
      %dma_wait3A_362 = tpu.memref_slice %arg10[%add3A_359, %dma_wait3A_360, %dma_wait3A_361] : memref<10x128x48xf32, #tpu.memory_space<vmem>> -> memref<1x128x48xf32, #tpu.memory_space<vmem>>
      %dma_wait3A_363 = tpu.memref_squeeze %dma_wait3A_362 : memref<1x128x48xf32, #tpu.memory_space<vmem>> -> memref<128x48xf32, #tpu.memory_space<vmem>>
      %dma_wait3A_364 = arith.constant 0 : i32
      %dma_wait3A_365 = tpu.memref_slice %arg9[%add3A_357, %dma_wait3A_364] : memref<80x128xi32, #tpu.memory_space<vmem>> -> memref<1x128xi32, #tpu.memory_space<vmem>>
      %dma_wait3A_366 = tpu.memref_squeeze %dma_wait3A_365 : memref<1x128xi32, #tpu.memory_space<vmem>> -> memref<128xi32, #tpu.memory_space<vmem>>
      %dma_wait3A_367 = arith.constant 0 : i32
      %dma_wait3A_368 = arith.constant 0 : i32
      %dma_wait3A_369 = tpu.memref_slice %arg7[%dma_wait3A_367, %dma_wait3A_368] : memref<10240x48xf32, #tpu.memory_space<vmem_shared>> -> memref<10240x48xf32, #tpu.memory_space<vmem_shared>>
      tpu.wait_indirect_dma semaphore(%arg12 : memref<!tpu.dma_semaphore, #tpu.memory_space<semaphore_mem>>) src(%dma_wait3A_363 : memref<128x48xf32, #tpu.memory_space<vmem>>) dst(%dma_wait3A_369 : memref<10240x48xf32, #tpu.memory_space<vmem_shared>>)
      %mul3A_370 = arith.constant 5 : i32
      %mul3A_371 = arith.muli %scan3A_95, %mul3A_370 : i32
      %add3A_372 = arith.constant 3 : i32
      %add3A_373 = arith.addi %mul3A_371, %add3A_372 : i32
      %add3A_374 = arith.constant 3 : i32
      %add3A_375 = arith.addi %mul3A_106, %add3A_374 : i32
      %dma_wait3A_376 = arith.constant 0 : i32
      %dma_wait3A_377 = arith.constant 0 : i32
      %dma_wait3A_378 = tpu.memref_slice %arg10[%add3A_375, %dma_wait3A_376, %dma_wait3A_377] : memref<10x128x48xf32, #tpu.memory_space<vmem>> -> memref<1x128x48xf32, #tpu.memory_space<vmem>>
      %dma_wait3A_379 = tpu.memref_squeeze %dma_wait3A_378 : memref<1x128x48xf32, #tpu.memory_space<vmem>> -> memref<128x48xf32, #tpu.memory_space<vmem>>
      %dma_wait3A_380 = arith.constant 0 : i32
      %dma_wait3A_381 = tpu.memref_slice %arg9[%add3A_373, %dma_wait3A_380] : memref<80x128xi32, #tpu.memory_space<vmem>> -> memref<1x128xi32, #tpu.memory_space<vmem>>
      %dma_wait3A_382 = tpu.memref_squeeze %dma_wait3A_381 : memref<1x128xi32, #tpu.memory_space<vmem>> -> memref<128xi32, #tpu.memory_space<vmem>>
      %dma_wait3A_383 = arith.constant 0 : i32
      %dma_wait3A_384 = arith.constant 0 : i32
      %dma_wait3A_385 = tpu.memref_slice %arg7[%dma_wait3A_383, %dma_wait3A_384] : memref<10240x48xf32, #tpu.memory_space<vmem_shared>> -> memref<10240x48xf32, #tpu.memory_space<vmem_shared>>
      tpu.wait_indirect_dma semaphore(%arg12 : memref<!tpu.dma_semaphore, #tpu.memory_space<semaphore_mem>>) src(%dma_wait3A_379 : memref<128x48xf32, #tpu.memory_space<vmem>>) dst(%dma_wait3A_385 : memref<10240x48xf32, #tpu.memory_space<vmem_shared>>)
      %mul3A_386 = arith.constant 5 : i32
      %mul3A_387 = arith.muli %scan3A_95, %mul3A_386 : i32
      %add3A_388 = arith.constant 4 : i32
      %add3A_389 = arith.addi %mul3A_387, %add3A_388 : i32
      %add3A_390 = arith.constant 4 : i32
      %add3A_391 = arith.addi %mul3A_106, %add3A_390 : i32
      %dma_wait3A_392 = arith.constant 0 : i32
      %dma_wait3A_393 = arith.constant 0 : i32
      %dma_wait3A_394 = tpu.memref_slice %arg10[%add3A_391, %dma_wait3A_392, %dma_wait3A_393] : memref<10x128x48xf32, #tpu.memory_space<vmem>> -> memref<1x128x48xf32, #tpu.memory_space<vmem>>
      %dma_wait3A_395 = tpu.memref_squeeze %dma_wait3A_394 : memref<1x128x48xf32, #tpu.memory_space<vmem>> -> memref<128x48xf32, #tpu.memory_space<vmem>>
      %dma_wait3A_396 = arith.constant 0 : i32
      %dma_wait3A_397 = tpu.memref_slice %arg9[%add3A_389, %dma_wait3A_396] : memref<80x128xi32, #tpu.memory_space<vmem>> -> memref<1x128xi32, #tpu.memory_space<vmem>>
      %dma_wait3A_398 = tpu.memref_squeeze %dma_wait3A_397 : memref<1x128xi32, #tpu.memory_space<vmem>> -> memref<128xi32, #tpu.memory_space<vmem>>
      %dma_wait3A_399 = arith.constant 0 : i32
      %dma_wait3A_400 = arith.constant 0 : i32
      %dma_wait3A_401 = tpu.memref_slice %arg7[%dma_wait3A_399, %dma_wait3A_400] : memref<10240x48xf32, #tpu.memory_space<vmem_shared>> -> memref<10240x48xf32, #tpu.memory_space<vmem_shared>>
      tpu.wait_indirect_dma semaphore(%arg12 : memref<!tpu.dma_semaphore, #tpu.memory_space<semaphore_mem>>) src(%dma_wait3A_395 : memref<128x48xf32, #tpu.memory_space<vmem>>) dst(%dma_wait3A_401 : memref<10240x48xf32, #tpu.memory_space<vmem_shared>>)
    }
    %scan3A_89 = arith.constant 16 : i32
    %barrier3A_90 = arith.constant 0 : index
    tpu.barrier barrier_id(%barrier3A_90)
    %mul3A_91 = arith.constant 640 : i32
    %mul3A_92 = arith.muli %arg1, %mul3A_91 : i32
    %mul3A_93 = arith.constant 640 : i32
    %mul3A_94 = arith.muli %arg1, %mul3A_93 : i32
    "tpu.region"() ({
      %run_scoped3A_95 = tpu.sem_alloc : memref<!tpu.dma_semaphore, #tpu.memory_space<semaphore_mem>>
      %dma_start3A_96 = arith.constant 0 : i32
      %dma_start3A_97 = tpu.memref_slice %arg6[%arg0, %mul3A_94, %dma_start3A_96] : memref<2x10240x48xf32, #tpu.memory_space<hbm>> -> memref<1x640x48xf32, #tpu.memory_space<hbm>>
      %dma_start3A_98 = tpu.memref_squeeze %dma_start3A_97 : memref<1x640x48xf32, #tpu.memory_space<hbm>> -> memref<640x48xf32, #tpu.memory_space<hbm>>
      %dma_start3A_99 = arith.constant 0 : i32
      %dma_start3A_100 = tpu.memref_slice %arg7[%mul3A_92, %dma_start3A_99] : memref<10240x48xf32, #tpu.memory_space<vmem_shared>> -> memref<640x48xf32, #tpu.memory_space<vmem_shared>>
      tpu.enqueue_dma source(%dma_start3A_100 : memref<640x48xf32, #tpu.memory_space<vmem_shared>>) target(%dma_start3A_98 : memref<640x48xf32, #tpu.memory_space<hbm>>) target_semaphore(%run_scoped3A_95 : memref<!tpu.dma_semaphore, #tpu.memory_space<semaphore_mem>>)
      %dma_wait3A = arith.constant 0 : i32
      %dma_wait3A_101 = tpu.memref_slice %arg6[%arg0, %mul3A_94, %dma_wait3A] : memref<2x10240x48xf32, #tpu.memory_space<hbm>> -> memref<1x640x48xf32, #tpu.memory_space<hbm>>
      %dma_wait3A_102 = tpu.memref_squeeze %dma_wait3A_101 : memref<1x640x48xf32, #tpu.memory_space<hbm>> -> memref<640x48xf32, #tpu.memory_space<hbm>>
      %dma_wait3A_103 = arith.constant 0 : i32
      %dma_wait3A_104 = tpu.memref_slice %arg7[%mul3A_92, %dma_wait3A_103] : memref<10240x48xf32, #tpu.memory_space<vmem_shared>> -> memref<640x48xf32, #tpu.memory_space<vmem_shared>>
      tpu.wait_dma2 semaphore(%run_scoped3A_95 : memref<!tpu.dma_semaphore, #tpu.memory_space<semaphore_mem>>) src(%dma_wait3A_104 : memref<640x48xf32, #tpu.memory_space<vmem_shared>>) dst(%dma_wait3A_102 : memref<640x48xf32, #tpu.memory_space<hbm>>)
      tpu.yield
    }) : () -> ()
    return
  }
}

module attributes {stable_mosaic.version = 14 : i64} {
  func.func @_tc1_body(%arg0: i32, %arg1: memref<1024x128xf32, #tpu.memory_space<vmem>>, %arg2: memref<128x48xf32, #tpu.memory_space<vmem>>, %arg3: memref<2x1024x8xf32, #tpu.memory_space<vmem>>, %arg4: memref<1024x48xf32, #tpu.memory_space<vmem>>, %arg5: memref<1024x1xf32, #tpu.memory_space<vmem>>) attributes {dimension_semantics = [#tpu.dimension_semantics<arbitrary>], iteration_bounds = array<i64: 10>, scalar_prefetch = 0 : i64, scratch_operands = 0 : i64, tpu.core_type = #tpu.core_type<tc>, window_params = [{transform_indices = @transform_0, window_bounds = array<i64: 1024, 128>}, {pipeline_mode = #tpu.pipeline_mode<synchronous>, transform_indices = @transform_1, window_bounds = array<i64: 128, 48>}, {transform_indices = @transform_2, window_bounds = array<i64: 2, 1024, 8>}, {transform_indices = @transform_3, window_bounds = array<i64: 1024, 48>}, {transform_indices = @transform_4, window_bounds = array<i64: 1024, 1>}]} {
    %get3A = arith.constant 0 : index
    %get3A_0 = arith.constant 0 : index
    %get3A_1 = arith.constant 0 : index
    %get3A_2 = vector.load %arg3[%get3A, %get3A_0, %get3A_1] : memref<2x1024x8xf32, #tpu.memory_space<vmem>>, vector<1x1024x1xf32>
    %get3A_3 = vector.shape_cast %get3A_2 : vector<1x1024x1xf32> to vector<1024x1xf32>
    %get3A_4 = arith.constant 1 : index
    %get3A_5 = arith.constant 0 : index
    %get3A_6 = arith.constant 0 : index
    %get3A_7 = vector.load %arg3[%get3A_4, %get3A_5, %get3A_6] : memref<2x1024x8xf32, #tpu.memory_space<vmem>>, vector<1x1024x1xf32>
    %get3A_8 = vector.shape_cast %get3A_7 : vector<1x1024x1xf32> to vector<1024x1xf32>
    %add3A = arith.addf %get3A_3, %get3A_8 : vector<1024x1xf32>
    %gt3A = arith.constant 0.000000e+00 : f32
    %gt3A_9 = vector.broadcast %gt3A : f32 to vector<1024x1xf32>
    %gt3A_10 = arith.cmpf ogt, %add3A, %gt3A_9 : vector<1024x1xf32>
    %max3A = arith.constant 1.000000e+00 : f32
    %max3A_11 = vector.broadcast %max3A : f32 to vector<1024x1xf32>
    %max3A_12 = arith.maximumf %add3A, %max3A_11 : vector<1024x1xf32>
    %rsqrt3A = math.rsqrt %max3A_12 : vector<1024x1xf32>
    %jit3A = arith.constant 0.000000e+00 : f32
    %broadcast_in_dim3A = vector.broadcast %jit3A : f32 to vector<1024x1xf32>
    %select_n3A = arith.select %gt3A_10, %rsqrt3A, %broadcast_in_dim3A : vector<1024x1xi1>, vector<1024x1xf32>
    %swap3A = arith.constant 0 : index
    %swap3A_13 = arith.constant 0 : index
    %swap3A_14 = vector.load %arg5[%swap3A, %swap3A_13] : memref<1024x1xf32, #tpu.memory_space<vmem>>, vector<1024x1xf32>
    tpu.vector_store %arg5[%swap3A, %swap3A_13], %select_n3A {strides = array<i32>} : memref<1024x1xf32, #tpu.memory_space<vmem>>, vector<1024x1xf32>,
    %get3A_15 = arith.constant 0 : index
    %get3A_16 = arith.constant 0 : index
    %get3A_17 = vector.load %arg1[%get3A_15, %get3A_16] : memref<1024x128xf32, #tpu.memory_space<vmem>>, vector<1024x128xf32>
    %get3A_18 = arith.constant 0 : index
    %get3A_19 = arith.constant 0 : index
    %get3A_20 = vector.load %arg2[%get3A_18, %get3A_19] : memref<128x48xf32, #tpu.memory_space<vmem>>, vector<128x48xf32>
    %dot_general3A = arith.constant dense<0.000000e+00> : vector<1024x48xf32>
    %dot_general3A_21 = tpu.matmul %get3A_17, %get3A_20, %dot_general3A {dimension_numbers = #tpu.dot_dimension_numbers<[1], [0], [0], [1], [0, 0, 1, 1], [], []>, transpose_lhs_hint = false} : vector<1024x128xf32>, vector<128x48xf32>, vector<1024x48xf32> -> vector<1024x48xf32>
    %mul3A = vector.broadcast %select_n3A : vector<1024x1xf32> to vector<1024x48xf32>
    %mul3A_22 = arith.mulf %dot_general3A_21, %mul3A : vector<1024x48xf32>
    %swap3A_23 = arith.constant 0 : index
    %swap3A_24 = arith.constant 0 : index
    %swap3A_25 = vector.load %arg4[%swap3A_23, %swap3A_24] : memref<1024x48xf32, #tpu.memory_space<vmem>>, vector<1024x48xf32>
    tpu.vector_store %arg4[%swap3A_23, %swap3A_24], %mul3A_22 {strides = array<i32>} : memref<1024x48xf32, #tpu.memory_space<vmem>>, vector<1024x48xf32>,
    return
  }
  func.func @transform_0(%arg0: i32) -> (i32, i32) {
    %c0_i32 = arith.constant 0 : i32
    %c0_i32_0 = arith.constant 0 : i32
    return %arg0, %c0_i32 : i32, i32
  }
  func.func @transform_1(%arg0: i32) -> (i32, i32) {
    %c0_i32 = arith.constant 0 : i32
    %c0_i32_0 = arith.constant 0 : i32
    %c0_i32_1 = arith.constant 0 : i32
    return %c0_i32, %c0_i32_0 : i32, i32
  }
  func.func @transform_2(%arg0: i32) -> (i32, i32, i32) {
    %c0_i32 = arith.constant 0 : i32
    %c0_i32_0 = arith.constant 0 : i32
    %c0_i32_1 = arith.constant 0 : i32
    return %c0_i32, %arg0, %c0_i32_0 : i32, i32, i32
  }
  func.func @transform_3(%arg0: i32) -> (i32, i32) {
    %c0_i32 = arith.constant 0 : i32
    %c0_i32_0 = arith.constant 0 : i32
    return %arg0, %c0_i32 : i32, i32
  }
  func.func @transform_4(%arg0: i32) -> (i32, i32) {
    %c0_i32 = arith.constant 0 : i32
    %c0_i32_0 = arith.constant 0 : i32
    return %arg0, %c0_i32 : i32, i32
  }
}

module attributes {stable_mosaic.version = 14 : i64} {
  func.func @_tc2_body(%arg0: i32, %arg1: memref<2x1024x48xf32, #tpu.memory_space<vmem>>, %arg2: memref<1024x1xf32, #tpu.memory_space<vmem>>, %arg3: memref<1024x48xf32, #tpu.memory_space<vmem>>) attributes {dimension_semantics = [#tpu.dimension_semantics<arbitrary>], iteration_bounds = array<i64: 10>, scalar_prefetch = 0 : i64, scratch_operands = 0 : i64, tpu.core_type = #tpu.core_type<tc>, window_params = [{transform_indices = @transform_0, window_bounds = array<i64: 2, 1024, 48>}, {transform_indices = @transform_1, window_bounds = array<i64: 1024, 1>}, {transform_indices = @transform_2, window_bounds = array<i64: 1024, 48>}]} {
    %get3A = arith.constant 0 : index
    %get3A_0 = arith.constant 0 : index
    %get3A_1 = vector.load %arg2[%get3A, %get3A_0] : memref<1024x1xf32, #tpu.memory_space<vmem>>, vector<1024x1xf32>
    %get3A_2 = arith.constant 0 : index
    %get3A_3 = arith.constant 0 : index
    %get3A_4 = arith.constant 0 : index
    %get3A_5 = vector.load %arg1[%get3A_2, %get3A_3, %get3A_4] : memref<2x1024x48xf32, #tpu.memory_space<vmem>>, vector<1x1024x48xf32>
    %get3A_6 = vector.shape_cast %get3A_5 : vector<1x1024x48xf32> to vector<1024x48xf32>
    %get3A_7 = arith.constant 1 : index
    %get3A_8 = arith.constant 0 : index
    %get3A_9 = arith.constant 0 : index
    %get3A_10 = vector.load %arg1[%get3A_7, %get3A_8, %get3A_9] : memref<2x1024x48xf32, #tpu.memory_space<vmem>>, vector<1x1024x48xf32>
    %get3A_11 = vector.shape_cast %get3A_10 : vector<1x1024x48xf32> to vector<1024x48xf32>
    %add3A = arith.addf %get3A_6, %get3A_11 : vector<1024x48xf32>
    %mul3A = arith.mulf %get3A_1, %get3A_1 : vector<1024x1xf32>
    %mul3A_12 = vector.broadcast %mul3A : vector<1024x1xf32> to vector<1024x48xf32>
    %mul3A_13 = arith.mulf %add3A, %mul3A_12 : vector<1024x48xf32>
    %swap3A = arith.constant 0 : index
    %swap3A_14 = arith.constant 0 : index
    %swap3A_15 = vector.load %arg3[%swap3A, %swap3A_14] : memref<1024x48xf32, #tpu.memory_space<vmem>>, vector<1024x48xf32>
    tpu.vector_store %arg3[%swap3A, %swap3A_14], %mul3A_13 {strides = array<i32>} : memref<1024x48xf32, #tpu.memory_space<vmem>>, vector<1024x48xf32>,
    return
  }
  func.func @transform_0(%arg0: i32) -> (i32, i32, i32) {
    %c0_i32 = arith.constant 0 : i32
    %c0_i32_0 = arith.constant 0 : i32
    %c0_i32_1 = arith.constant 0 : i32
    return %c0_i32, %arg0, %c0_i32_0 : i32, i32, i32
  }
  func.func @transform_1(%arg0: i32) -> (i32, i32) {
    %c0_i32 = arith.constant 0 : i32
    %c0_i32_0 = arith.constant 0 : i32
    return %arg0, %c0_i32 : i32, i32
  }
  func.func @transform_2(%arg0: i32) -> (i32, i32) {
    %c0_i32 = arith.constant 0 : i32
    %c0_i32_0 = arith.constant 0 : i32
    return %arg0, %c0_i32 : i32, i32
  }
}

module attributes {stable_mosaic.version = 14 : i64} {
  func.func @_tc3_body(%arg0: i32, %arg1: memref<2x1024x48xf32, #tpu.memory_space<vmem>>, %arg2: memref<1024x1xf32, #tpu.memory_space<vmem>>, %arg3: memref<1x48xf32, #tpu.memory_space<vmem>>, %arg4: memref<1024x48xf32, #tpu.memory_space<vmem>>) attributes {dimension_semantics = [#tpu.dimension_semantics<arbitrary>], iteration_bounds = array<i64: 10>, scalar_prefetch = 0 : i64, scratch_operands = 0 : i64, tpu.core_type = #tpu.core_type<tc>, window_params = [{transform_indices = @transform_0, window_bounds = array<i64: 2, 1024, 48>}, {transform_indices = @transform_1, window_bounds = array<i64: 1024, 1>}, {pipeline_mode = #tpu.pipeline_mode<synchronous>, transform_indices = @transform_2, window_bounds = array<i64: 1, 48>}, {transform_indices = @transform_3, window_bounds = array<i64: 1024, 48>}]} {
    %get3A = arith.constant 0 : index
    %get3A_0 = arith.constant 0 : index
    %get3A_1 = arith.constant 0 : index
    %get3A_2 = vector.load %arg1[%get3A, %get3A_0, %get3A_1] : memref<2x1024x48xf32, #tpu.memory_space<vmem>>, vector<1x1024x48xf32>
    %get3A_3 = vector.shape_cast %get3A_2 : vector<1x1024x48xf32> to vector<1024x48xf32>
    %get3A_4 = arith.constant 1 : index
    %get3A_5 = arith.constant 0 : index
    %get3A_6 = arith.constant 0 : index
    %get3A_7 = vector.load %arg1[%get3A_4, %get3A_5, %get3A_6] : memref<2x1024x48xf32, #tpu.memory_space<vmem>>, vector<1x1024x48xf32>
    %get3A_8 = vector.shape_cast %get3A_7 : vector<1x1024x48xf32> to vector<1024x48xf32>
    %add3A = arith.addf %get3A_3, %get3A_8 : vector<1024x48xf32>
    %get3A_9 = arith.constant 0 : index
    %get3A_10 = arith.constant 0 : index
    %get3A_11 = vector.load %arg2[%get3A_9, %get3A_10] : memref<1024x1xf32, #tpu.memory_space<vmem>>, vector<1024x1xf32>
    %mul3A = vector.broadcast %get3A_11 : vector<1024x1xf32> to vector<1024x48xf32>
    %mul3A_12 = arith.mulf %add3A, %mul3A : vector<1024x48xf32>
    %get3A_13 = arith.constant 0 : index
    %get3A_14 = arith.constant 0 : index
    %get3A_15 = vector.load %arg3[%get3A_13, %get3A_14] : memref<1x48xf32, #tpu.memory_space<vmem>>, vector<1x48xf32>
    %add3A_16 = vector.broadcast %get3A_15 : vector<1x48xf32> to vector<1024x48xf32>
    %add3A_17 = arith.addf %mul3A_12, %add3A_16 : vector<1024x48xf32>
    %swap3A = arith.constant 0 : index
    %swap3A_18 = arith.constant 0 : index
    %swap3A_19 = vector.load %arg4[%swap3A, %swap3A_18] : memref<1024x48xf32, #tpu.memory_space<vmem>>, vector<1024x48xf32>
    tpu.vector_store %arg4[%swap3A, %swap3A_18], %add3A_17 {strides = array<i32>} : memref<1024x48xf32, #tpu.memory_space<vmem>>, vector<1024x48xf32>,
    return
  }
  func.func @transform_0(%arg0: i32) -> (i32, i32, i32) {
    %c0_i32 = arith.constant 0 : i32
    %c0_i32_0 = arith.constant 0 : i32
    %c0_i32_1 = arith.constant 0 : i32
    return %c0_i32, %arg0, %c0_i32_0 : i32, i32, i32
  }
  func.func @transform_1(%arg0: i32) -> (i32, i32) {
    %c0_i32 = arith.constant 0 : i32
    %c0_i32_0 = arith.constant 0 : i32
    return %arg0, %c0_i32 : i32, i32
  }
  func.func @transform_2(%arg0: i32) -> (i32, i32) {
    %c0_i32 = arith.constant 0 : i32
    %c0_i32_0 = arith.constant 0 : i32
    %c0_i32_1 = arith.constant 0 : i32
    return %c0_i32, %c0_i32_0 : i32, i32
  }
  func.func @transform_3(%arg0: i32) -> (i32, i32) {
    %c0_i32 = arith.constant 0 : i32
    %c0_i32_0 = arith.constant 0 : i32
    return %arg0, %c0_i32 : i32, i32
  }
}

</mosaic_0001>

<sc_bundles>
// kernel: kernel.11.cloned.1.call-start
scs
__scs_entry_jumppad:
0x0: {  	(pc) =	sbr.rel $0x88, $3  }
0x1: {  	(tag) =	ssettag $0x0;
	lr =	simm.s32 $0x1  }
0x2: {  	[smem:$0x3F9D] =	sst lr;
	_ =	strace $0xD0000000  }
0x3: {  	_ = 	snop  }
0x4: {  	_ = 	snop  }
0x5: {  	_ = 	snop  }
0x6: {  	_ = 	snop  }
0x7: {  	_ = 	snop  }
__scs_overlays_trampoline_lowered:
0x8: {  	[smem:$0x3FAC] =	sst s0  }
0x9: {  	[smem:$0x3FAD] =	sst s1  }
0xa: {  	[smem:$0x3FAE] =	sst s2  }
0xb: {  	[smem:$0x3FAF] =	sst s3  }
0xc: {  	[smem:$0x3FB0] =	sst s4  }
0xd: {  	[smem:$0x3FB1] =	sst s5  }
0xe: {  	[smem:$0x3FB2] =	sst s6  }
0xf: {  	[smem:$0x3FB3] =	sst s7  }
0x10: {  	[smem:$0x3FB4] =	sst s8  }
0x11: {  	[smem:$0x3FB5] =	sst s9;
	s0 =	simm.s32 @!p0 $0x0  }
0x12: {  	s1 =	sld [smem:$0x3F9B];
	s0 =	simm.s32 @p0 $0x1  }
0x13: {  	[smem:$0x3FB6] =	sst s0;
	s0 =	simm.s32 @!p1 $0x0  }
0x14: {  	s2 =	sld [smem:$0x3F9A];
	s0 =	simm.s32 @p1 $0x1  }
0x15: {  	[smem:$0x3FB7] =	sst s0;
	s0 =	simm.s32 @!p2 $0x0  }
0x16: {  	s3 =	sld [smem:$0x3FDB];
	s0 =	simm.s32 @p2 $0x1  }
0x17: {  	s4 =	simm.s32 $0x1BF5;
	[smem:$0x3FB9] =	sst s0  }
0x18: {  	s0 =	sld [smem:$0x3F9C];
	_ =	swait.ge [sflag:s4], $0x0  }
0x19: {  	s7 =	sld [smem:$0x3F9D]  }
0x1a: {  	s8 =	sadd.s32 $0xFFFFE003, lr  }
0x1b: {  	s9 =	sadd.s32 $0xFFFFFEF7, lr;
	s5 =	simm.s32 $0xFFFFFFFF;
	p2 =	slt.u32 s8, $0xFFFFF086  }
0x1c: {  	p1 =	slt.u32 s9, $0xF7A;
	s5 =	simm.s32 @!p2 $0x0  }
0x1d: {  	s5 =	simm.s32 @p1 $0x1;
	p0 =	seq.s32 s7, s2  }
0x1e: {  	s7 =	smul.u32 @!p0 $0xF7A, s2;
	p2 =	seq.s32 @!p0 s5, $0x0  }
0x1f: {  	s9 =	smul.u32 $0xF7A, s1;
	s8 =	simm.s32 @!p0 $0x1BF5;
	p2 =	por !p2, p0  }
0x20: {  	[sflag:s8] =	ssyncset.s32 @!p0 $0xFFFFF086;
	s6 =	sadd.s32 @!p0 s3, s7;
	s7 =	simm.s32 @!p0 $0x108  }
0x21: {  	s3 =	sadd.s32 s3, s9;
	s6 =	sadd.s32 @!p0 $0x88, s6;
	s7 =	simm.s32 @p2 $0x1082  }
0x22: {  	[simem:s7], [sflag:s8] =	dma.local @!p0 [hbm:s6], $0xF7A  }
0x23: {  	s9 =	sor.u32 $0xD0000000, s2;
	s6 =	simm.s32 $0x108;
	_ =	swait.ge @!p0 [sflag:s8], $0x0  }
0x24: {  	s3 =	sadd.s32 $0x88, s3;
	s6 =	simm.s32 @!p1 $0x1082;
	[sflag:s4] =	ssyncset.s32 $0xFFFFF086  }
0x25: {  	[simem:s6], [sflag:s4] =	dma.local [hbm:s3], $0xF7A  }
0x26: {  	[smem:$0x3F9D] =	sst s1;
	(tag) =	ssettag s2;
	_ =	strace s9  }
0x27: {  	s1 =	sld [smem:$0x3FAD]  }
0x28: {  	s2 =	sld [smem:$0x3FAE]  }
0x29: {  	s4 =	sld [smem:$0x3FB0]  }
0x2a: {  	p0 =	seq.s32 s5, $0x0;
	s5 =	sld [smem:$0x3FB1]  }
0x2b: {  	s6 =	sld [smem:$0x3FB2]  }
0x2c: {  	s7 =	sld [smem:$0x3FB3]  }
0x2d: {  	s3 =	simm.s32 $0x108;
	s8 =	sld [smem:$0x3FB4]  }
0x2e: {  	s3 =	simm.s32 @!p0 $0x1082;
	s9 =	sld [smem:$0x3FB5]  }
0x2f: {  	lr =	sadd.s32 s0, s3;
	s0 =	sld [smem:$0x3FAC]  }
0x30: {  	s3 =	sld [smem:$0x3FAF]  }
0x31: {  	[smem:$0x3FB8] =	sst s10  }
0x32: {  	s10 =	sld [smem:$0x3FB6];
	_ =	sdelay $0x3  }
0x33: {  	p0 =	seq.s32 s10, $0x1;
	s10 =	sld [smem:$0x3FB8];
	_ =	sdelay $0x3  }
0x34: {  	[smem:$0x3FB8] =	sst s10  }
0x35: {  	s10 =	sld [smem:$0x3FB7];
	_ =	sdelay $0x3  }
0x36: {  	p1 =	seq.s32 s10, $0x1;
	s10 =	sld [smem:$0x3FB8];
	_ =	sdelay $0x3  }
0x37: {  	[smem:$0x3FB8] =	sst s10  }
0x38: {  	s10 =	sld [smem:$0x3FB9]  }
0x39: {  	_ = 	snop;
	(pc) =	sbr.ind lr, $3  }
0x3a: {  	_ = 	snop  }
0x3b: {  	_ = 	snop  }
0x3c: {  	p2 =	seq.s32 s10, $0x1;
	s10 =	sld [smem:$0x3FB8]  }
0x3d: {  	_ =	shalt  }
0x3e: {  	_ =	shalt  }
0x3f: {  	_ =	shalt  }
0x40: {  	_ =	shalt  }
0x41: {  	_ =	shalt  }
0x42: {  	_ =	shalt  }
0x43: {  	_ =	shalt  }
0x44: {  	_ =	shalt  }
0x45: {  	_ =	shalt  }
0x46: {  	_ =	shalt  }
0x47: {  	_ =	shalt  }
0x48: {  	_ =	shalt  }
0x49: {  	_ =	shalt  }
0x4a: {  	_ =	shalt  }
0x4b: {  	_ =	shalt  }
0x4c: {  	_ =	shalt  }
0x4d: {  	_ =	shalt  }
0x4e: {  	_ =	shalt  }
0x4f: {  	_ =	shalt  }
0x50: {  	_ =	shalt  }
0x51: {  	_ =	shalt  }
0x52: {  	_ =	shalt  }
0x53: {  	_ =	shalt  }
0x54: {  	_ =	shalt  }
0x55: {  	_ =	shalt  }
0x56: {  	_ =	shalt  }
0x57: {  	_ =	shalt  }
0x58: {  	_ =	shalt  }
0x59: {  	_ =	shalt  }
0x5a: {  	_ =	shalt  }
0x5b: {  	_ =	shalt  }
0x5c: {  	_ =	shalt  }
0x5d: {  	_ =	shalt  }
0x5e: {  	_ =	shalt  }
0x5f: {  	_ =	shalt  }
0x60: {  	_ =	shalt  }
0x61: {  	_ =	shalt  }
0x62: {  	_ =	shalt  }
0x63: {  	_ =	shalt  }
0x64: {  	_ =	shalt  }
0x65: {  	_ =	shalt  }
0x66: {  	_ =	shalt  }
0x67: {  	_ =	shalt  }
0x68: {  	_ =	shalt  }
0x69: {  	_ =	shalt  }
0x6a: {  	_ =	shalt  }
0x6b: {  	_ =	shalt  }
0x6c: {  	_ =	shalt  }
0x6d: {  	_ =	shalt  }
0x6e: {  	_ =	shalt  }
0x6f: {  	_ =	shalt  }
0x70: {  	_ =	shalt  }
0x71: {  	_ =	shalt  }
0x72: {  	_ =	shalt  }
0x73: {  	_ =	shalt  }
0x74: {  	_ =	shalt  }
0x75: {  	_ =	shalt  }
0x76: {  	_ =	shalt  }
0x77: {  	_ =	shalt  }
0x78: {  	_ =	shalt  }
0x79: {  	_ =	shalt  }
0x7a: {  	_ =	shalt  }
0x7b: {  	_ =	shalt  }
0x7c: {  	_ =	shalt  }
0x7d: {  	_ =	shalt  }
0x7e: {  	_ =	shalt  }
0x7f: {  	_ =	shalt  }
0x80: {  	_ =	shalt  }
0x81: {  	_ =	shalt  }
0x82: {  	_ =	shalt  }
0x83: {  	_ =	shalt  }
0x84: {  	_ =	shalt  }
0x85: {  	_ =	shalt  }
0x86: {  	_ =	shalt  }
0x87: {  	_ =	shalt  }
.Lfunc_end0:
.L_simem_size_0:
called_computation.1_lowered:
.L_overlay_start_0:
0x88: {  	s2 =	sld [smem:$0x3FD9]  }
0x89: {  	s3 =	sld [smem:$0x3FFE];
	_ =	sdelay $0x1  }
0x8a: {  	s1 =	srdreg.scid  }
0x8b: {  	s0 =	sand.u32 $0x1, s1  }
0x8c: {  	s17 =	sshll.u32 s0, $0xA;
	s2 =	sadd.s32 s3, s2  }
0x8d: {  	s2 =	sadd.s32 s2, s17  }
0x8e: {  	[smem:$0x3FC4] =	sst s2  }
0x8f: {  	_ = 	snop  }
0x90: {  	s2 =	sld [smem:$0x3FD0];
	(tm) =	ssettm $0x1  }
0x91: {  	s18 =	sld [smem:$0x3FFB];
	_ =	sdelay $0x3  }
0x92: {  	_ =	strace s18  }
0x93: {  	s3 =	sld [smem:$0x3FFC];
	_ =	sdelay $0x3  }
0x94: {  	_ =	strace s3  }
0x95: {  	s3 =	sld [smem:$0x3FFD];
	_ =	sdelay $0x3  }
0x96: {  	_ =	strace s3  }
0x97: {  	_ =	strace $0x8FFFFFFF  }
0x98: {  	s19 =	sld [smem:$0x3FDB];
	_ =	sdelay $0x1  }
0x99: {  	s4 =	simm.s32 $_scs_section_size  }
0x9a: {  	s5 =	simm.s32 $_size__tile_overlayer_lowered;
	s6 =	simm.s32 $_tile_overlayer_lowered  }
0x9b: {  	s22 =	simm.s32 $0x1BFF;
	s21 =	sshll.u32 s6, $0x1;
	s3 =	sadd.s32 s4, s19  }
0x9c: {  	s7 =	simm.s32 $0x0;
	s20 =	sshll.u32 s5, $0x1;
	s5 =	sadd.s32 s21, s3  }
0x9d: {  	[timem:s7], [sflag:s22] =	dma.local [hbm:s5], s20  }
0x9e: {  	_ =	swait.ge [sflag:s22], s20  }
0x9f: {  	s4 =	ssub.s32 $0x0, s20;
	[sflag:s22] =	ssyncset.done $0x0  }
0xa0: {  	[sflag:s22] =	ssyncadd.s32 s4;
	_ =	sdelay $0x1  }
0xa1: {  	s23 =	simm.s32 $0x1B8B  }
0xa2: {  	_ =	swait.ge [sflag:s23], $0x1  }
0xa3: {  	[sflag:s23] =	ssyncset.done $0x0  }
0xa4: {  	s25 =	simm.s32 $0x1B8E;
	s24 =	sld [smem:$0x3FFE];
	[sflag:s23] =	ssyncadd.s32 $0xFFFFFFFF  }
0xa5: {  	s26 =	simm.s32 $execute0_lowered;
	[smem:$0x3FD2] =	sst s25  }
0xa6: {  	s5 =	sshll.u32 s26, $0x1;
	_ =	strace $0x80000049;
	[dreg:$0x1] =	wrdreg $0xFFFFFFFF  }
0xa7: {  	s28 =	simm.s32 $_size_execute0_lowered;
	s3 =	sadd.s32 s3, s5;
	[dreg:$0x0] =	wrdreg $0x0  }
0xa8: {  	s5 =	sshll.u32 s28, $0x1;
	[dreg:$0x2] =	wrdreg s3  }
0xa9: {  	[dreg:$0x3] =	wrdreg s5  }
0xaa: {  	[dreg:$0x4] =	wrdreg $0xC0  }
0xab: {  	_ =	task [dreg:s7], $0x5FFFF  }
0xac: {  	[dreg:$0x1] =	wrdreg $0xFFFFFFFF  }
0xad: {  	[dreg:$0x0] =	wrdreg $0x60  }
0xae: {  	[dreg:$0x2] =	wrdreg s24  }
0xaf: {  	[dreg:$0x3] =	wrdreg s2  }
0xb0: {  	[dreg:$0x4] =	wrdreg $0x0  }
0xb1: {  	[dreg:$0x5] =	wrdreg $0x9  }
0xb2: {  	_ =	task.clear_ibuf [dreg:s7], $0x6FFFF;
	_ =	strace $0x90000049  }
0xb3: {  	s29 =	simm.s32 $0x9;
	_ =	strace $0x8000004B  }
0xb4: {  	_ =	swait.ge [sflag:s29], $0x1  }
0xb5: {  	[sflag:s29] =	ssyncadd.s32 $0xFFFFFFFF  }
0xb6: {  	_ =	strace $0x9000004B  }
0xb7: {  	_ =	sfence  }
0xb8: {  	s30 =	sld [smem:$0x0];
	_ =	sdelay $0x2  }
0xb9: {  	s31 =	sshll.u32 s1, $0xD;
	s1 =	sshrl.u32 s1, $0x2  }
0xba: {  	s3 =	sand.u32 $0x4000, s31;
	s1 =	sadd.s32 s1, s30  }
0xbb: {  	s0 =	sor.u32 s3, s0;
	s1 =	sshll.u32 s1, $0x11  }
0xbc: {  	s0 =	sor.u32 s1, s0  }
0xbd: {  	s0 =	sadd.s32 $0x8F2B, s0  }
0xbe: {  	[sflag:s0] =	ssyncadd.remote.s32 $0x1  }
0xbf: {  	_ =	sfence.sel $0xFFFF  }
0xc0: {  	[dreg:$0x0] =	wrdreg $0xFFFFFFFF;
	(pc) =	sbr.abs _section_cstart, $3  }
0xc1: {  	[dreg:$0x1] =	wrdreg $0xFFFFFFFF  }
0xc2: {  	_ =	task.clear_ibuf [dreg:s7], $0x2FFFF;
	_ =	strace $0x9FFFFFFF  }
0xc3: {  	(tm) =	ssettm $0x7FFFFFFF  }
tec
execute0_lowered:
.L_overlay_start_1:
0x0: {  	(tag) =	ssettag $0x1  }
0x1: {  	s0 =	srdreg.scid;
	s1 =	rddreg [dreg:$0x0]  }
0x2: {  	s5 =	stileid.u32;
	s12 =	rddreg [dreg:$0x1]  }
0x3: {  	s15 =	simm.s32 $0xC800;
	s16 =	simm.s32 $0x3;
	s17 =	simm.s32 $0x7800  }
0x4: {  	s19 =	simm.s32 $0x80;
	s29 =	simm.s32 $0x1;
	s30 =	simm.s32 $0x2  }
0x5: {  	s22 =	simm.s32 $0xC700;
	s23 =	simm.s32 $0x18800;
	s24 =	simm.s32 $0xC780  }
0x6: {  	s25 =	simm.s32 $0x1A000;
	s26 =	simm.s32 $0x0;
	s6 =	smul.u32 $0x7800, s5  }
0x7: {  	s0 =	sand.u32 $0x1, s0;
	s4 =	sadd.s32 $0x10800, s1;
	s8 =	smul.u32 $0x1E000, s5  }
0x8: {  	s2 =	sshll.u32 s0, $0x4;
	s7 =	smul.u32 $0x78000, s0;
	s0 =	ssub.s32 $0x2, s0  }
0x9: {  	s3 =	sor.u32 s5, s2;
	s2 =	rddreg [dreg:$0x2];
	s5 =	sadd.s32 $0x1200, s1  }
0xa: {  	s8 =	sshrl.u32 s8, $0x2;
	s31 =	sshrl.u32 s0, $0x1;
	s13 =	smul.u32 $0x500, s3  }
0xb: {  	s3 =	simm.s32 $0x0;
	s7 =	sadd.s32 s6, s7;
	s10 =	sadd.s32 s8, s2  }
0xc: {  	s0 =	ssub.s32 s0, s31;
	s6 =	sadd.s32 s6, s2;
	[smem:$0x7FF] =	sst s3  }
0xd: {  	s7 =	sshrl.u32 s7, $0x3;
	s8 =	sadd.s32 $0x3000, s10;
	s9 =	sadd.s32 $0x4800, s10  }
0xe: {  	s14 =	smax.u32 s0, $0x1;
	_ =	strace $0x8000004A;
	s11 =	sadd.s32 s13, s1  }
0xf: {  	s1 =	sadd.s32 s7, s1;
	s7 =	sadd.s32 $0x1800, s10;
	s10 =	sadd.s32 $0x6000, s10  }
0x10: {  	s12 =	sadd.s32 s12, s13;
	s11 =	sadd.s32 $0x6800, s11;
	s13 =	sadd.s32 $0x1F800, s1  }
.LBB2_1:
0x11: {  	[tilespmem:s15], [sflag:$0x3] =	stream.linear.gather [hbm4b:s5+s3], $0x1800, $0x38;
	[tilespmem:$0x1B800] =	vst v63  }
0x12: {  	_ =	swait.ge [sflag:s16], $0x1800  }
0x13: {  	[sflag:s16] =	ssyncset.done $0x0  }
0x14: {  	[sflag:s16] =	ssyncadd.s32 $0xFFFFE800  }
0x15: {  	[spmem:s6] =	stream.linear.scatter [tilespmem:s15], [sflag:$0x3], $0x1800, $0x38;
	[tilespmem:$0x1B800] =	vst v63  }
0x16: {  	_ =	swait.ge [sflag:s16], $0x1800  }
0x17: {  	[sflag:s16] =	ssyncset.done $0x0  }
0x18: {  	[sflag:s16] =	ssyncadd.s32 $0xFFFFE800  }
0x19: {  	[spmem:s7] =	stream.linear.scatter [tilespmem:s15], [sflag:$0x3], $0x1800, $0x38;
	[tilespmem:$0x1B800] =	vst v63  }
0x1a: {  	_ =	swait.ge [sflag:s16], $0x1800  }
0x1b: {  	[sflag:s16] =	ssyncset.done $0x0  }
0x1c: {  	[sflag:s16] =	ssyncadd.s32 $0xFFFFE800  }
0x1d: {  	[spmem:s8] =	stream.linear.scatter [tilespmem:s15], [sflag:$0x3], $0x1800, $0x38;
	[tilespmem:$0x1B800] =	vst v63  }
0x1e: {  	_ =	swait.ge [sflag:s16], $0x1800  }
0x1f: {  	[sflag:s16] =	ssyncset.done $0x0  }
0x20: {  	[sflag:s16] =	ssyncadd.s32 $0xFFFFE800  }
0x21: {  	[spmem:s9] =	stream.linear.scatter [tilespmem:s15], [sflag:$0x3], $0x1800, $0x38;
	[tilespmem:$0x1B800] =	vst v63  }
0x22: {  	_ =	swait.ge [sflag:s16], $0x1800  }
0x23: {  	[sflag:s16] =	ssyncset.done $0x0  }
0x24: {  	[sflag:s16] =	ssyncadd.s32 $0xFFFFE800  }
0x25: {  	[spmem:s10] =	stream.linear.scatter [tilespmem:s15], [sflag:$0x3], $0x1800, $0x38;
	[tilespmem:$0x1B800] =	vst v63  }
0x26: {  	_ =	swait.ge [sflag:s16], $0x1800  }
0x27: {  	[sflag:s16] =	ssyncset.done $0x0  }
0x28: {  	[sflag:s16] =	ssyncadd.s32 $0xFFFFE800  }
0x29: {  	[tilespmem:s17], [sflag:$0x3] =	stream.linear.gather [hbm4b:s11+s3], $0x2800, $0x38;
	[tilespmem:$0x1B800] =	vst v63  }
0x2a: {  	_ =	swait.ge [sflag:s16], $0x2800  }
0x2b: {  	[sflag:s16] =	ssyncset.done $0x0  }
0x2c: {  	s0 =	simm.s32 $0xA000;
	[sflag:s16] =	ssyncadd.s32 $0xFFFFD800  }
0x2d: {  	[tilespmem:s0], [sflag:$0x3] =	stream.linear.gather [hbm4b:s12+s3], $0x2800, $0x38;
	[tilespmem:$0x1B800] =	vst v63  }
0x2e: {  	_ =	swait.ge [sflag:s16], $0x2800  }
0x2f: {  	[sflag:s16] =	ssyncset.done $0x0  }
0x30: {  	[sflag:s16] =	ssyncadd.s32 $0xFFFFD800  }
0x31: {  	[bflag:$0x0] =	sbarrier.arrive $0xFFFF  }
0x32: {  	[tilespmem:s15], [sflag:$0x1] =	stream.indirect.gather [hbm4b:s4+s19], $0x30, s17, s19, $0xb8;
	[tilespmem:$0x1B800] =	vst v63  }
0x33: {  	s18 =	simm.s32 $0x7880;
	s1 =	simm.s32 $0xE000  }
0x34: {  	[tilespmem:s1], [sflag:$0x1] =	stream.indirect.gather [hbm4b:s4+s19], $0x30, s18, s19, $0xb8;
	[tilespmem:$0x1B800] =	vst v63  }
0x35: {  	s20 =	simm.s32 $0x7900;
	s21 =	simm.s32 $0xF800  }
0x36: {  	[tilespmem:s21], [sflag:$0x1] =	stream.indirect.gather [hbm4b:s4+s19], $0x30, s20, s19, $0xb8;
	[tilespmem:$0x1B800] =	vst v63  }
0x37: {  	s1 =	simm.s32 $0x7980;
	s18 =	simm.s32 $0x11000  }
0x38: {  	[tilespmem:s18], [sflag:$0x1] =	stream.indirect.gather [hbm4b:s4+s19], $0x30, s1, s19, $0xb8;
	[tilespmem:$0x1B800] =	vst v63  }
0x39: {  	s20 =	simm.s32 $0x7A00;
	s21 =	simm.s32 $0x12800  }
0x3a: {  	[tilespmem:s21], [sflag:$0x1] =	stream.indirect.gather [hbm4b:s4+s19], $0x30, s20, s19, $0xb8;
	[tilespmem:$0x1B800] =	vst v63  }
0x3b: {  	_ =	swait.ge [sflag:s29], $0x1800  }
0x3c: {  	[sflag:s29] =	ssyncset.done $0x0  }
0x3d: {  	[sflag:s29] =	ssyncadd.s32 $0xFFFFE800  }
0x3e: {  	_ =	swait.ge [sflag:s29], $0x1800  }
0x3f: {  	[sflag:s29] =	ssyncset.done $0x0  }
0x40: {  	[sflag:s29] =	ssyncadd.s32 $0xFFFFE800  }
0x41: {  	_ =	swait.ge [sflag:s29], $0x1800  }
0x42: {  	[sflag:s29] =	ssyncset.done $0x0  }
0x43: {  	[sflag:s29] =	ssyncadd.s32 $0xFFFFE800  }
0x44: {  	_ =	swait.ge [sflag:s29], $0x1800  }
0x45: {  	s28 =	sand.u32 $0x1, s3;
	[sflag:s29] =	ssyncset.done $0x0  }
0x46: {  	s31 =	smul.u32 $0x1E000, s28;
	[sflag:s29] =	ssyncadd.s32 $0xFFFFE800  }
0x47: {  	_ =	swait.ge [sflag:s29], $0x1800  }
0x48: {  	s31 =	sshrl.u32 s31, $0x2;
	[sflag:s29] =	ssyncset.done $0x0  }
0x49: {  	s0 =	sadd.s32 $0xC800, s31;
	s18 =	simm.s32 $0xA000;
	[sflag:s29] =	ssyncadd.s32 $0xFFFFE800  }
0x4a: {  	[spmem:s2] =	stream.indirect.scatter.add.f32 [tilespmem:s0], [sflag:$0x2], $0x30, s18, s19, $0xb8;
	[tilespmem:$0x1B800] =	vst v63  }
0x4b: {  	s20 =	sadd.s32 $0xE000, s31;
	s21 =	simm.s32 $0xA080  }
0x4c: {  	[spmem:s2] =	stream.indirect.scatter.add.f32 [tilespmem:s20], [sflag:$0x2], $0x30, s21, s19, $0xb8;
	[tilespmem:$0x1B800] =	vst v63  }
0x4d: {  	s18 =	sxor.u32 $0x1, s28;
	s28 =	simm.s32 $0xA100;
	s20 =	sadd.s32 $0xF800, s31  }
0x4e: {  	[spmem:s2] =	stream.indirect.scatter.add.f32 [tilespmem:s20], [sflag:$0x2], $0x30, s28, s19, $0xb8;
	[tilespmem:$0x1B800] =	vst v63  }
0x4f: {  	s0 =	smul.u32 $0x1E000, s18;
	s21 =	sadd.s32 $0x11000, s31;
	s28 =	simm.s32 $0xA180  }
0x50: {  	[spmem:s2] =	stream.indirect.scatter.add.f32 [tilespmem:s21], [sflag:$0x2], $0x30, s28, s19, $0xb8;
	[tilespmem:$0x1B800] =	vst v63  }
0x51: {  	s18 =	sadd.s32 $0x12800, s31;
	s0 =	sshrl.u32 s0, $0x2;
	s28 =	simm.s32 $0xA200  }
0x52: {  	[spmem:s2] =	stream.indirect.scatter.add.f32 [tilespmem:s18], [sflag:$0x2], $0x30, s28, s19, $0xb8;
	[tilespmem:$0x1B800] =	vst v63  }
0x53: {  	s20 =	sadd.s32 $0xC800, s0;
	s28 =	simm.s32 $0x7A80  }
0x54: {  	[tilespmem:s20], [sflag:$0x1] =	stream.indirect.gather [hbm4b:s4+s19], $0x30, s28, s19, $0xb8;
	[tilespmem:$0x1B800] =	vst v63  }
0x55: {  	s21 =	sadd.s32 $0xE000, s0;
	s28 =	simm.s32 $0x7B00  }
0x56: {  	[tilespmem:s21], [sflag:$0x1] =	stream.indirect.gather [hbm4b:s4+s19], $0x30, s28, s19, $0xb8;
	[tilespmem:$0x1B800] =	vst v63  }
0x57: {  	s18 =	sadd.s32 $0xF800, s0;
	s28 =	simm.s32 $0x7B80  }
0x58: {  	[tilespmem:s18], [sflag:$0x1] =	stream.indirect.gather [hbm4b:s4+s19], $0x30, s28, s19, $0xb8;
	[tilespmem:$0x1B800] =	vst v63  }
0x59: {  	s20 =	sadd.s32 $0x11000, s0;
	s28 =	simm.s32 $0x7C00  }
0x5a: {  	[tilespmem:s20], [sflag:$0x1] =	stream.indirect.gather [hbm4b:s4+s19], $0x30, s28, s19, $0xb8;
	[tilespmem:$0x1B800] =	vst v63  }
0x5b: {  	s0 =	sadd.s32 $0x12800, s0;
	s21 =	simm.s32 $0x7C80  }
0x5c: {  	[tilespmem:s0], [sflag:$0x1] =	stream.indirect.gather [hbm4b:s4+s19], $0x30, s21, s19, $0xb8;
	[tilespmem:$0x1B800] =	vst v63  }
0x5d: {  	_ =	swait.ge [sflag:s30], $0x1800  }
0x5e: {  	[sflag:s30] =	ssyncset.done $0x0  }
0x5f: {  	[sflag:s30] =	ssyncadd.s32 $0xFFFFE800  }
0x60: {  	_ =	swait.ge [sflag:s30], $0x1800  }
0x61: {  	[sflag:s30] =	ssyncset.done $0x0  }
0x62: {  	[sflag:s30] =	ssyncadd.s32 $0xFFFFE800  }
0x63: {  	_ =	swait.ge [sflag:s30], $0x1800  }
0x64: {  	[sflag:s30] =	ssyncset.done $0x0  }
0x65: {  	[sflag:s30] =	ssyncadd.s32 $0xFFFFE800  }
0x66: {  	_ =	swait.ge [sflag:s30], $0x1800  }
0x67: {  	[sflag:s30] =	ssyncset.done $0x0  }
0x68: {  	[sflag:s30] =	ssyncadd.s32 $0xFFFFE800  }
0x69: {  	_ =	swait.ge [sflag:s30], $0x1800  }
0x6a: {  	s31 =	simm.s32 $0x0;
	s28 =	simm.s32 $0xA00;
	[sflag:s30] =	ssyncset.done $0x0  }
.LBB2_2:
0x6b: {  	p0 =	sne.s32 s28, $0x8C00;
	s31 =	sadd.s32 $0x1, s31;
	[sflag:s30] =	ssyncadd.s32 $0xFFFFE800  }
0x6c: {  	s0 =	smov.u32 s28;
	s28 =	sadd.s32 $0xA00, s28;
	_ =	swait.ge [sflag:s29], $0x1800  }
0x6d: {  	[sflag:s29] =	ssyncset.done $0x0  }
0x6e: {  	[sflag:s29] =	ssyncadd.s32 $0xFFFFE800  }
0x6f: {  	_ =	swait.ge [sflag:s29], $0x1800  }
0x70: {  	[sflag:s29] =	ssyncset.done $0x0  }
0x71: {  	[sflag:s29] =	ssyncadd.s32 $0xFFFFE800  }
0x72: {  	_ =	swait.ge [sflag:s29], $0x1800  }
0x73: {  	[sflag:s29] =	ssyncset.done $0x0  }
0x74: {  	[sflag:s29] =	ssyncadd.s32 $0xFFFFE800  }
0x75: {  	_ =	swait.ge [sflag:s29], $0x1800  }
0x76: {  	s1 =	sand.u32 $0x1, s31;
	[sflag:s29] =	ssyncset.done $0x0  }
0x77: {  	s18 =	smul.u32 $0x1E000, s1;
	s1 =	sxor.u32 $0x1, s1;
	[sflag:s29] =	ssyncadd.s32 $0xFFFFE800  }
0x78: {  	s1 =	smul.u32 $0x1E000, s1;
	_ =	swait.ge [sflag:s29], $0x1800  }
0x79: {  	s0 =	sshra.s32 s0, $0x2;
	s18 =	sshrl.u32 s18, $0x2;
	[sflag:s29] =	ssyncset.done $0x0  }
0x7a: {  	s21 =	sadd.s32 $0xA000, s0;
	s20 =	sadd.s32 $0xC800, s18;
	[sflag:s29] =	ssyncadd.s32 $0xFFFFE800  }
0x7b: {  	[spmem:s2] =	stream.indirect.scatter.add.f32 [tilespmem:s20], [sflag:$0x2], $0x30, s21, s19, $0xb8;
	[tilespmem:$0x1B800] =	vst v63  }
0x7c: {  	s1 =	sshrl.u32 s1, $0x2;
	s20 =	sadd.s32 $0xE000, s18;
	s21 =	sadd.s32 $0xA080, s0  }
0x7d: {  	[spmem:s2] =	stream.indirect.scatter.add.f32 [tilespmem:s20], [sflag:$0x2], $0x30, s21, s19, $0xb8;
	[tilespmem:$0x1B800] =	vst v63  }
0x7e: {  	s20 =	sadd.s32 $0xF800, s18;
	s21 =	sadd.s32 $0xA100, s0  }
0x7f: {  	[spmem:s2] =	stream.indirect.scatter.add.f32 [tilespmem:s20], [sflag:$0x2], $0x30, s21, s19, $0xb8;
	[tilespmem:$0x1B800] =	vst v63  }
0x80: {  	s20 =	sadd.s32 $0x11000, s18;
	s21 =	sadd.s32 $0xA180, s0  }
0x81: {  	[spmem:s2] =	stream.indirect.scatter.add.f32 [tilespmem:s20], [sflag:$0x2], $0x30, s21, s19, $0xb8;
	[tilespmem:$0x1B800] =	vst v63  }
0x82: {  	s18 =	sadd.s32 $0x12800, s18;
	s20 =	sadd.s32 $0xA200, s0  }
0x83: {  	[spmem:s2] =	stream.indirect.scatter.add.f32 [tilespmem:s18], [sflag:$0x2], $0x30, s20, s19, $0xb8;
	[tilespmem:$0x1B800] =	vst v63  }
0x84: {  	s18 =	sadd.s32 $0xC800, s1;
	s20 =	sadd.s32 $0x7A80, s0  }
0x85: {  	[tilespmem:s18], [sflag:$0x1] =	stream.indirect.gather [hbm4b:s4+s19], $0x30, s20, s19, $0xb8;
	[tilespmem:$0x1B800] =	vst v63  }
0x86: {  	s18 =	sadd.s32 $0xE000, s1;
	s20 =	sadd.s32 $0x7B00, s0  }
0x87: {  	[tilespmem:s18], [sflag:$0x1] =	stream.indirect.gather [hbm4b:s4+s19], $0x30, s20, s19, $0xb8;
	[tilespmem:$0x1B800] =	vst v63  }
0x88: {  	s18 =	sadd.s32 $0xF800, s1;
	s20 =	sadd.s32 $0x7B80, s0  }
0x89: {  	[tilespmem:s18], [sflag:$0x1] =	stream.indirect.gather [hbm4b:s4+s19], $0x30, s20, s19, $0xb8;
	[tilespmem:$0x1B800] =	vst v63  }
0x8a: {  	s18 =	sadd.s32 $0x11000, s1;
	s20 =	sadd.s32 $0x7C00, s0  }
0x8b: {  	[tilespmem:s18], [sflag:$0x1] =	stream.indirect.gather [hbm4b:s4+s19], $0x30, s20, s19, $0xb8;
	[tilespmem:$0x1B800] =	vst v63  }
0x8c: {  	s1 =	sadd.s32 $0x12800, s1;
	s0 =	sadd.s32 $0x7C80, s0  }
0x8d: {  	[tilespmem:s1], [sflag:$0x1] =	stream.indirect.gather [hbm4b:s4+s19], $0x30, s0, s19, $0xb8;
	[tilespmem:$0x1B800] =	vst v63  }
0x8e: {  	_ =	swait.ge [sflag:s30], $0x1800  }
0x8f: {  	[sflag:s30] =	ssyncset.done $0x0  }
0x90: {  	[sflag:s30] =	ssyncadd.s32 $0xFFFFE800  }
0x91: {  	_ =	swait.ge [sflag:s30], $0x1800  }
0x92: {  	[sflag:s30] =	ssyncset.done $0x0  }
0x93: {  	[sflag:s30] =	ssyncadd.s32 $0xFFFFE800  }
0x94: {  	_ =	swait.ge [sflag:s30], $0x1800  }
0x95: {  	[sflag:s30] =	ssyncset.done $0x0  }
0x96: {  	[sflag:s30] =	ssyncadd.s32 $0xFFFFE800  }
.Ltmp0:
0x97: {  	_ =	swait.ge [sflag:s30], $0x1800;
	(pc) =	sbr.rel @p0 .LBB2_2-.Ltmp0, $4  }
0x98: {  	[sflag:s30] =	ssyncset.done $0x0  }
0x99: {  	[sflag:s30] =	ssyncadd.s32 $0xFFFFE800  }
0x9a: {  	_ =	swait.ge [sflag:s30], $0x1800  }
0x9b: {  	[sflag:s30] =	ssyncset.done $0x0  }
0x9c: {  	[sflag:s30] =	ssyncadd.s32 $0xFFFFE800  }
0x9d: {  	_ =	swait.ge [sflag:s29], $0x1800  }
0x9e: {  	[sflag:s29] =	ssyncset.done $0x0  }
0x9f: {  	[sflag:s29] =	ssyncadd.s32 $0xFFFFE800  }
0xa0: {  	_ =	swait.ge [sflag:s29], $0x1800  }
0xa1: {  	[sflag:s29] =	ssyncset.done $0x0  }
0xa2: {  	[sflag:s29] =	ssyncadd.s32 $0xFFFFE800  }
0xa3: {  	_ =	swait.ge [sflag:s29], $0x1800  }
0xa4: {  	[sflag:s29] =	ssyncset.done $0x0  }
0xa5: {  	[sflag:s29] =	ssyncadd.s32 $0xFFFFE800  }
0xa6: {  	_ =	swait.ge [sflag:s29], $0x1800  }
0xa7: {  	[sflag:s29] =	ssyncset.done $0x0  }
0xa8: {  	[sflag:s29] =	ssyncadd.s32 $0xFFFFE800  }
0xa9: {  	_ =	swait.ge [sflag:s29], $0x1800  }
0xaa: {  	[sflag:s29] =	ssyncset.done $0x0  }
0xab: {  	s0 =	simm.s32 $0xC580;
	s1 =	simm.s32 $0x14000;
	[sflag:s29] =	ssyncadd.s32 $0xFFFFE800  }
0xac: {  	[spmem:s2] =	stream.indirect.scatter.add.f32 [tilespmem:s1], [sflag:$0x2], $0x30, s0, s19, $0xb8;
	[tilespmem:$0x1B800] =	vst v63  }
0xad: {  	s18 =	simm.s32 $0x15800;
	s1 =	simm.s32 $0xC600  }
0xae: {  	[spmem:s2] =	stream.indirect.scatter.add.f32 [tilespmem:s18], [sflag:$0x2], $0x30, s1, s19, $0xb8;
	[tilespmem:$0x1B800] =	vst v63  }
0xaf: {  	s20 =	simm.s32 $0xC680;
	s21 =	simm.s32 $0x17000  }
0xb0: {  	[spmem:s2] =	stream.indirect.scatter.add.f32 [tilespmem:s21], [sflag:$0x2], $0x30, s20, s19, $0xb8;
	[tilespmem:$0x1B800] =	vst v63  }
0xb1: {  	_ = 	snop  }
0xb2: {  	[spmem:s2] =	stream.indirect.scatter.add.f32 [tilespmem:s23], [sflag:$0x2], $0x30, s22, s19, $0xb8;
	[tilespmem:$0x1B800] =	vst v63  }
0xb3: {  	_ = 	snop  }
0xb4: {  	[spmem:s2] =	stream.indirect.scatter.add.f32 [tilespmem:s25], [sflag:$0x2], $0x30, s24, s19, $0xb8;
	[tilespmem:$0x1B800] =	vst v63  }
0xb5: {  	_ =	swait.ge [sflag:s30], $0x1800  }
0xb6: {  	[sflag:s30] =	ssyncset.done $0x0  }
0xb7: {  	[sflag:s30] =	ssyncadd.s32 $0xFFFFE800  }
0xb8: {  	_ =	swait.ge [sflag:s30], $0x1800  }
0xb9: {  	[sflag:s30] =	ssyncset.done $0x0  }
0xba: {  	[sflag:s30] =	ssyncadd.s32 $0xFFFFE800  }
0xbb: {  	_ =	swait.ge [sflag:s30], $0x1800  }
0xbc: {  	[sflag:s30] =	ssyncset.done $0x0  }
0xbd: {  	[sflag:s30] =	ssyncadd.s32 $0xFFFFE800  }
0xbe: {  	_ =	swait.ge [sflag:s30], $0x1800  }
0xbf: {  	[sflag:s30] =	ssyncset.done $0x0  }
0xc0: {  	[sflag:s30] =	ssyncadd.s32 $0xFFFFE800  }
0xc1: {  	s28 =	stileid.u32;
	_ =	swait.ge [sflag:s30], $0x1800  }
0xc2: {  	s31 =	sshrl.u32 s6, $0x3;
	s26 =	sadd.s32 $0x1, s26;
	[sflag:s30] =	ssyncset.done $0x0  }
0xc3: {  	p0 =	sne.s32 s26, s14;
	s0 =	sshll.u32 s28, $0x6;
	[sflag:s30] =	ssyncadd.s32 $0xFFFFE800  }
.Ltmp1:
0xc4: {  	s0 =	sor.u32 $0x1C03, s0;
	[bflag:$0x0] =	sbarrier.arrive $0xFFFF;
	(pc) =	sbr.rel @p0 .LBB2_1-.Ltmp1, $4  }
0xc5: {  	[hbm:s13], [sflag:s0] =	dma.local [spmem:s31], $0xF00  }
0xc6: {  	_ =	swait.ge [sflag:s16], $0xF00  }
0xc7: {  	[sflag:s16] =	ssyncset.done $0x0  }
0xc8: {  	[sflag:s16] =	ssyncadd.s32 $0xFFFFF100  }
0xc9: {  	_ =	sfence.sel $0x180000  }
0xca: {  	[bflag:$0x0] =	sbarrier.arrive $0xFFFF  }
0xcb: {  	_ =	strace $0x9000004A  }
0xcc: {  	s0 =	stileid.u32;
	[bflag:$0x2] =	sbarrier.arrive $0xFFFF  }
0xcd: {  	p0 =	sne.s32 s0, $0x0;
	s0 =	rddreg [dreg:$0x3]  }
0xce: {  	s0 =	sadd.s32 @!p0 $0x100000, s0  }
0xcf: {  	[sflag:s0] =	ssyncadd.tile.s32 @!p0 $0x1;
	_ =	shalt  }
.Lfunc_end2:
_tile_overlayer_lowered:
.L_overlay_start_2:
0xd0: {  	(tag) =	ssettag $0x2  }
0xd1: {  	s0 =	rddreg [dreg:$0x0];
	s2 =	stileid.u32  }
0xd2: {  	s1 =	rddreg [dreg:$0x1];
	p0 =	sne.s32 s2, $0x0  }
0xd3: {  	s3 =	rddreg [dreg:$0x2];
	[bflag:$0x3] =	sbarrier.arrive $0xFFFF;
	s2 =	simm.s32 @!p0 $0x1C03  }
0xd4: {  	[timem:s3], [sflag:s2] =	dma.local @!p0 [hbm:s0], s1  }
0xd5: {  	s0 =	simm.s32 @!p0 $0x3  }
0xd6: {  	_ =	swait.ge @!p0 [sflag:s0], s1  }
0xd7: {  	s1 =	ssub.s32 @!p0 $0x0, s1;
	[sflag:s0] =	ssyncset.done @!p0 $0x0  }
0xd8: {  	[sflag:s0] =	ssyncadd.s32 @!p0 s1  }
0xd9: {  	[bflag:$0x3] =	sbarrier.arrive $0xFFFF  }
0xda: {  	_ =	shalt  }

// kernel: kernel.14.cloned.1.call-start
scs
__scs_entry_jumppad:
0x0: {  	(pc) =	sbr.rel $0x88, $3  }
0x1: {  	(tag) =	ssettag $0x0;
	lr =	simm.s32 $0x1  }
0x2: {  	[smem:$0x3F9D] =	sst lr;
	_ =	strace $0xD0000000  }
0x3: {  	_ = 	snop  }
0x4: {  	_ = 	snop  }
0x5: {  	_ = 	snop  }
0x6: {  	_ = 	snop  }
0x7: {  	_ = 	snop  }
__scs_overlays_trampoline_lowered:
0x8: {  	[smem:$0x3FAC] =	sst s0  }
0x9: {  	[smem:$0x3FAD] =	sst s1  }
0xa: {  	[smem:$0x3FAE] =	sst s2  }
0xb: {  	[smem:$0x3FAF] =	sst s3  }
0xc: {  	[smem:$0x3FB0] =	sst s4  }
0xd: {  	[smem:$0x3FB1] =	sst s5  }
0xe: {  	[smem:$0x3FB2] =	sst s6  }
0xf: {  	[smem:$0x3FB3] =	sst s7  }
0x10: {  	[smem:$0x3FB4] =	sst s8  }
0x11: {  	[smem:$0x3FB5] =	sst s9;
	s0 =	simm.s32 @!p0 $0x0  }
0x12: {  	s1 =	sld [smem:$0x3F9B];
	s0 =	simm.s32 @p0 $0x1  }
0x13: {  	[smem:$0x3FB6] =	sst s0;
	s0 =	simm.s32 @!p1 $0x0  }
0x14: {  	s2 =	sld [smem:$0x3F9A];
	s0 =	simm.s32 @p1 $0x1  }
0x15: {  	[smem:$0x3FB7] =	sst s0;
	s0 =	simm.s32 @!p2 $0x0  }
0x16: {  	s3 =	sld [smem:$0x3FDB];
	s0 =	simm.s32 @p2 $0x1  }
0x17: {  	s4 =	simm.s32 $0x1BF5;
	[smem:$0x3FB9] =	sst s0  }
0x18: {  	s0 =	sld [smem:$0x3F9C];
	_ =	swait.ge [sflag:s4], $0x0  }
0x19: {  	s7 =	sld [smem:$0x3F9D]  }
0x1a: {  	s8 =	sadd.s32 $0xFFFFE003, lr  }
0x1b: {  	s9 =	sadd.s32 $0xFFFFFEF7, lr;
	s5 =	simm.s32 $0xFFFFFFFF;
	p2 =	slt.u32 s8, $0xFFFFF086  }
0x1c: {  	p1 =	slt.u32 s9, $0xF7A;
	s5 =	simm.s32 @!p2 $0x0  }
0x1d: {  	s5 =	simm.s32 @p1 $0x1;
	p0 =	seq.s32 s7, s2  }
0x1e: {  	s7 =	smul.u32 @!p0 $0xF7A, s2;
	p2 =	seq.s32 @!p0 s5, $0x0  }
0x1f: {  	s9 =	smul.u32 $0xF7A, s1;
	s8 =	simm.s32 @!p0 $0x1BF5;
	p2 =	por !p2, p0  }
0x20: {  	[sflag:s8] =	ssyncset.s32 @!p0 $0xFFFFF086;
	s6 =	sadd.s32 @!p0 s3, s7;
	s7 =	simm.s32 @!p0 $0x108  }
0x21: {  	s3 =	sadd.s32 s3, s9;
	s6 =	sadd.s32 @!p0 $0x88, s6;
	s7 =	simm.s32 @p2 $0x1082  }
0x22: {  	[simem:s7], [sflag:s8] =	dma.local @!p0 [hbm:s6], $0xF7A  }
0x23: {  	s9 =	sor.u32 $0xD0000000, s2;
	s6 =	simm.s32 $0x108;
	_ =	swait.ge @!p0 [sflag:s8], $0x0  }
0x24: {  	s3 =	sadd.s32 $0x88, s3;
	s6 =	simm.s32 @!p1 $0x1082;
	[sflag:s4] =	ssyncset.s32 $0xFFFFF086  }
0x25: {  	[simem:s6], [sflag:s4] =	dma.local [hbm:s3], $0xF7A  }
0x26: {  	[smem:$0x3F9D] =	sst s1;
	(tag) =	ssettag s2;
	_ =	strace s9  }
0x27: {  	s1 =	sld [smem:$0x3FAD]  }
0x28: {  	s2 =	sld [smem:$0x3FAE]  }
0x29: {  	s4 =	sld [smem:$0x3FB0]  }
0x2a: {  	p0 =	seq.s32 s5, $0x0;
	s5 =	sld [smem:$0x3FB1]  }
0x2b: {  	s6 =	sld [smem:$0x3FB2]  }
0x2c: {  	s7 =	sld [smem:$0x3FB3]  }
0x2d: {  	s3 =	simm.s32 $0x108;
	s8 =	sld [smem:$0x3FB4]  }
0x2e: {  	s3 =	simm.s32 @!p0 $0x1082;
	s9 =	sld [smem:$0x3FB5]  }
0x2f: {  	lr =	sadd.s32 s0, s3;
	s0 =	sld [smem:$0x3FAC]  }
0x30: {  	s3 =	sld [smem:$0x3FAF]  }
0x31: {  	[smem:$0x3FB8] =	sst s10  }
0x32: {  	s10 =	sld [smem:$0x3FB6];
	_ =	sdelay $0x3  }
0x33: {  	p0 =	seq.s32 s10, $0x1;
	s10 =	sld [smem:$0x3FB8];
	_ =	sdelay $0x3  }
0x34: {  	[smem:$0x3FB8] =	sst s10  }
0x35: {  	s10 =	sld [smem:$0x3FB7];
	_ =	sdelay $0x3  }
0x36: {  	p1 =	seq.s32 s10, $0x1;
	s10 =	sld [smem:$0x3FB8];
	_ =	sdelay $0x3  }
0x37: {  	[smem:$0x3FB8] =	sst s10  }
0x38: {  	s10 =	sld [smem:$0x3FB9]  }
0x39: {  	_ = 	snop;
	(pc) =	sbr.ind lr, $3  }
0x3a: {  	_ = 	snop  }
0x3b: {  	_ = 	snop  }
0x3c: {  	p2 =	seq.s32 s10, $0x1;
	s10 =	sld [smem:$0x3FB8]  }
0x3d: {  	_ =	shalt  }
0x3e: {  	_ =	shalt  }
0x3f: {  	_ =	shalt  }
0x40: {  	_ =	shalt  }
0x41: {  	_ =	shalt  }
0x42: {  	_ =	shalt  }
0x43: {  	_ =	shalt  }
0x44: {  	_ =	shalt  }
0x45: {  	_ =	shalt  }
0x46: {  	_ =	shalt  }
0x47: {  	_ =	shalt  }
0x48: {  	_ =	shalt  }
0x49: {  	_ =	shalt  }
0x4a: {  	_ =	shalt  }
0x4b: {  	_ =	shalt  }
0x4c: {  	_ =	shalt  }
0x4d: {  	_ =	shalt  }
0x4e: {  	_ =	shalt  }
0x4f: {  	_ =	shalt  }
0x50: {  	_ =	shalt  }
0x51: {  	_ =	shalt  }
0x52: {  	_ =	shalt  }
0x53: {  	_ =	shalt  }
0x54: {  	_ =	shalt  }
0x55: {  	_ =	shalt  }
0x56: {  	_ =	shalt  }
0x57: {  	_ =	shalt  }
0x58: {  	_ =	shalt  }
0x59: {  	_ =	shalt  }
0x5a: {  	_ =	shalt  }
0x5b: {  	_ =	shalt  }
0x5c: {  	_ =	shalt  }
0x5d: {  	_ =	shalt  }
0x5e: {  	_ =	shalt  }
0x5f: {  	_ =	shalt  }
0x60: {  	_ =	shalt  }
0x61: {  	_ =	shalt  }
0x62: {  	_ =	shalt  }
0x63: {  	_ =	shalt  }
0x64: {  	_ =	shalt  }
0x65: {  	_ =	shalt  }
0x66: {  	_ =	shalt  }
0x67: {  	_ =	shalt  }
0x68: {  	_ =	shalt  }
0x69: {  	_ =	shalt  }
0x6a: {  	_ =	shalt  }
0x6b: {  	_ =	shalt  }
0x6c: {  	_ =	shalt  }
0x6d: {  	_ =	shalt  }
0x6e: {  	_ =	shalt  }
0x6f: {  	_ =	shalt  }
0x70: {  	_ =	shalt  }
0x71: {  	_ =	shalt  }
0x72: {  	_ =	shalt  }
0x73: {  	_ =	shalt  }
0x74: {  	_ =	shalt  }
0x75: {  	_ =	shalt  }
0x76: {  	_ =	shalt  }
0x77: {  	_ =	shalt  }
0x78: {  	_ =	shalt  }
0x79: {  	_ =	shalt  }
0x7a: {  	_ =	shalt  }
0x7b: {  	_ =	shalt  }
0x7c: {  	_ =	shalt  }
0x7d: {  	_ =	shalt  }
0x7e: {  	_ =	shalt  }
0x7f: {  	_ =	shalt  }
0x80: {  	_ =	shalt  }
0x81: {  	_ =	shalt  }
0x82: {  	_ =	shalt  }
0x83: {  	_ =	shalt  }
0x84: {  	_ =	shalt  }
0x85: {  	_ =	shalt  }
0x86: {  	_ =	shalt  }
0x87: {  	_ =	shalt  }
.Lfunc_end0:
.L_simem_size_0:
called_computation.2_lowered:
.L_overlay_start_0:
0x88: {  	s2 =	sld [smem:$0x3FD9]  }
0x89: {  	s3 =	sld [smem:$0x3FFE];
	_ =	sdelay $0x1  }
0x8a: {  	s1 =	srdreg.scid  }
0x8b: {  	s0 =	sand.u32 $0x1, s1  }
0x8c: {  	s17 =	sshll.u32 s0, $0xA;
	s2 =	sadd.s32 s3, s2  }
0x8d: {  	s2 =	sadd.s32 s2, s17  }
0x8e: {  	[smem:$0x3FC4] =	sst s2  }
0x8f: {  	_ = 	snop  }
0x90: {  	s2 =	sld [smem:$0x3FD0];
	(tm) =	ssettm $0x1  }
0x91: {  	s18 =	sld [smem:$0x3FFB];
	_ =	sdelay $0x3  }
0x92: {  	_ =	strace s18  }
0x93: {  	s3 =	sld [smem:$0x3FFC];
	_ =	sdelay $0x3  }
0x94: {  	_ =	strace s3  }
0x95: {  	s3 =	sld [smem:$0x3FFD];
	_ =	sdelay $0x3  }
0x96: {  	_ =	strace s3  }
0x97: {  	_ =	strace $0x8FFFFFFF  }
0x98: {  	s19 =	sld [smem:$0x3FDB];
	_ =	sdelay $0x1  }
0x99: {  	s4 =	simm.s32 $_scs_section_size  }
0x9a: {  	s5 =	simm.s32 $_size__tile_overlayer_lowered;
	s6 =	simm.s32 $_tile_overlayer_lowered  }
0x9b: {  	s22 =	simm.s32 $0x1BFF;
	s21 =	sshll.u32 s6, $0x1;
	s3 =	sadd.s32 s4, s19  }
0x9c: {  	s7 =	simm.s32 $0x0;
	s20 =	sshll.u32 s5, $0x1;
	s5 =	sadd.s32 s21, s3  }
0x9d: {  	[timem:s7], [sflag:s22] =	dma.local [hbm:s5], s20  }
0x9e: {  	_ =	swait.ge [sflag:s22], s20  }
0x9f: {  	s4 =	ssub.s32 $0x0, s20;
	[sflag:s22] =	ssyncset.done $0x0  }
0xa0: {  	[sflag:s22] =	ssyncadd.s32 s4;
	_ =	sdelay $0x1  }
0xa1: {  	s23 =	simm.s32 $0x1B8B  }
0xa2: {  	_ =	swait.ge [sflag:s23], $0x1  }
0xa3: {  	[sflag:s23] =	ssyncset.done $0x0  }
0xa4: {  	s25 =	simm.s32 $0x1B8E;
	s24 =	sld [smem:$0x3FFE];
	[sflag:s23] =	ssyncadd.s32 $0xFFFFFFFF  }
0xa5: {  	s26 =	simm.s32 $execute0_lowered;
	[smem:$0x3FD2] =	sst s25  }
0xa6: {  	s5 =	sshll.u32 s26, $0x1;
	_ =	strace $0x8000004C;
	[dreg:$0x1] =	wrdreg $0xFFFFFFFF  }
0xa7: {  	s28 =	simm.s32 $_size_execute0_lowered;
	s3 =	sadd.s32 s3, s5;
	[dreg:$0x0] =	wrdreg $0x0  }
0xa8: {  	s5 =	sshll.u32 s28, $0x1;
	[dreg:$0x2] =	wrdreg s3  }
0xa9: {  	[dreg:$0x3] =	wrdreg s5  }
0xaa: {  	[dreg:$0x4] =	wrdreg $0xC0  }
0xab: {  	_ =	task [dreg:s7], $0x5FFFF  }
0xac: {  	[dreg:$0x1] =	wrdreg $0xFFFFFFFF  }
0xad: {  	[dreg:$0x0] =	wrdreg $0x60  }
0xae: {  	[dreg:$0x2] =	wrdreg s24  }
0xaf: {  	[dreg:$0x3] =	wrdreg s2  }
0xb0: {  	[dreg:$0x4] =	wrdreg $0x0  }
0xb1: {  	[dreg:$0x5] =	wrdreg $0x9  }
0xb2: {  	_ =	task.clear_ibuf [dreg:s7], $0x6FFFF;
	_ =	strace $0x9000004C  }
0xb3: {  	s29 =	simm.s32 $0x9;
	_ =	strace $0x8000004E  }
0xb4: {  	_ =	swait.ge [sflag:s29], $0x1  }
0xb5: {  	[sflag:s29] =	ssyncadd.s32 $0xFFFFFFFF  }
0xb6: {  	_ =	strace $0x9000004E  }
0xb7: {  	_ =	sfence  }
0xb8: {  	s30 =	sld [smem:$0x0];
	_ =	sdelay $0x2  }
0xb9: {  	s31 =	sshll.u32 s1, $0xD;
	s1 =	sshrl.u32 s1, $0x2  }
0xba: {  	s3 =	sand.u32 $0x4000, s31;
	s1 =	sadd.s32 s1, s30  }
0xbb: {  	s0 =	sor.u32 s3, s0;
	s1 =	sshll.u32 s1, $0x11  }
0xbc: {  	s0 =	sor.u32 s1, s0  }
0xbd: {  	s0 =	sadd.s32 $0x8F2B, s0  }
0xbe: {  	[sflag:s0] =	ssyncadd.remote.s32 $0x1  }
0xbf: {  	_ =	sfence.sel $0xFFFF  }
0xc0: {  	[dreg:$0x0] =	wrdreg $0xFFFFFFFF;
	(pc) =	sbr.abs _section_cstart, $3  }
0xc1: {  	[dreg:$0x1] =	wrdreg $0xFFFFFFFF  }
0xc2: {  	_ =	task.clear_ibuf [dreg:s7], $0x2FFFF;
	_ =	strace $0x9FFFFFFF  }
0xc3: {  	(tm) =	ssettm $0x7FFFFFFF  }
tec
execute0_lowered:
.L_overlay_start_1:
0x0: {  	(tag) =	ssettag $0x1  }
0x1: {  	s0 =	srdreg.scid;
	s1 =	rddreg [dreg:$0x0]  }
0x2: {  	s5 =	stileid.u32;
	s12 =	rddreg [dreg:$0x1]  }
0x3: {  	s15 =	simm.s32 $0xC800;
	s16 =	simm.s32 $0x3;
	s17 =	simm.s32 $0x7800  }
0x4: {  	s19 =	simm.s32 $0x80;
	s29 =	simm.s32 $0x1;
	s30 =	simm.s32 $0x2  }
0x5: {  	s22 =	simm.s32 $0xC700;
	s23 =	simm.s32 $0x18800;
	s24 =	simm.s32 $0xC780  }
0x6: {  	s25 =	simm.s32 $0x1A000;
	s26 =	simm.s32 $0x0;
	s6 =	smul.u32 $0x7800, s5  }
0x7: {  	s0 =	sand.u32 $0x1, s0;
	s4 =	sadd.s32 $0x10800, s1;
	s8 =	smul.u32 $0x1E000, s5  }
0x8: {  	s2 =	sshll.u32 s0, $0x4;
	s7 =	smul.u32 $0x78000, s0;
	s0 =	ssub.s32 $0x2, s0  }
0x9: {  	s3 =	sor.u32 s5, s2;
	s2 =	rddreg [dreg:$0x2];
	s5 =	sadd.s32 $0x1200, s1  }
0xa: {  	s8 =	sshrl.u32 s8, $0x2;
	s31 =	sshrl.u32 s0, $0x1;
	s13 =	smul.u32 $0x500, s3  }
0xb: {  	s3 =	simm.s32 $0x0;
	s7 =	sadd.s32 s6, s7;
	s10 =	sadd.s32 s8, s2  }
0xc: {  	s0 =	ssub.s32 s0, s31;
	s6 =	sadd.s32 s6, s2;
	[smem:$0x7FF] =	sst s3  }
0xd: {  	s7 =	sshrl.u32 s7, $0x3;
	s8 =	sadd.s32 $0x3000, s10;
	s9 =	sadd.s32 $0x4800, s10  }
0xe: {  	s14 =	smax.u32 s0, $0x1;
	_ =	strace $0x8000004D;
	s11 =	sadd.s32 s13, s1  }
0xf: {  	s1 =	sadd.s32 s7, s1;
	s7 =	sadd.s32 $0x1800, s10;
	s10 =	sadd.s32 $0x6000, s10  }
0x10: {  	s12 =	sadd.s32 s12, s13;
	s11 =	sadd.s32 $0x6800, s11;
	s13 =	sadd.s32 $0x1F800, s1  }
.LBB2_1:
0x11: {  	[tilespmem:s15], [sflag:$0x3] =	stream.linear.gather [hbm4b:s5+s3], $0x1800, $0x38;
	[tilespmem:$0x1B800] =	vst v63  }
0x12: {  	_ =	swait.ge [sflag:s16], $0x1800  }
0x13: {  	[sflag:s16] =	ssyncset.done $0x0  }
0x14: {  	[sflag:s16] =	ssyncadd.s32 $0xFFFFE800  }
0x15: {  	[spmem:s6] =	stream.linear.scatter [tilespmem:s15], [sflag:$0x3], $0x1800, $0x38;
	[tilespmem:$0x1B800] =	vst v63  }
0x16: {  	_ =	swait.ge [sflag:s16], $0x1800  }
0x17: {  	[sflag:s16] =	ssyncset.done $0x0  }
0x18: {  	[sflag:s16] =	ssyncadd.s32 $0xFFFFE800  }
0x19: {  	[spmem:s7] =	stream.linear.scatter [tilespmem:s15], [sflag:$0x3], $0x1800, $0x38;
	[tilespmem:$0x1B800] =	vst v63  }
0x1a: {  	_ =	swait.ge [sflag:s16], $0x1800  }
0x1b: {  	[sflag:s16] =	ssyncset.done $0x0  }
0x1c: {  	[sflag:s16] =	ssyncadd.s32 $0xFFFFE800  }
0x1d: {  	[spmem:s8] =	stream.linear.scatter [tilespmem:s15], [sflag:$0x3], $0x1800, $0x38;
	[tilespmem:$0x1B800] =	vst v63  }
0x1e: {  	_ =	swait.ge [sflag:s16], $0x1800  }
0x1f: {  	[sflag:s16] =	ssyncset.done $0x0  }
0x20: {  	[sflag:s16] =	ssyncadd.s32 $0xFFFFE800  }
0x21: {  	[spmem:s9] =	stream.linear.scatter [tilespmem:s15], [sflag:$0x3], $0x1800, $0x38;
	[tilespmem:$0x1B800] =	vst v63  }
0x22: {  	_ =	swait.ge [sflag:s16], $0x1800  }
0x23: {  	[sflag:s16] =	ssyncset.done $0x0  }
0x24: {  	[sflag:s16] =	ssyncadd.s32 $0xFFFFE800  }
0x25: {  	[spmem:s10] =	stream.linear.scatter [tilespmem:s15], [sflag:$0x3], $0x1800, $0x38;
	[tilespmem:$0x1B800] =	vst v63  }
0x26: {  	_ =	swait.ge [sflag:s16], $0x1800  }
0x27: {  	[sflag:s16] =	ssyncset.done $0x0  }
0x28: {  	[sflag:s16] =	ssyncadd.s32 $0xFFFFE800  }
0x29: {  	[tilespmem:s17], [sflag:$0x3] =	stream.linear.gather [hbm4b:s11+s3], $0x2800, $0x38;
	[tilespmem:$0x1B800] =	vst v63  }
0x2a: {  	_ =	swait.ge [sflag:s16], $0x2800  }
0x2b: {  	[sflag:s16] =	ssyncset.done $0x0  }
0x2c: {  	s0 =	simm.s32 $0xA000;
	[sflag:s16] =	ssyncadd.s32 $0xFFFFD800  }
0x2d: {  	[tilespmem:s0], [sflag:$0x3] =	stream.linear.gather [hbm4b:s12+s3], $0x2800, $0x38;
	[tilespmem:$0x1B800] =	vst v63  }
0x2e: {  	_ =	swait.ge [sflag:s16], $0x2800  }
0x2f: {  	[sflag:s16] =	ssyncset.done $0x0  }
0x30: {  	[sflag:s16] =	ssyncadd.s32 $0xFFFFD800  }
0x31: {  	[bflag:$0x0] =	sbarrier.arrive $0xFFFF  }
0x32: {  	[tilespmem:s15], [sflag:$0x1] =	stream.indirect.gather [hbm4b:s4+s19], $0x30, s17, s19, $0xb8;
	[tilespmem:$0x1B800] =	vst v63  }
0x33: {  	s18 =	simm.s32 $0x7880;
	s1 =	simm.s32 $0xE000  }
0x34: {  	[tilespmem:s1], [sflag:$0x1] =	stream.indirect.gather [hbm4b:s4+s19], $0x30, s18, s19, $0xb8;
	[tilespmem:$0x1B800] =	vst v63  }
0x35: {  	s20 =	simm.s32 $0x7900;
	s21 =	simm.s32 $0xF800  }
0x36: {  	[tilespmem:s21], [sflag:$0x1] =	stream.indirect.gather [hbm4b:s4+s19], $0x30, s20, s19, $0xb8;
	[tilespmem:$0x1B800] =	vst v63  }
0x37: {  	s1 =	simm.s32 $0x7980;
	s18 =	simm.s32 $0x11000  }
0x38: {  	[tilespmem:s18], [sflag:$0x1] =	stream.indirect.gather [hbm4b:s4+s19], $0x30, s1, s19, $0xb8;
	[tilespmem:$0x1B800] =	vst v63  }
0x39: {  	s20 =	simm.s32 $0x7A00;
	s21 =	simm.s32 $0x12800  }
0x3a: {  	[tilespmem:s21], [sflag:$0x1] =	stream.indirect.gather [hbm4b:s4+s19], $0x30, s20, s19, $0xb8;
	[tilespmem:$0x1B800] =	vst v63  }
0x3b: {  	_ =	swait.ge [sflag:s29], $0x1800  }
0x3c: {  	[sflag:s29] =	ssyncset.done $0x0  }
0x3d: {  	[sflag:s29] =	ssyncadd.s32 $0xFFFFE800  }
0x3e: {  	_ =	swait.ge [sflag:s29], $0x1800  }
0x3f: {  	[sflag:s29] =	ssyncset.done $0x0  }
0x40: {  	[sflag:s29] =	ssyncadd.s32 $0xFFFFE800  }
0x41: {  	_ =	swait.ge [sflag:s29], $0x1800  }
0x42: {  	[sflag:s29] =	ssyncset.done $0x0  }
0x43: {  	[sflag:s29] =	ssyncadd.s32 $0xFFFFE800  }
0x44: {  	_ =	swait.ge [sflag:s29], $0x1800  }
0x45: {  	s28 =	sand.u32 $0x1, s3;
	[sflag:s29] =	ssyncset.done $0x0  }
0x46: {  	s31 =	smul.u32 $0x1E000, s28;
	[sflag:s29] =	ssyncadd.s32 $0xFFFFE800  }
0x47: {  	_ =	swait.ge [sflag:s29], $0x1800  }
0x48: {  	s31 =	sshrl.u32 s31, $0x2;
	[sflag:s29] =	ssyncset.done $0x0  }
0x49: {  	s0 =	sadd.s32 $0xC800, s31;
	s18 =	simm.s32 $0xA000;
	[sflag:s29] =	ssyncadd.s32 $0xFFFFE800  }
0x4a: {  	[spmem:s2] =	stream.indirect.scatter.add.f32 [tilespmem:s0], [sflag:$0x2], $0x30, s18, s19, $0xb8;
	[tilespmem:$0x1B800] =	vst v63  }
0x4b: {  	s20 =	sadd.s32 $0xE000, s31;
	s21 =	simm.s32 $0xA080  }
0x4c: {  	[spmem:s2] =	stream.indirect.scatter.add.f32 [tilespmem:s20], [sflag:$0x2], $0x30, s21, s19, $0xb8;
	[tilespmem:$0x1B800] =	vst v63  }
0x4d: {  	s18 =	sxor.u32 $0x1, s28;
	s28 =	simm.s32 $0xA100;
	s20 =	sadd.s32 $0xF800, s31  }
0x4e: {  	[spmem:s2] =	stream.indirect.scatter.add.f32 [tilespmem:s20], [sflag:$0x2], $0x30, s28, s19, $0xb8;
	[tilespmem:$0x1B800] =	vst v63  }
0x4f: {  	s0 =	smul.u32 $0x1E000, s18;
	s21 =	sadd.s32 $0x11000, s31;
	s28 =	simm.s32 $0xA180  }
0x50: {  	[spmem:s2] =	stream.indirect.scatter.add.f32 [tilespmem:s21], [sflag:$0x2], $0x30, s28, s19, $0xb8;
	[tilespmem:$0x1B800] =	vst v63  }
0x51: {  	s18 =	sadd.s32 $0x12800, s31;
	s0 =	sshrl.u32 s0, $0x2;
	s28 =	simm.s32 $0xA200  }
0x52: {  	[spmem:s2] =	stream.indirect.scatter.add.f32 [tilespmem:s18], [sflag:$0x2], $0x30, s28, s19, $0xb8;
	[tilespmem:$0x1B800] =	vst v63  }
0x53: {  	s20 =	sadd.s32 $0xC800, s0;
	s28 =	simm.s32 $0x7A80  }
0x54: {  	[tilespmem:s20], [sflag:$0x1] =	stream.indirect.gather [hbm4b:s4+s19], $0x30, s28, s19, $0xb8;
	[tilespmem:$0x1B800] =	vst v63  }
0x55: {  	s21 =	sadd.s32 $0xE000, s0;
	s28 =	simm.s32 $0x7B00  }
0x56: {  	[tilespmem:s21], [sflag:$0x1] =	stream.indirect.gather [hbm4b:s4+s19], $0x30, s28, s19, $0xb8;
	[tilespmem:$0x1B800] =	vst v63  }
0x57: {  	s18 =	sadd.s32 $0xF800, s0;
	s28 =	simm.s32 $0x7B80  }
0x58: {  	[tilespmem:s18], [sflag:$0x1] =	stream.indirect.gather [hbm4b:s4+s19], $0x30, s28, s19, $0xb8;
	[tilespmem:$0x1B800] =	vst v63  }
0x59: {  	s20 =	sadd.s32 $0x11000, s0;
	s28 =	simm.s32 $0x7C00  }
0x5a: {  	[tilespmem:s20], [sflag:$0x1] =	stream.indirect.gather [hbm4b:s4+s19], $0x30, s28, s19, $0xb8;
	[tilespmem:$0x1B800] =	vst v63  }
0x5b: {  	s0 =	sadd.s32 $0x12800, s0;
	s21 =	simm.s32 $0x7C80  }
0x5c: {  	[tilespmem:s0], [sflag:$0x1] =	stream.indirect.gather [hbm4b:s4+s19], $0x30, s21, s19, $0xb8;
	[tilespmem:$0x1B800] =	vst v63  }
0x5d: {  	_ =	swait.ge [sflag:s30], $0x1800  }
0x5e: {  	[sflag:s30] =	ssyncset.done $0x0  }
0x5f: {  	[sflag:s30] =	ssyncadd.s32 $0xFFFFE800  }
0x60: {  	_ =	swait.ge [sflag:s30], $0x1800  }
0x61: {  	[sflag:s30] =	ssyncset.done $0x0  }
0x62: {  	[sflag:s30] =	ssyncadd.s32 $0xFFFFE800  }
0x63: {  	_ =	swait.ge [sflag:s30], $0x1800  }
0x64: {  	[sflag:s30] =	ssyncset.done $0x0  }
0x65: {  	[sflag:s30] =	ssyncadd.s32 $0xFFFFE800  }
0x66: {  	_ =	swait.ge [sflag:s30], $0x1800  }
0x67: {  	[sflag:s30] =	ssyncset.done $0x0  }
0x68: {  	[sflag:s30] =	ssyncadd.s32 $0xFFFFE800  }
0x69: {  	_ =	swait.ge [sflag:s30], $0x1800  }
0x6a: {  	s31 =	simm.s32 $0x0;
	s28 =	simm.s32 $0xA00;
	[sflag:s30] =	ssyncset.done $0x0  }
.LBB2_2:
0x6b: {  	p0 =	sne.s32 s28, $0x8C00;
	s31 =	sadd.s32 $0x1, s31;
	[sflag:s30] =	ssyncadd.s32 $0xFFFFE800  }
0x6c: {  	s0 =	smov.u32 s28;
	s28 =	sadd.s32 $0xA00, s28;
	_ =	swait.ge [sflag:s29], $0x1800  }
0x6d: {  	[sflag:s29] =	ssyncset.done $0x0  }
0x6e: {  	[sflag:s29] =	ssyncadd.s32 $0xFFFFE800  }
0x6f: {  	_ =	swait.ge [sflag:s29], $0x1800  }
0x70: {  	[sflag:s29] =	ssyncset.done $0x0  }
0x71: {  	[sflag:s29] =	ssyncadd.s32 $0xFFFFE800  }
0x72: {  	_ =	swait.ge [sflag:s29], $0x1800  }
0x73: {  	[sflag:s29] =	ssyncset.done $0x0  }
0x74: {  	[sflag:s29] =	ssyncadd.s32 $0xFFFFE800  }
0x75: {  	_ =	swait.ge [sflag:s29], $0x1800  }
0x76: {  	s1 =	sand.u32 $0x1, s31;
	[sflag:s29] =	ssyncset.done $0x0  }
0x77: {  	s18 =	smul.u32 $0x1E000, s1;
	s1 =	sxor.u32 $0x1, s1;
	[sflag:s29] =	ssyncadd.s32 $0xFFFFE800  }
0x78: {  	s1 =	smul.u32 $0x1E000, s1;
	_ =	swait.ge [sflag:s29], $0x1800  }
0x79: {  	s0 =	sshra.s32 s0, $0x2;
	s18 =	sshrl.u32 s18, $0x2;
	[sflag:s29] =	ssyncset.done $0x0  }
0x7a: {  	s21 =	sadd.s32 $0xA000, s0;
	s20 =	sadd.s32 $0xC800, s18;
	[sflag:s29] =	ssyncadd.s32 $0xFFFFE800  }
0x7b: {  	[spmem:s2] =	stream.indirect.scatter.add.f32 [tilespmem:s20], [sflag:$0x2], $0x30, s21, s19, $0xb8;
	[tilespmem:$0x1B800] =	vst v63  }
0x7c: {  	s1 =	sshrl.u32 s1, $0x2;
	s20 =	sadd.s32 $0xE000, s18;
	s21 =	sadd.s32 $0xA080, s0  }
0x7d: {  	[spmem:s2] =	stream.indirect.scatter.add.f32 [tilespmem:s20], [sflag:$0x2], $0x30, s21, s19, $0xb8;
	[tilespmem:$0x1B800] =	vst v63  }
0x7e: {  	s20 =	sadd.s32 $0xF800, s18;
	s21 =	sadd.s32 $0xA100, s0  }
0x7f: {  	[spmem:s2] =	stream.indirect.scatter.add.f32 [tilespmem:s20], [sflag:$0x2], $0x30, s21, s19, $0xb8;
	[tilespmem:$0x1B800] =	vst v63  }
0x80: {  	s20 =	sadd.s32 $0x11000, s18;
	s21 =	sadd.s32 $0xA180, s0  }
0x81: {  	[spmem:s2] =	stream.indirect.scatter.add.f32 [tilespmem:s20], [sflag:$0x2], $0x30, s21, s19, $0xb8;
	[tilespmem:$0x1B800] =	vst v63  }
0x82: {  	s18 =	sadd.s32 $0x12800, s18;
	s20 =	sadd.s32 $0xA200, s0  }
0x83: {  	[spmem:s2] =	stream.indirect.scatter.add.f32 [tilespmem:s18], [sflag:$0x2], $0x30, s20, s19, $0xb8;
	[tilespmem:$0x1B800] =	vst v63  }
0x84: {  	s18 =	sadd.s32 $0xC800, s1;
	s20 =	sadd.s32 $0x7A80, s0  }
0x85: {  	[tilespmem:s18], [sflag:$0x1] =	stream.indirect.gather [hbm4b:s4+s19], $0x30, s20, s19, $0xb8;
	[tilespmem:$0x1B800] =	vst v63  }
0x86: {  	s18 =	sadd.s32 $0xE000, s1;
	s20 =	sadd.s32 $0x7B00, s0  }
0x87: {  	[tilespmem:s18], [sflag:$0x1] =	stream.indirect.gather [hbm4b:s4+s19], $0x30, s20, s19, $0xb8;
	[tilespmem:$0x1B800] =	vst v63  }
0x88: {  	s18 =	sadd.s32 $0xF800, s1;
	s20 =	sadd.s32 $0x7B80, s0  }
0x89: {  	[tilespmem:s18], [sflag:$0x1] =	stream.indirect.gather [hbm4b:s4+s19], $0x30, s20, s19, $0xb8;
	[tilespmem:$0x1B800] =	vst v63  }
0x8a: {  	s18 =	sadd.s32 $0x11000, s1;
	s20 =	sadd.s32 $0x7C00, s0  }
0x8b: {  	[tilespmem:s18], [sflag:$0x1] =	stream.indirect.gather [hbm4b:s4+s19], $0x30, s20, s19, $0xb8;
	[tilespmem:$0x1B800] =	vst v63  }
0x8c: {  	s1 =	sadd.s32 $0x12800, s1;
	s0 =	sadd.s32 $0x7C80, s0  }
0x8d: {  	[tilespmem:s1], [sflag:$0x1] =	stream.indirect.gather [hbm4b:s4+s19], $0x30, s0, s19, $0xb8;
	[tilespmem:$0x1B800] =	vst v63  }
0x8e: {  	_ =	swait.ge [sflag:s30], $0x1800  }
0x8f: {  	[sflag:s30] =	ssyncset.done $0x0  }
0x90: {  	[sflag:s30] =	ssyncadd.s32 $0xFFFFE800  }
0x91: {  	_ =	swait.ge [sflag:s30], $0x1800  }
0x92: {  	[sflag:s30] =	ssyncset.done $0x0  }
0x93: {  	[sflag:s30] =	ssyncadd.s32 $0xFFFFE800  }
0x94: {  	_ =	swait.ge [sflag:s30], $0x1800  }
0x95: {  	[sflag:s30] =	ssyncset.done $0x0  }
0x96: {  	[sflag:s30] =	ssyncadd.s32 $0xFFFFE800  }
.Ltmp0:
0x97: {  	_ =	swait.ge [sflag:s30], $0x1800;
	(pc) =	sbr.rel @p0 .LBB2_2-.Ltmp0, $4  }
0x98: {  	[sflag:s30] =	ssyncset.done $0x0  }
0x99: {  	[sflag:s30] =	ssyncadd.s32 $0xFFFFE800  }
0x9a: {  	_ =	swait.ge [sflag:s30], $0x1800  }
0x9b: {  	[sflag:s30] =	ssyncset.done $0x0  }
0x9c: {  	[sflag:s30] =	ssyncadd.s32 $0xFFFFE800  }
0x9d: {  	_ =	swait.ge [sflag:s29], $0x1800  }
0x9e: {  	[sflag:s29] =	ssyncset.done $0x0  }
0x9f: {  	[sflag:s29] =	ssyncadd.s32 $0xFFFFE800  }
0xa0: {  	_ =	swait.ge [sflag:s29], $0x1800  }
0xa1: {  	[sflag:s29] =	ssyncset.done $0x0  }
0xa2: {  	[sflag:s29] =	ssyncadd.s32 $0xFFFFE800  }
0xa3: {  	_ =	swait.ge [sflag:s29], $0x1800  }
0xa4: {  	[sflag:s29] =	ssyncset.done $0x0  }
0xa5: {  	[sflag:s29] =	ssyncadd.s32 $0xFFFFE800  }
0xa6: {  	_ =	swait.ge [sflag:s29], $0x1800  }
0xa7: {  	[sflag:s29] =	ssyncset.done $0x0  }
0xa8: {  	[sflag:s29] =	ssyncadd.s32 $0xFFFFE800  }
0xa9: {  	_ =	swait.ge [sflag:s29], $0x1800  }
0xaa: {  	[sflag:s29] =	ssyncset.done $0x0  }
0xab: {  	s0 =	simm.s32 $0xC580;
	s1 =	simm.s32 $0x14000;
	[sflag:s29] =	ssyncadd.s32 $0xFFFFE800  }
0xac: {  	[spmem:s2] =	stream.indirect.scatter.add.f32 [tilespmem:s1], [sflag:$0x2], $0x30, s0, s19, $0xb8;
	[tilespmem:$0x1B800] =	vst v63  }
0xad: {  	s18 =	simm.s32 $0x15800;
	s1 =	simm.s32 $0xC600  }
0xae: {  	[spmem:s2] =	stream.indirect.scatter.add.f32 [tilespmem:s18], [sflag:$0x2], $0x30, s1, s19, $0xb8;
	[tilespmem:$0x1B800] =	vst v63  }
0xaf: {  	s20 =	simm.s32 $0xC680;
	s21 =	simm.s32 $0x17000  }
0xb0: {  	[spmem:s2] =	stream.indirect.scatter.add.f32 [tilespmem:s21], [sflag:$0x2], $0x30, s20, s19, $0xb8;
	[tilespmem:$0x1B800] =	vst v63  }
0xb1: {  	_ = 	snop  }
0xb2: {  	[spmem:s2] =	stream.indirect.scatter.add.f32 [tilespmem:s23], [sflag:$0x2], $0x30, s22, s19, $0xb8;
	[tilespmem:$0x1B800] =	vst v63  }
0xb3: {  	_ = 	snop  }
0xb4: {  	[spmem:s2] =	stream.indirect.scatter.add.f32 [tilespmem:s25], [sflag:$0x2], $0x30, s24, s19, $0xb8;
	[tilespmem:$0x1B800] =	vst v63  }
0xb5: {  	_ =	swait.ge [sflag:s30], $0x1800  }
0xb6: {  	[sflag:s30] =	ssyncset.done $0x0  }
0xb7: {  	[sflag:s30] =	ssyncadd.s32 $0xFFFFE800  }
0xb8: {  	_ =	swait.ge [sflag:s30], $0x1800  }
0xb9: {  	[sflag:s30] =	ssyncset.done $0x0  }
0xba: {  	[sflag:s30] =	ssyncadd.s32 $0xFFFFE800  }
0xbb: {  	_ =	swait.ge [sflag:s30], $0x1800  }
0xbc: {  	[sflag:s30] =	ssyncset.done $0x0  }
0xbd: {  	[sflag:s30] =	ssyncadd.s32 $0xFFFFE800  }
0xbe: {  	_ =	swait.ge [sflag:s30], $0x1800  }
0xbf: {  	[sflag:s30] =	ssyncset.done $0x0  }
0xc0: {  	[sflag:s30] =	ssyncadd.s32 $0xFFFFE800  }
0xc1: {  	s28 =	stileid.u32;
	_ =	swait.ge [sflag:s30], $0x1800  }
0xc2: {  	s31 =	sshrl.u32 s6, $0x3;
	s26 =	sadd.s32 $0x1, s26;
	[sflag:s30] =	ssyncset.done $0x0  }
0xc3: {  	p0 =	sne.s32 s26, s14;
	s0 =	sshll.u32 s28, $0x6;
	[sflag:s30] =	ssyncadd.s32 $0xFFFFE800  }
.Ltmp1:
0xc4: {  	s0 =	sor.u32 $0x1C03, s0;
	[bflag:$0x0] =	sbarrier.arrive $0xFFFF;
	(pc) =	sbr.rel @p0 .LBB2_1-.Ltmp1, $4  }
0xc5: {  	[hbm:s13], [sflag:s0] =	dma.local [spmem:s31], $0xF00  }
0xc6: {  	_ =	swait.ge [sflag:s16], $0xF00  }
0xc7: {  	[sflag:s16] =	ssyncset.done $0x0  }
0xc8: {  	[sflag:s16] =	ssyncadd.s32 $0xFFFFF100  }
0xc9: {  	_ =	sfence.sel $0x180000  }
0xca: {  	[bflag:$0x0] =	sbarrier.arrive $0xFFFF  }
0xcb: {  	_ =	strace $0x9000004D  }
0xcc: {  	s0 =	stileid.u32;
	[bflag:$0x2] =	sbarrier.arrive $0xFFFF  }
0xcd: {  	p0 =	sne.s32 s0, $0x0;
	s0 =	rddreg [dreg:$0x3]  }
0xce: {  	s0 =	sadd.s32 @!p0 $0x100000, s0  }
0xcf: {  	[sflag:s0] =	ssyncadd.tile.s32 @!p0 $0x1;
	_ =	shalt  }
.Lfunc_end2:
_tile_overlayer_lowered:
.L_overlay_start_2:
0xd0: {  	(tag) =	ssettag $0x2  }
0xd1: {  	s0 =	rddreg [dreg:$0x0];
	s2 =	stileid.u32  }
0xd2: {  	s1 =	rddreg [dreg:$0x1];
	p0 =	sne.s32 s2, $0x0  }
0xd3: {  	s3 =	rddreg [dreg:$0x2];
	[bflag:$0x3] =	sbarrier.arrive $0xFFFF;
	s2 =	simm.s32 @!p0 $0x1C03  }
0xd4: {  	[timem:s3], [sflag:s2] =	dma.local @!p0 [hbm:s0], s1  }
0xd5: {  	s0 =	simm.s32 @!p0 $0x3  }
0xd6: {  	_ =	swait.ge @!p0 [sflag:s0], s1  }
0xd7: {  	s1 =	ssub.s32 @!p0 $0x0, s1;
	[sflag:s0] =	ssyncset.done @!p0 $0x0  }
0xd8: {  	[sflag:s0] =	ssyncadd.s32 @!p0 s1  }
0xd9: {  	[bflag:$0x3] =	sbarrier.arrive $0xFFFF  }
0xda: {  	_ =	shalt  }

// kernel: kernel.8.cloned.1.call-start
scs
__scs_entry_jumppad:
0x0: {  	(pc) =	sbr.rel $0x88, $3  }
0x1: {  	(tag) =	ssettag $0x0;
	lr =	simm.s32 $0x1  }
0x2: {  	[smem:$0x3F9D] =	sst lr;
	_ =	strace $0xD0000000  }
0x3: {  	_ = 	snop  }
0x4: {  	_ = 	snop  }
0x5: {  	_ = 	snop  }
0x6: {  	_ = 	snop  }
0x7: {  	_ = 	snop  }
__scs_overlays_trampoline_lowered:
0x8: {  	[smem:$0x3FAC] =	sst s0  }
0x9: {  	[smem:$0x3FAD] =	sst s1  }
0xa: {  	[smem:$0x3FAE] =	sst s2  }
0xb: {  	[smem:$0x3FAF] =	sst s3  }
0xc: {  	[smem:$0x3FB0] =	sst s4  }
0xd: {  	[smem:$0x3FB1] =	sst s5  }
0xe: {  	[smem:$0x3FB2] =	sst s6  }
0xf: {  	[smem:$0x3FB3] =	sst s7  }
0x10: {  	[smem:$0x3FB4] =	sst s8  }
0x11: {  	[smem:$0x3FB5] =	sst s9;
	s0 =	simm.s32 @!p0 $0x0  }
0x12: {  	s1 =	sld [smem:$0x3F9B];
	s0 =	simm.s32 @p0 $0x1  }
0x13: {  	[smem:$0x3FB6] =	sst s0;
	s0 =	simm.s32 @!p1 $0x0  }
0x14: {  	s2 =	sld [smem:$0x3F9A];
	s0 =	simm.s32 @p1 $0x1  }
0x15: {  	[smem:$0x3FB7] =	sst s0;
	s0 =	simm.s32 @!p2 $0x0  }
0x16: {  	s3 =	sld [smem:$0x3FDB];
	s0 =	simm.s32 @p2 $0x1  }
0x17: {  	s4 =	simm.s32 $0x1BF5;
	[smem:$0x3FB9] =	sst s0  }
0x18: {  	s0 =	sld [smem:$0x3F9C];
	_ =	swait.ge [sflag:s4], $0x0  }
0x19: {  	s7 =	sld [smem:$0x3F9D]  }
0x1a: {  	s8 =	sadd.s32 $0xFFFFE003, lr  }
0x1b: {  	s9 =	sadd.s32 $0xFFFFFEF7, lr;
	s5 =	simm.s32 $0xFFFFFFFF;
	p2 =	slt.u32 s8, $0xFFFFF086  }
0x1c: {  	p1 =	slt.u32 s9, $0xF7A;
	s5 =	simm.s32 @!p2 $0x0  }
0x1d: {  	s5 =	simm.s32 @p1 $0x1;
	p0 =	seq.s32 s7, s2  }
0x1e: {  	s7 =	smul.u32 @!p0 $0xF7A, s2;
	p2 =	seq.s32 @!p0 s5, $0x0  }
0x1f: {  	s9 =	smul.u32 $0xF7A, s1;
	s8 =	simm.s32 @!p0 $0x1BF5;
	p2 =	por !p2, p0  }
0x20: {  	[sflag:s8] =	ssyncset.s32 @!p0 $0xFFFFF086;
	s6 =	sadd.s32 @!p0 s3, s7;
	s7 =	simm.s32 @!p0 $0x108  }
0x21: {  	s3 =	sadd.s32 s3, s9;
	s6 =	sadd.s32 @!p0 $0x88, s6;
	s7 =	simm.s32 @p2 $0x1082  }
0x22: {  	[simem:s7], [sflag:s8] =	dma.local @!p0 [hbm:s6], $0xF7A  }
0x23: {  	s9 =	sor.u32 $0xD0000000, s2;
	s6 =	simm.s32 $0x108;
	_ =	swait.ge @!p0 [sflag:s8], $0x0  }
0x24: {  	s3 =	sadd.s32 $0x88, s3;
	s6 =	simm.s32 @!p1 $0x1082;
	[sflag:s4] =	ssyncset.s32 $0xFFFFF086  }
0x25: {  	[simem:s6], [sflag:s4] =	dma.local [hbm:s3], $0xF7A  }
0x26: {  	[smem:$0x3F9D] =	sst s1;
	(tag) =	ssettag s2;
	_ =	strace s9  }
0x27: {  	s1 =	sld [smem:$0x3FAD]  }
0x28: {  	s2 =	sld [smem:$0x3FAE]  }
0x29: {  	s4 =	sld [smem:$0x3FB0]  }
0x2a: {  	p0 =	seq.s32 s5, $0x0;
	s5 =	sld [smem:$0x3FB1]  }
0x2b: {  	s6 =	sld [smem:$0x3FB2]  }
0x2c: {  	s7 =	sld [smem:$0x3FB3]  }
0x2d: {  	s3 =	simm.s32 $0x108;
	s8 =	sld [smem:$0x3FB4]  }
0x2e: {  	s3 =	simm.s32 @!p0 $0x1082;
	s9 =	sld [smem:$0x3FB5]  }
0x2f: {  	lr =	sadd.s32 s0, s3;
	s0 =	sld [smem:$0x3FAC]  }
0x30: {  	s3 =	sld [smem:$0x3FAF]  }
0x31: {  	[smem:$0x3FB8] =	sst s10  }
0x32: {  	s10 =	sld [smem:$0x3FB6];
	_ =	sdelay $0x3  }
0x33: {  	p0 =	seq.s32 s10, $0x1;
	s10 =	sld [smem:$0x3FB8];
	_ =	sdelay $0x3  }
0x34: {  	[smem:$0x3FB8] =	sst s10  }
0x35: {  	s10 =	sld [smem:$0x3FB7];
	_ =	sdelay $0x3  }
0x36: {  	p1 =	seq.s32 s10, $0x1;
	s10 =	sld [smem:$0x3FB8];
	_ =	sdelay $0x3  }
0x37: {  	[smem:$0x3FB8] =	sst s10  }
0x38: {  	s10 =	sld [smem:$0x3FB9]  }
0x39: {  	_ = 	snop;
	(pc) =	sbr.ind lr, $3  }
0x3a: {  	_ = 	snop  }
0x3b: {  	_ = 	snop  }
0x3c: {  	p2 =	seq.s32 s10, $0x1;
	s10 =	sld [smem:$0x3FB8]  }
0x3d: {  	_ =	shalt  }
0x3e: {  	_ =	shalt  }
0x3f: {  	_ =	shalt  }
0x40: {  	_ =	shalt  }
0x41: {  	_ =	shalt  }
0x42: {  	_ =	shalt  }
0x43: {  	_ =	shalt  }
0x44: {  	_ =	shalt  }
0x45: {  	_ =	shalt  }
0x46: {  	_ =	shalt  }
0x47: {  	_ =	shalt  }
0x48: {  	_ =	shalt  }
0x49: {  	_ =	shalt  }
0x4a: {  	_ =	shalt  }
0x4b: {  	_ =	shalt  }
0x4c: {  	_ =	shalt  }
0x4d: {  	_ =	shalt  }
0x4e: {  	_ =	shalt  }
0x4f: {  	_ =	shalt  }
0x50: {  	_ =	shalt  }
0x51: {  	_ =	shalt  }
0x52: {  	_ =	shalt  }
0x53: {  	_ =	shalt  }
0x54: {  	_ =	shalt  }
0x55: {  	_ =	shalt  }
0x56: {  	_ =	shalt  }
0x57: {  	_ =	shalt  }
0x58: {  	_ =	shalt  }
0x59: {  	_ =	shalt  }
0x5a: {  	_ =	shalt  }
0x5b: {  	_ =	shalt  }
0x5c: {  	_ =	shalt  }
0x5d: {  	_ =	shalt  }
0x5e: {  	_ =	shalt  }
0x5f: {  	_ =	shalt  }
0x60: {  	_ =	shalt  }
0x61: {  	_ =	shalt  }
0x62: {  	_ =	shalt  }
0x63: {  	_ =	shalt  }
0x64: {  	_ =	shalt  }
0x65: {  	_ =	shalt  }
0x66: {  	_ =	shalt  }
0x67: {  	_ =	shalt  }
0x68: {  	_ =	shalt  }
0x69: {  	_ =	shalt  }
0x6a: {  	_ =	shalt  }
0x6b: {  	_ =	shalt  }
0x6c: {  	_ =	shalt  }
0x6d: {  	_ =	shalt  }
0x6e: {  	_ =	shalt  }
0x6f: {  	_ =	shalt  }
0x70: {  	_ =	shalt  }
0x71: {  	_ =	shalt  }
0x72: {  	_ =	shalt  }
0x73: {  	_ =	shalt  }
0x74: {  	_ =	shalt  }
0x75: {  	_ =	shalt  }
0x76: {  	_ =	shalt  }
0x77: {  	_ =	shalt  }
0x78: {  	_ =	shalt  }
0x79: {  	_ =	shalt  }
0x7a: {  	_ =	shalt  }
0x7b: {  	_ =	shalt  }
0x7c: {  	_ =	shalt  }
0x7d: {  	_ =	shalt  }
0x7e: {  	_ =	shalt  }
0x7f: {  	_ =	shalt  }
0x80: {  	_ =	shalt  }
0x81: {  	_ =	shalt  }
0x82: {  	_ =	shalt  }
0x83: {  	_ =	shalt  }
0x84: {  	_ =	shalt  }
0x85: {  	_ =	shalt  }
0x86: {  	_ =	shalt  }
0x87: {  	_ =	shalt  }
.Lfunc_end0:
.L_simem_size_0:
called_computation_lowered:
.L_overlay_start_0:
0x88: {  	s2 =	sld [smem:$0x3FD9]  }
0x89: {  	s3 =	sld [smem:$0x3FFE];
	_ =	sdelay $0x1  }
0x8a: {  	s1 =	srdreg.scid  }
0x8b: {  	s0 =	sand.u32 $0x1, s1  }
0x8c: {  	s17 =	sshll.u32 s0, $0xA;
	s2 =	sadd.s32 s3, s2  }
0x8d: {  	s2 =	sadd.s32 s2, s17  }
0x8e: {  	[smem:$0x3FC4] =	sst s2  }
0x8f: {  	_ = 	snop  }
0x90: {  	s2 =	sld [smem:$0x3FD0];
	(tm) =	ssettm $0x1  }
0x91: {  	s18 =	sld [smem:$0x3FFB];
	_ =	sdelay $0x3  }
0x92: {  	_ =	strace s18  }
0x93: {  	s3 =	sld [smem:$0x3FFC];
	_ =	sdelay $0x3  }
0x94: {  	_ =	strace s3  }
0x95: {  	s3 =	sld [smem:$0x3FFD];
	_ =	sdelay $0x3  }
0x96: {  	_ =	strace s3  }
0x97: {  	_ =	strace $0x8FFFFFFF  }
0x98: {  	s19 =	sld [smem:$0x3FDB];
	_ =	sdelay $0x1  }
0x99: {  	s4 =	simm.s32 $_scs_section_size  }
0x9a: {  	s5 =	simm.s32 $_size__tile_overlayer_lowered;
	s6 =	simm.s32 $_tile_overlayer_lowered  }
0x9b: {  	s22 =	simm.s32 $0x1BFF;
	s21 =	sshll.u32 s6, $0x1;
	s3 =	sadd.s32 s4, s19  }
0x9c: {  	s7 =	simm.s32 $0x0;
	s20 =	sshll.u32 s5, $0x1;
	s5 =	sadd.s32 s21, s3  }
0x9d: {  	[timem:s7], [sflag:s22] =	dma.local [hbm:s5], s20  }
0x9e: {  	_ =	swait.ge [sflag:s22], s20  }
0x9f: {  	s4 =	ssub.s32 $0x0, s20;
	[sflag:s22] =	ssyncset.done $0x0  }
0xa0: {  	[sflag:s22] =	ssyncadd.s32 s4;
	_ =	sdelay $0x1  }
0xa1: {  	s23 =	simm.s32 $0x1B8B  }
0xa2: {  	_ =	swait.ge [sflag:s23], $0x1  }
0xa3: {  	[sflag:s23] =	ssyncset.done $0x0  }
0xa4: {  	s25 =	simm.s32 $0x1B8E;
	s24 =	sld [smem:$0x3FFE];
	[sflag:s23] =	ssyncadd.s32 $0xFFFFFFFF  }
0xa5: {  	s26 =	simm.s32 $execute0_lowered;
	[smem:$0x3FD2] =	sst s25  }
0xa6: {  	s5 =	sshll.u32 s26, $0x1;
	_ =	strace $0x80000046;
	[dreg:$0x1] =	wrdreg $0xFFFFFFFF  }
0xa7: {  	s28 =	simm.s32 $_size_execute0_lowered;
	s3 =	sadd.s32 s3, s5;
	[dreg:$0x0] =	wrdreg $0x0  }
0xa8: {  	s5 =	sshll.u32 s28, $0x1;
	[dreg:$0x2] =	wrdreg s3  }
0xa9: {  	[dreg:$0x3] =	wrdreg s5  }
0xaa: {  	[dreg:$0x4] =	wrdreg $0xC0  }
0xab: {  	_ =	task [dreg:s7], $0x5FFFF  }
0xac: {  	[dreg:$0x1] =	wrdreg $0xFFFFFFFF  }
0xad: {  	[dreg:$0x0] =	wrdreg $0x60  }
0xae: {  	[dreg:$0x2] =	wrdreg s2  }
0xaf: {  	[dreg:$0x3] =	wrdreg s24  }
0xb0: {  	[dreg:$0x4] =	wrdreg $0x0  }
0xb1: {  	[dreg:$0x5] =	wrdreg $0x9  }
0xb2: {  	_ =	task.clear_ibuf [dreg:s7], $0x6FFFF;
	_ =	strace $0x90000046  }
0xb3: {  	s29 =	simm.s32 $0x9;
	_ =	strace $0x80000048  }
0xb4: {  	_ =	swait.ge [sflag:s29], $0x1  }
0xb5: {  	[sflag:s29] =	ssyncadd.s32 $0xFFFFFFFF  }
0xb6: {  	_ =	strace $0x90000048  }
0xb7: {  	_ =	sfence  }
0xb8: {  	s30 =	sld [smem:$0x0];
	_ =	sdelay $0x2  }
0xb9: {  	s31 =	sshll.u32 s1, $0xD;
	s1 =	sshrl.u32 s1, $0x2  }
0xba: {  	s3 =	sand.u32 $0x4000, s31;
	s1 =	sadd.s32 s1, s30  }
0xbb: {  	s0 =	sor.u32 s3, s0;
	s1 =	sshll.u32 s1, $0x11  }
0xbc: {  	s0 =	sor.u32 s1, s0  }
0xbd: {  	s0 =	sadd.s32 $0x8F2B, s0  }
0xbe: {  	[sflag:s0] =	ssyncadd.remote.s32 $0x1  }
0xbf: {  	_ =	sfence.sel $0xFFFF  }
0xc0: {  	[dreg:$0x0] =	wrdreg $0xFFFFFFFF;
	(pc) =	sbr.abs _section_cstart, $3  }
0xc1: {  	[dreg:$0x1] =	wrdreg $0xFFFFFFFF  }
0xc2: {  	_ =	task.clear_ibuf [dreg:s7], $0x2FFFF;
	_ =	strace $0x9FFFFFFF  }
0xc3: {  	(tm) =	ssettm $0x7FFFFFFF  }
tec
execute0_lowered:
.L_overlay_start_1:
0x0: {  	(tag) =	ssettag $0x1  }
0x1: {  	s7 =	rddreg [dreg:$0x0]  }
0x2: {  	s6 =	rddreg [dreg:$0x1]  }
0x3: {  	s2 =	rddreg [dreg:$0x2]  }
0x4: {  	s0 =	rddreg [dreg:$0x3];
	s3 =	simm.s32 $0x0;
	s4 =	srdreg.scid  }
0x5: {  	s1 =	stileid.u32;
	s13 =	simm.s32 $0x2800;
	s14 =	simm.s32 $0x80  }
0x6: {  	s17 =	simm.s32 $0x0;
	[smem:$0x7FF] =	sst s3;
	s8 =	sand.u32 $0x1, s4  }
0x7: {  	s9 =	smul.u32 $0x1400, s1;
	s4 =	sadd.s32 $0x1200, s6;
	s5 =	sadd.s32 $0x1600, s6  }
0x8: {  	s15 =	sshll.u32 s1, $0x6;
	s10 =	smul.u32 $0x14000, s8;
	s11 =	sshll.u32 s8, $0x4  }
0x9: {  	_ =	strace $0x80000047;
	s8 =	ssub.s32 $0x2, s8;
	s11 =	sor.u32 s1, s11  }
0xa: {  	s12 =	sshrl.u32 s8, $0x1;
	s10 =	sadd.s32 s9, s10;
	s11 =	smul.u32 $0x500, s11  }
0xb: {  	s15 =	sor.u32 $0x1C01, s15;
	s12 =	ssub.s32 s8, s12;
	s10 =	sshrl.u32 s10, $0x3  }
0xc: {  	s10 =	sadd.s32 s10, s6;
	s6 =	sadd.s32 s9, s2;
	s7 =	sadd.s32 s7, s11  }
0xd: {  	s9 =	smax.u32 s12, $0x1;
	s11 =	simm.s32 $0x1;
	s12 =	simm.s32 $0x5000  }
0xe: {  	s8 =	sadd.s32 $0x1800, s10;
	s10 =	simm.s32 $0x1400;
	s16 =	sshrl.u32 s6, $0x3  }
.LBB2_1:
0xf: {  	[tilespmem:s10], [sflag:$0x1] =	stream.linear.gather [hbm4b:s4+s3], $0x1400, $0x38;
	[tilespmem:$0x5400] =	vst v63  }
0x10: {  	_ =	swait.ge [sflag:s11], $0x1400  }
0x11: {  	[sflag:s11] =	ssyncset.done $0x0  }
0x12: {  	[sflag:s11] =	ssyncadd.s32 $0xFFFFEC00  }
0x13: {  	[spmem:s6] =	stream.linear.scatter [tilespmem:s10], [sflag:$0x1], $0x1400, $0x38;
	[tilespmem:$0x5400] =	vst v63  }
0x14: {  	_ =	swait.ge [sflag:s11], $0x1400  }
0x15: {  	[sflag:s11] =	ssyncset.done $0x0  }
0x16: {  	[sflag:s11] =	ssyncadd.s32 $0xFFFFEC00  }
0x17: {  	[tilespmem:s12], [sflag:$0x1] =	stream.linear.gather [hbm4b:s5+s3], $0x400, $0x38;
	[tilespmem:$0x5400] =	vst v63  }
0x18: {  	_ =	swait.ge [sflag:s11], $0x400  }
0x19: {  	[sflag:s11] =	ssyncset.done $0x0  }
0x1a: {  	[sflag:s11] =	ssyncadd.s32 $0xFFFFFC00  }
0x1b: {  	[tilespmem:s13], [sflag:$0x1] =	stream.linear.gather [hbm4b:s7+s3], $0x2800, $0x38;
	[tilespmem:$0x5400] =	vst v63  }
0x1c: {  	_ =	swait.ge [sflag:s11], $0x2800  }
0x1d: {  	[sflag:s11] =	ssyncset.done $0x0  }
0x1e: {  	[sflag:s11] =	ssyncadd.s32 $0xFFFFD800  }
0x1f: {  	s18 =	simm.s32 $0x2800;
	[bflag:$0x0] =	sbarrier.arrive $0xFFFF  }
0x20: {  	[spmem:s2] =	stream.indirect.scatter.add.f32 [tilespmem:s12], [sflag:$0x1], $0x8, s18, s14, $0xb8;
	[tilespmem:$0x5400] =	vst v63  }
0x21: {  	s18 =	simm.s32 $0x200;
	_ =	swait.ge [sflag:s11], $0x400  }
.LBB2_2:
0x22: {  	s19 =	sshra.s32 s18, $0x2;
	[sflag:s11] =	ssyncset.done $0x0;
	p0 =	sne.s32 s18, $0x9E00  }
.Ltmp0:
0x23: {  	s19 =	sadd.s32 $0x2800, s19;
	[sflag:s11] =	ssyncadd.s32 $0xFFFFFC00;
	(pc) =	sbr.rel @p0 .LBB2_2-.Ltmp0, $3  }
0x24: {  	[spmem:s2] =	stream.indirect.scatter.add.f32 [tilespmem:s12], [sflag:$0x1], $0x8, s19, s14, $0xb8;
	[tilespmem:$0x5400] =	vst v63  }
0x25: {  	s18 =	sadd.s32 $0x200, s18;
	_ =	sdelay $0x1  }
0x26: {  	_ =	swait.ge [sflag:s11], $0x400  }
0x27: {  	[sflag:s11] =	ssyncset.done $0x0;
	s17 =	sadd.s32 $0x1, s17  }
0x28: {  	[sflag:s11] =	ssyncadd.s32 $0xFFFFFC00;
	p0 =	sne.s32 s17, s9  }
.Ltmp1:
0x29: {  	[bflag:$0x0] =	sbarrier.arrive $0xFFFF;
	(pc) =	sbr.rel @p0 .LBB2_1-.Ltmp1, $4  }
0x2a: {  	[hbm:s8], [sflag:s15] =	dma.local [spmem:s16], $0x280  }
0x2b: {  	_ =	swait.ge [sflag:s11], $0x280  }
0x2c: {  	[sflag:s11] =	ssyncset.done $0x0  }
0x2d: {  	[sflag:s11] =	ssyncadd.s32 $0xFFFFFD80  }
0x2e: {  	_ =	sfence.sel $0x180000  }
0x2f: {  	[bflag:$0x0] =	sbarrier.arrive $0xFFFF  }
0x30: {  	p0 =	sne.s32 s1, $0x0;
	_ =	strace $0x90000047  }
0x31: {  	s0 =	sadd.s32 @!p0 $0x100000, s0;
	[bflag:$0x2] =	sbarrier.arrive $0xFFFF  }
0x32: {  	[sflag:s0] =	ssyncadd.tile.s32 @!p0 $0x1;
	_ =	shalt  }
.Lfunc_end2:
_tile_overlayer_lowered:
.L_overlay_start_2:
0x33: {  	(tag) =	ssettag $0x2  }
0x34: {  	s0 =	rddreg [dreg:$0x0];
	s2 =	stileid.u32  }
0x35: {  	s1 =	rddreg [dreg:$0x1];
	p0 =	sne.s32 s2, $0x0  }
0x36: {  	s3 =	rddreg [dreg:$0x2];
	[bflag:$0x3] =	sbarrier.arrive $0xFFFF;
	s2 =	simm.s32 @!p0 $0x1C01  }
0x37: {  	[timem:s3], [sflag:s2] =	dma.local @!p0 [hbm:s0], s1  }
0x38: {  	s0 =	simm.s32 @!p0 $0x1  }
0x39: {  	_ =	swait.ge @!p0 [sflag:s0], s1  }
0x3a: {  	s1 =	ssub.s32 @!p0 $0x0, s1;
	[sflag:s0] =	ssyncset.done @!p0 $0x0  }
0x3b: {  	[sflag:s0] =	ssyncadd.s32 @!p0 s1  }
0x3c: {  	[bflag:$0x3] =	sbarrier.arrive $0xFFFF  }
0x3d: {  	_ =	shalt  }

</sc_bundles>
